<compile_context>
chip_gen: v7x
topology: tpu7x:2x2x1
jax: 0.10.2.dev20260603
libtpu: 0.0.44.dev20260713+nightly
codegen_flags: <defaults>
</compile_context>

<pallas_src>
import functools

import jax
import jax.numpy as jnp
from jax import lax
from jax.experimental import pallas as pl
from jax.experimental.pallas import tpu as pltpu
from jax.experimental.pallas import tpu_sc as plsc

NC = 2
NS = 16
NW = NC * NS
CHUNK = 128


GROUP = 4


def _make_sc_pass(n_nodes, n_ch, n_chunks, with_deg):
  rows_per_tile = n_nodes // NS
  chunks_per_w = n_chunks // NW
  extra = n_chunks - chunks_per_w * NW
  n_grp = chunks_per_w // GROUP
  rem = chunks_per_w - n_grp * GROUP

  out_types = [jax.ShapeDtypeStruct((NC, n_nodes, n_ch), jnp.float32)]
  scratch = [
      pltpu.VMEM_SHARED((n_nodes, n_ch), jnp.float32),
      pltpu.VMEM((rows_per_tile, n_ch), jnp.float32),
      pltpu.VMEM((GROUP, CHUNK, n_ch), jnp.float32),
      pltpu.SemaphoreType.DMA,
      pltpu.SemaphoreType.DMA,
      pltpu.SemaphoreType.DMA,
  ]
  scratch += [pltpu.VMEM((CHUNK,), jnp.int32) for _ in range(2 * GROUP)]
  if with_deg:
    out_types.append(jax.ShapeDtypeStruct((NC, n_nodes, n_ch), jnp.float32))
    scratch += [
        pltpu.VMEM_SHARED((n_nodes, n_ch), jnp.float32),
        pltpu.VMEM((CHUNK, n_ch), jnp.float32),
    ]
  mesh = plsc.VectorSubcoreMesh(
      core_axis_name="c", subcore_axis_name="s", num_cores=NC, num_subcores=NS)

  def body(*refs):
    if with_deg:
      (x_hbm, edges_hbm, zeros_hbm, ones_hbm,
       agg_out, deg_out,
       sp_agg, bounce, rbuf, es, gs, ss, *ibufs) = refs
      sp_deg, ones_v = ibufs[-2:]
      ibufs = ibufs[:-2]
    else:
      (x_hbm, edges_hbm, zeros_hbm,
       agg_out,
       sp_agg, bounce, rbuf, es, gs, ss, *ibufs) = refs
    src_c = ibufs[:GROUP]
    dst_c = ibufs[GROUP:]
    core = lax.axis_index("c")
    sid = lax.axis_index("s")
    wid = sid * NC + core
    sl = pl.ds(sid * rows_per_tile, rows_per_tile)

    pltpu.sync_copy(zeros_hbm, bounce)
    pltpu.sync_copy(bounce, sp_agg.at[sl])
    if with_deg:
      pltpu.sync_copy(bounce, sp_deg.at[sl])
      pltpu.sync_copy(ones_hbm, ones_v)
    plsc.subcore_barrier()

    base = wid * chunks_per_w

    def group_step(i, carry):
      j0 = base + i * GROUP
      eds = []
      for k in range(GROUP):
        eds.append(pltpu.async_copy(
            edges_hbm.at[0, pl.ds((j0 + k) * CHUNK, CHUNK)], src_c[k], es))
        eds.append(pltpu.async_copy(
            edges_hbm.at[1, pl.ds((j0 + k) * CHUNK, CHUNK)], dst_c[k], es))
      for d in eds:
        d.wait()
      gds = [pltpu.async_copy(x_hbm.at[src_c[k]], rbuf.at[k], gs)
             for k in range(GROUP)]
      for d in gds:
        d.wait()
      sds = []
      for k in range(GROUP):
        sds.append(pltpu.async_copy(
            rbuf.at[k], sp_agg.at[dst_c[k]], ss, add=True))
        if with_deg:
          sds.append(pltpu.async_copy(
              ones_v, sp_deg.at[src_c[k]], ss, add=True))
      for d in sds:
        d.wait()
      return carry

    lax.fori_loop(0, n_grp, group_step, 0)

    def process_sync(jj):
      pltpu.sync_copy(edges_hbm.at[0, pl.ds(jj * CHUNK, CHUNK)], src_c[0])
      pltpu.sync_copy(edges_hbm.at[1, pl.ds(jj * CHUNK, CHUNK)], dst_c[0])
      pltpu.sync_copy(x_hbm.at[src_c[0]], rbuf.at[0])
      if with_deg:
        pltpu.sync_copy(ones_v, sp_deg.at[src_c[0]], add=True)
      pltpu.sync_copy(rbuf.at[0], sp_agg.at[dst_c[0]], add=True)

    if rem:
      def rstep(j, carry):
        process_sync(base + n_grp * GROUP + j)
        return carry
      lax.fori_loop(0, rem, rstep, 0)
    if extra:
      @pl.when(wid < extra)
      def _():
        process_sync(NW * chunks_per_w + wid)
    plsc.subcore_barrier()

    pltpu.sync_copy(sp_agg.at[sl], bounce)
    pltpu.sync_copy(bounce, agg_out.at[core, sl])
    if with_deg:
      pltpu.sync_copy(sp_deg.at[sl], bounce)
      pltpu.sync_copy(bounce, deg_out.at[core, sl])

  return pl.kernel(
      body,
      out_type=tuple(out_types) if with_deg else out_types[0],
      mesh=mesh,
      scratch_types=scratch,
      compiler_params=pltpu.CompilerParams(use_tc_tiling_on_sc=False),
  )


def _tc_combine_first(xf, agg_p, deg_p, params):
  shape = xf.shape

  def body(x_ref, agg_ref, deg_ref, p_ref, out_ref, degrep_ref):
    dp = p_ref[0]
    sw = p_ref[1]
    nw = p_ref[2]
    b = p_ref[3]
    agg = agg_ref[0] + agg_ref[1]
    deg = deg_ref[0] + deg_ref[1]
    degrep_ref[...] = deg
    ld = jnp.log(deg)
    out_ref[...] = (sw * jnp.exp(dp * ld) * x_ref[...]
                    + nw * jnp.exp((dp - 1.0) * ld) * agg + b)

  return pl.pallas_call(
      body,
      out_shape=(jax.ShapeDtypeStruct(shape, jnp.float32),
                 jax.ShapeDtypeStruct(shape, jnp.float32)),
      in_specs=[
          pl.BlockSpec(memory_space=pltpu.VMEM),
          pl.BlockSpec(memory_space=pltpu.VMEM),
          pl.BlockSpec(memory_space=pltpu.VMEM),
          pl.BlockSpec(memory_space=pltpu.SMEM),
      ],
      out_specs=(pl.BlockSpec(memory_space=pltpu.VMEM),
                 pl.BlockSpec(memory_space=pltpu.VMEM)),
  )(xf, agg_p, deg_p, params)


def _tc_combine_rest(xf, agg_p, degrep, params):
  shape = xf.shape

  def body(x_ref, agg_ref, deg_ref, p_ref, out_ref):
    dp = p_ref[0]
    sw = p_ref[1]
    nw = p_ref[2]
    b = p_ref[3]
    agg = agg_ref[0] + agg_ref[1]
    ld = jnp.log(deg_ref[...])
    out_ref[...] = (sw * jnp.exp(dp * ld) * x_ref[...]
                    + nw * jnp.exp((dp - 1.0) * ld) * agg + b)

  return pl.pallas_call(
      body,
      out_shape=jax.ShapeDtypeStruct(shape, jnp.float32),
      in_specs=[
          pl.BlockSpec(memory_space=pltpu.VMEM),
          pl.BlockSpec(memory_space=pltpu.VMEM),
          pl.BlockSpec(memory_space=pltpu.VMEM),
          pl.BlockSpec(memory_space=pltpu.SMEM),
      ],
      out_specs=pl.BlockSpec(memory_space=pltpu.VMEM),
  )(xf, agg_p, degrep, params)


def kernel(x, edge_index, alpha1, alpha2, gamma, bias):
  n_ch, n_nodes = x.shape
  n_edges = edge_index.shape[1]
  n_chunks = n_edges // CHUNK
  width = 128

  n_pad = -(-n_nodes // (NS * 32)) * (NS * 32)
  zeros = jnp.zeros((n_pad // NS, n_ch), jnp.float32)
  ones = jnp.ones((CHUNK, n_ch), jnp.float32)

  sc_first = _make_sc_pass(n_pad, n_ch, n_chunks, True)
  sc_rest = _make_sc_pass(n_pad, n_ch, n_chunks, False)

  xp = jnp.pad(x, ((0, 0), (0, n_pad - n_nodes)))
  out_rows = xp.T
  degrep = None
  n_layers = alpha1.shape[0]
  for i in range(n_layers):
    a1 = alpha1[i, 0, 0]
    dp = jax.nn.sigmoid(gamma[i, 0, 0])
    sw = jnp.exp(a1)
    nw = sw * jnp.tanh(a1)
    params = jnp.stack([dp, sw, nw, bias[i, 0, 0]])
    rows_f = n_pad * n_ch // width
    xf = out_rows.reshape(rows_f, width)
    if i == 0:
      agg_p, deg_p = sc_first(out_rows, edge_index, zeros, ones)
      outf, degrep = _tc_combine_first(
          xf, agg_p.reshape(NC, rows_f, width),
          deg_p.reshape(NC, rows_f, width), params)
    else:
      agg_p = sc_rest(out_rows, edge_index, zeros)
      outf = _tc_combine_rest(
          xf, agg_p.reshape(NC, rows_f, width), degrep, params)
    out_rows = outf.reshape(n_pad, n_ch)

  return out_rows.T[:, :n_nodes]

# --- scband reference (transcript-rebuilt; emitter-appended) ---
"""Pipeline reference for scband-joint-dgmrf-32581621907832 (READ-ONLY COPY).

The authoritative reference and input builder live on the scoring server;
editing this copy changes nothing except your own understanding.
"""

import jax, jax.numpy as jnp
import numpy as np

N_NODES = 100000
N_EDGES = 3200000
T_CH = 4
N_LAYERS = 2

def setup_inputs(seed: int = 0) -> dict:
    key = jax.random.key(seed)
    k1, k2, k3, k4, k5, k6 = jax.random.split(key, 6)
    x = jax.random.normal(k1, (T_CH, N_NODES), dtype=jnp.float32)
    # random graph; with avg degree 32 the probability of a zero out-degree node is ~e^-32 (negligible)
    edge_index = jax.random.randint(k2, (2, N_EDGES), 0, N_NODES, dtype=jnp.int32)
    # per-layer params, shared='all' -> shape (1,1) each; stacked over layers
    alpha1 = (2.0 * jax.random.uniform(k3, (N_LAYERS, 1, 1), dtype=jnp.float32) - 1.0)
    alpha2 = (2.0 * jax.random.uniform(k4, (N_LAYERS, 1, 1), dtype=jnp.float32) - 1.0)
    gamma = (2.0 * jax.random.uniform(k5, (N_LAYERS, 1, 1), dtype=jnp.float32) - 1.0)
    bias = (2.0 * jax.random.uniform(k6, (N_LAYERS, 1, 1), dtype=jnp.float32) - 1.0)
    return {"x": x, "edge_index": edge_index, "alpha1": alpha1, "alpha2": alpha2, "gamma": gamma, "bias": bias}

def reference(x, edge_index, alpha1, alpha2, gamma, bias):
    # DGMRF forward: stack of DGMRFLayerMultiChannel (aggr='add', node_dim=-1),
    # transpose=False, with_bias=True, shared='all', weighted=False, fix_gamma=False.
    num_nodes = x.shape[1]
    src = edge_index[0]
    dst = edge_index[1]
    deg = jnp.bincount(src, length=num_nodes).astype(jnp.float32)
    log_deg = jnp.log(deg)[None, :]             # [1, N]
    edge_log_deg = log_deg[:, dst]               # [1, E] (transpose=False branch)
    out = x
    for i in range(alpha1.shape[0]):
        a1 = alpha1[i]                            # [1,1]
        g = gamma[i]                              # [1,1]
        b = bias[i]                               # [1,1]
        dp = jax.nn.sigmoid(g)                    # degree_power
        self_w = jnp.exp(a1)                      # self_weight
        # NOTE: original torch code's alpha2 property returns alpha1_param when shared != 'dynamics'
        # (apparent upstream bug); we replicate it faithfully.
        neigh_w = self_w * jnp.tanh(a1)           # neighbor_weight
        weighted_repr = out * jnp.exp(dp * log_deg)
        ew = jnp.exp((dp - 1.0) * edge_log_deg)   # [1, E]; edge_weights are ones (unweighted)
        msg = out[:, src] * ew                    # gather + per-edge weight, [T, E]
        prop = jnp.zeros_like(out).at[:, dst].add(msg)  # scatter-add aggregation
        out = self_w * weighted_repr + neigh_w * prop + b
    return out

if __name__ == "__main__":
    import jax
    _d = setup_inputs()
    print(jax.jit(kernel)(*tuple(_d.values())))

</pallas_src>

<mosaic_0001>
#map = affine_map<(d0, d1) -> (0, 0)>
#map1 = affine_map<(d0, d1) -> (0, 0, 0)>
module attributes {stable_mosaic.version = 14 : i64} {
  func.func @body(%arg0: i32, %arg1: i32, %arg2: memref<100352x4xf32, #tpu.memory_space<hbm>>, %arg3: memref<2x3200000xi32, #tpu.memory_space<hbm>>, %arg4: memref<6272x4xf32, #tpu.memory_space<hbm>>, %arg5: memref<128x4xf32, #tpu.memory_space<hbm>>, %arg6: memref<2x100352x4xf32, #tpu.memory_space<hbm>>, %arg7: memref<2x100352x4xf32, #tpu.memory_space<hbm>>, %arg8: memref<100352x4xf32, #tpu.memory_space<vmem_shared>>, %arg9: memref<6272x4xf32, #tpu.memory_space<vmem>>, %arg10: memref<4x128x4xf32, #tpu.memory_space<vmem>>, %arg11: memref<!tpu.dma_semaphore, #tpu.memory_space<semaphore_mem>>, %arg12: memref<!tpu.dma_semaphore, #tpu.memory_space<semaphore_mem>>, %arg13: memref<!tpu.dma_semaphore, #tpu.memory_space<semaphore_mem>>, %arg14: memref<128xi32, #tpu.memory_space<vmem>>, %arg15: memref<128xi32, #tpu.memory_space<vmem>>, %arg16: memref<128xi32, #tpu.memory_space<vmem>>, %arg17: memref<128xi32, #tpu.memory_space<vmem>>, %arg18: memref<128xi32, #tpu.memory_space<vmem>>, %arg19: memref<128xi32, #tpu.memory_space<vmem>>, %arg20: memref<128xi32, #tpu.memory_space<vmem>>, %arg21: memref<128xi32, #tpu.memory_space<vmem>>, %arg22: memref<100352x4xf32, #tpu.memory_space<vmem_shared>>, %arg23: memref<128x4xf32, #tpu.memory_space<vmem>>) attributes {dimension_semantics = [#tpu.dimension_semantics<core_parallel>, #tpu.dimension_semantics<subcore_parallel>], iteration_bounds = array<i64: 2, 16>, scalar_prefetch = 0 : i64, scratch_operands = 16 : i64, tpu.core_type = #tpu.core_type<sc_vector_subcore>, window_params = [{transform_indices = #map}, {transform_indices = #map}, {transform_indices = #map}, {transform_indices = #map}, {transform_indices = #map1}, {transform_indices = #map1}]} {
    %mul3A = arith.constant 2 : i32
    %mul3A_0 = arith.muli %arg1, %mul3A : i32
    %add3A = arith.addi %mul3A_0, %arg0 : i32
    %mul3A_1 = arith.constant 6272 : i32
    %mul3A_2 = arith.muli %arg1, %mul3A_1 : i32
    "tpu.region"() ({
      %run_scoped3A_26 = tpu.sem_alloc : memref<!tpu.dma_semaphore, #tpu.memory_space<semaphore_mem>>
      tpu.enqueue_dma source(%arg4 : memref<6272x4xf32, #tpu.memory_space<hbm>>) target(%arg9 : memref<6272x4xf32, #tpu.memory_space<vmem>>) target_semaphore(%run_scoped3A_26 : memref<!tpu.dma_semaphore, #tpu.memory_space<semaphore_mem>>)
      tpu.wait_dma2 semaphore(%run_scoped3A_26 : memref<!tpu.dma_semaphore, #tpu.memory_space<semaphore_mem>>) src(%arg4 : memref<6272x4xf32, #tpu.memory_space<hbm>>) dst(%arg9 : memref<6272x4xf32, #tpu.memory_space<vmem>>)
      tpu.yield
    }) : () -> ()
    "tpu.region"() ({
      %run_scoped3A_26 = tpu.sem_alloc : memref<!tpu.dma_semaphore, #tpu.memory_space<semaphore_mem>>
      %dma_start3A = arith.constant 0 : i32
      %dma_start3A_27 = tpu.memref_slice %arg8[%mul3A_2, %dma_start3A] : memref<100352x4xf32, #tpu.memory_space<vmem_shared>> -> memref<6272x4xf32, #tpu.memory_space<vmem_shared>>
      %dma_start3A_28 = arith.constant 0 : i32
      %dma_start3A_29 = tpu.memref_slice %arg8[%mul3A_2, %dma_start3A_28] : memref<100352x4xf32, #tpu.memory_space<vmem_shared>> -> memref<6272x4xf32, #tpu.memory_space<vmem_shared>>
      tpu.enqueue_dma source(%arg9 : memref<6272x4xf32, #tpu.memory_space<vmem>>) target(%dma_start3A_29 : memref<6272x4xf32, #tpu.memory_space<vmem_shared>>) target_semaphore(%run_scoped3A_26 : memref<!tpu.dma_semaphore, #tpu.memory_space<semaphore_mem>>)
      %dma_wait3A = arith.constant 0 : i32
      %dma_wait3A_30 = tpu.memref_slice %arg8[%mul3A_2, %dma_wait3A] : memref<100352x4xf32, #tpu.memory_space<vmem_shared>> -> memref<6272x4xf32, #tpu.memory_space<vmem_shared>>
      %dma_wait3A_31 = arith.constant 0 : i32
      %dma_wait3A_32 = tpu.memref_slice %arg8[%mul3A_2, %dma_wait3A_31] : memref<100352x4xf32, #tpu.memory_space<vmem_shared>> -> memref<6272x4xf32, #tpu.memory_space<vmem_shared>>
      tpu.wait_dma2 semaphore(%run_scoped3A_26 : memref<!tpu.dma_semaphore, #tpu.memory_space<semaphore_mem>>) src(%arg9 : memref<6272x4xf32, #tpu.memory_space<vmem>>) dst(%dma_wait3A_32 : memref<6272x4xf32, #tpu.memory_space<vmem_shared>>)
      tpu.yield
    }) : () -> ()
    "tpu.region"() ({
      %run_scoped3A_26 = tpu.sem_alloc : memref<!tpu.dma_semaphore, #tpu.memory_space<semaphore_mem>>
      %dma_start3A = arith.constant 0 : i32
      %dma_start3A_27 = tpu.memref_slice %arg22[%mul3A_2, %dma_start3A] : memref<100352x4xf32, #tpu.memory_space<vmem_shared>> -> memref<6272x4xf32, #tpu.memory_space<vmem_shared>>
      %dma_start3A_28 = arith.constant 0 : i32
      %dma_start3A_29 = tpu.memref_slice %arg22[%mul3A_2, %dma_start3A_28] : memref<100352x4xf32, #tpu.memory_space<vmem_shared>> -> memref<6272x4xf32, #tpu.memory_space<vmem_shared>>
      tpu.enqueue_dma source(%arg9 : memref<6272x4xf32, #tpu.memory_space<vmem>>) target(%dma_start3A_29 : memref<6272x4xf32, #tpu.memory_space<vmem_shared>>) target_semaphore(%run_scoped3A_26 : memref<!tpu.dma_semaphore, #tpu.memory_space<semaphore_mem>>)
      %dma_wait3A = arith.constant 0 : i32
      %dma_wait3A_30 = tpu.memref_slice %arg22[%mul3A_2, %dma_wait3A] : memref<100352x4xf32, #tpu.memory_space<vmem_shared>> -> memref<6272x4xf32, #tpu.memory_space<vmem_shared>>
      %dma_wait3A_31 = arith.constant 0 : i32
      %dma_wait3A_32 = tpu.memref_slice %arg22[%mul3A_2, %dma_wait3A_31] : memref<100352x4xf32, #tpu.memory_space<vmem_shared>> -> memref<6272x4xf32, #tpu.memory_space<vmem_shared>>
      tpu.wait_dma2 semaphore(%run_scoped3A_26 : memref<!tpu.dma_semaphore, #tpu.memory_space<semaphore_mem>>) src(%arg9 : memref<6272x4xf32, #tpu.memory_space<vmem>>) dst(%dma_wait3A_32 : memref<6272x4xf32, #tpu.memory_space<vmem_shared>>)
      tpu.yield
    }) : () -> ()
    "tpu.region"() ({
      %run_scoped3A_26 = tpu.sem_alloc : memref<!tpu.dma_semaphore, #tpu.memory_space<semaphore_mem>>
      tpu.enqueue_dma source(%arg5 : memref<128x4xf32, #tpu.memory_space<hbm>>) target(%arg23 : memref<128x4xf32, #tpu.memory_space<vmem>>) target_semaphore(%run_scoped3A_26 : memref<!tpu.dma_semaphore, #tpu.memory_space<semaphore_mem>>)
      tpu.wait_dma2 semaphore(%run_scoped3A_26 : memref<!tpu.dma_semaphore, #tpu.memory_space<semaphore_mem>>) src(%arg5 : memref<128x4xf32, #tpu.memory_space<hbm>>) dst(%arg23 : memref<128x4xf32, #tpu.memory_space<vmem>>)
      tpu.yield
    }) : () -> ()
    %barrier3A = arith.constant 0 : index
    tpu.barrier barrier_id(%barrier3A)
    %mul3A_3 = arith.constant 781 : i32
    %mul3A_4 = arith.muli %add3A, %mul3A_3 : i32
    %scan3A = arith.constant 0 : i32
    %scan3A_5 = arith.constant 0 : i32
    %scan3A_6 = arith.constant 195 : i32
    %scan3A_7 = arith.addi %scan3A_5, %scan3A_6 : i32
    %scan3A_8 = arith.constant 1 : i32
    scf.for %scan3A_26 = %scan3A_5 to %scan3A_7 step %scan3A_8  : i32 {
      %mul3A_27 = arith.constant 4 : i32
      %mul3A_28 = arith.muli %scan3A_26, %mul3A_27 : i32
      %add3A_29 = arith.addi %mul3A_4, %mul3A_28 : i32
      %add3A_30 = arith.constant 0 : i32
      %add3A_31 = arith.addi %add3A_29, %add3A_30 : i32
      %mul3A_32 = arith.constant 128 : i32
      %mul3A_33 = arith.muli %add3A_31, %mul3A_32 : i32
      %dma_start3A = arith.constant 0 : i32
      %dma_start3A_34 = tpu.memref_slice %arg3[%dma_start3A, %mul3A_33] : memref<2x3200000xi32, #tpu.memory_space<hbm>> -> memref<1x128xi32, #tpu.memory_space<hbm>>
      %dma_start3A_35 = tpu.memref_squeeze %dma_start3A_34 : memref<1x128xi32, #tpu.memory_space<hbm>> -> memref<128xi32, #tpu.memory_space<hbm>>
      %dma_start3A_36 = tpu.memref_slice %arg3[%dma_start3A, %mul3A_33] : memref<2x3200000xi32, #tpu.memory_space<hbm>> -> memref<1x128xi32, #tpu.memory_space<hbm>>
      %dma_start3A_37 = tpu.memref_squeeze %dma_start3A_36 : memref<1x128xi32, #tpu.memory_space<hbm>> -> memref<128xi32, #tpu.memory_space<hbm>>
      tpu.enqueue_dma source(%dma_start3A_37 : memref<128xi32, #tpu.memory_space<hbm>>) target(%arg14 : memref<128xi32, #tpu.memory_space<vmem>>) target_semaphore(%arg11 : memref<!tpu.dma_semaphore, #tpu.memory_space<semaphore_mem>>)
      %add3A_38 = arith.constant 0 : i32
      %add3A_39 = arith.addi %add3A_29, %add3A_38 : i32
      %mul3A_40 = arith.constant 128 : i32
      %mul3A_41 = arith.muli %add3A_39, %mul3A_40 : i32
      %dma_start3A_42 = arith.constant 1 : i32
      %dma_start3A_43 = tpu.memref_slice %arg3[%dma_start3A_42, %mul3A_41] : memref<2x3200000xi32, #tpu.memory_space<hbm>> -> memref<1x128xi32, #tpu.memory_space<hbm>>
      %dma_start3A_44 = tpu.memref_squeeze %dma_start3A_43 : memref<1x128xi32, #tpu.memory_space<hbm>> -> memref<128xi32, #tpu.memory_space<hbm>>
      %dma_start3A_45 = tpu.memref_slice %arg3[%dma_start3A_42, %mul3A_41] : memref<2x3200000xi32, #tpu.memory_space<hbm>> -> memref<1x128xi32, #tpu.memory_space<hbm>>
      %dma_start3A_46 = tpu.memref_squeeze %dma_start3A_45 : memref<1x128xi32, #tpu.memory_space<hbm>> -> memref<128xi32, #tpu.memory_space<hbm>>
      tpu.enqueue_dma source(%dma_start3A_46 : memref<128xi32, #tpu.memory_space<hbm>>) target(%arg18 : memref<128xi32, #tpu.memory_space<vmem>>) target_semaphore(%arg11 : memref<!tpu.dma_semaphore, #tpu.memory_space<semaphore_mem>>)
      %add3A_47 = arith.constant 1 : i32
      %add3A_48 = arith.addi %add3A_29, %add3A_47 : i32
      %mul3A_49 = arith.constant 128 : i32
      %mul3A_50 = arith.muli %add3A_48, %mul3A_49 : i32
      %dma_start3A_51 = arith.constant 0 : i32
      %dma_start3A_52 = tpu.memref_slice %arg3[%dma_start3A_51, %mul3A_50] : memref<2x3200000xi32, #tpu.memory_space<hbm>> -> memref<1x128xi32, #tpu.memory_space<hbm>>
      %dma_start3A_53 = tpu.memref_squeeze %dma_start3A_52 : memref<1x128xi32, #tpu.memory_space<hbm>> -> memref<128xi32, #tpu.memory_space<hbm>>
      %dma_start3A_54 = tpu.memref_slice %arg3[%dma_start3A_51, %mul3A_50] : memref<2x3200000xi32, #tpu.memory_space<hbm>> -> memref<1x128xi32, #tpu.memory_space<hbm>>
      %dma_start3A_55 = tpu.memref_squeeze %dma_start3A_54 : memref<1x128xi32, #tpu.memory_space<hbm>> -> memref<128xi32, #tpu.memory_space<hbm>>
      tpu.enqueue_dma source(%dma_start3A_55 : memref<128xi32, #tpu.memory_space<hbm>>) target(%arg15 : memref<128xi32, #tpu.memory_space<vmem>>) target_semaphore(%arg11 : memref<!tpu.dma_semaphore, #tpu.memory_space<semaphore_mem>>)
      %add3A_56 = arith.constant 1 : i32
      %add3A_57 = arith.addi %add3A_29, %add3A_56 : i32
      %mul3A_58 = arith.constant 128 : i32
      %mul3A_59 = arith.muli %add3A_57, %mul3A_58 : i32
      %dma_start3A_60 = arith.constant 1 : i32
      %dma_start3A_61 = tpu.memref_slice %arg3[%dma_start3A_60, %mul3A_59] : memref<2x3200000xi32, #tpu.memory_space<hbm>> -> memref<1x128xi32, #tpu.memory_space<hbm>>
      %dma_start3A_62 = tpu.memref_squeeze %dma_start3A_61 : memref<1x128xi32, #tpu.memory_space<hbm>> -> memref<128xi32, #tpu.memory_space<hbm>>
      %dma_start3A_63 = tpu.memref_slice %arg3[%dma_start3A_60, %mul3A_59] : memref<2x3200000xi32, #tpu.memory_space<hbm>> -> memref<1x128xi32, #tpu.memory_space<hbm>>
      %dma_start3A_64 = tpu.memref_squeeze %dma_start3A_63 : memref<1x128xi32, #tpu.memory_space<hbm>> -> memref<128xi32, #tpu.memory_space<hbm>>
      tpu.enqueue_dma source(%dma_start3A_64 : memref<128xi32, #tpu.memory_space<hbm>>) target(%arg19 : memref<128xi32, #tpu.memory_space<vmem>>) target_semaphore(%arg11 : memref<!tpu.dma_semaphore, #tpu.memory_space<semaphore_mem>>)
      %add3A_65 = arith.constant 2 : i32
      %add3A_66 = arith.addi %add3A_29, %add3A_65 : i32
      %mul3A_67 = arith.constant 128 : i32
      %mul3A_68 = arith.muli %add3A_66, %mul3A_67 : i32
      %dma_start3A_69 = arith.constant 0 : i32
      %dma_start3A_70 = tpu.memref_slice %arg3[%dma_start3A_69, %mul3A_68] : memref<2x3200000xi32, #tpu.memory_space<hbm>> -> memref<1x128xi32, #tpu.memory_space<hbm>>
      %dma_start3A_71 = tpu.memref_squeeze %dma_start3A_70 : memref<1x128xi32, #tpu.memory_space<hbm>> -> memref<128xi32, #tpu.memory_space<hbm>>
      %dma_start3A_72 = tpu.memref_slice %arg3[%dma_start3A_69, %mul3A_68] : memref<2x3200000xi32, #tpu.memory_space<hbm>> -> memref<1x128xi32, #tpu.memory_space<hbm>>
      %dma_start3A_73 = tpu.memref_squeeze %dma_start3A_72 : memref<1x128xi32, #tpu.memory_space<hbm>> -> memref<128xi32, #tpu.memory_space<hbm>>
      tpu.enqueue_dma source(%dma_start3A_73 : memref<128xi32, #tpu.memory_space<hbm>>) target(%arg16 : memref<128xi32, #tpu.memory_space<vmem>>) target_semaphore(%arg11 : memref<!tpu.dma_semaphore, #tpu.memory_space<semaphore_mem>>)
      %add3A_74 = arith.constant 2 : i32
      %add3A_75 = arith.addi %add3A_29, %add3A_74 : i32
      %mul3A_76 = arith.constant 128 : i32
      %mul3A_77 = arith.muli %add3A_75, %mul3A_76 : i32
      %dma_start3A_78 = arith.constant 1 : i32
      %dma_start3A_79 = tpu.memref_slice %arg3[%dma_start3A_78, %mul3A_77] : memref<2x3200000xi32, #tpu.memory_space<hbm>> -> memref<1x128xi32, #tpu.memory_space<hbm>>
      %dma_start3A_80 = tpu.memref_squeeze %dma_start3A_79 : memref<1x128xi32, #tpu.memory_space<hbm>> -> memref<128xi32, #tpu.memory_space<hbm>>
      %dma_start3A_81 = tpu.memref_slice %arg3[%dma_start3A_78, %mul3A_77] : memref<2x3200000xi32, #tpu.memory_space<hbm>> -> memref<1x128xi32, #tpu.memory_space<hbm>>
      %dma_start3A_82 = tpu.memref_squeeze %dma_start3A_81 : memref<1x128xi32, #tpu.memory_space<hbm>> -> memref<128xi32, #tpu.memory_space<hbm>>
      tpu.enqueue_dma source(%dma_start3A_82 : memref<128xi32, #tpu.memory_space<hbm>>) target(%arg20 : memref<128xi32, #tpu.memory_space<vmem>>) target_semaphore(%arg11 : memref<!tpu.dma_semaphore, #tpu.memory_space<semaphore_mem>>)
      %add3A_83 = arith.constant 3 : i32
      %add3A_84 = arith.addi %add3A_29, %add3A_83 : i32
      %mul3A_85 = arith.constant 128 : i32
      %mul3A_86 = arith.muli %add3A_84, %mul3A_85 : i32
      %dma_start3A_87 = arith.constant 0 : i32
      %dma_start3A_88 = tpu.memref_slice %arg3[%dma_start3A_87, %mul3A_86] : memref<2x3200000xi32, #tpu.memory_space<hbm>> -> memref<1x128xi32, #tpu.memory_space<hbm>>
      %dma_start3A_89 = tpu.memref_squeeze %dma_start3A_88 : memref<1x128xi32, #tpu.memory_space<hbm>> -> memref<128xi32, #tpu.memory_space<hbm>>
      %dma_start3A_90 = tpu.memref_slice %arg3[%dma_start3A_87, %mul3A_86] : memref<2x3200000xi32, #tpu.memory_space<hbm>> -> memref<1x128xi32, #tpu.memory_space<hbm>>
      %dma_start3A_91 = tpu.memref_squeeze %dma_start3A_90 : memref<1x128xi32, #tpu.memory_space<hbm>> -> memref<128xi32, #tpu.memory_space<hbm>>
      tpu.enqueue_dma source(%dma_start3A_91 : memref<128xi32, #tpu.memory_space<hbm>>) target(%arg17 : memref<128xi32, #tpu.memory_space<vmem>>) target_semaphore(%arg11 : memref<!tpu.dma_semaphore, #tpu.memory_space<semaphore_mem>>)
      %add3A_92 = arith.constant 3 : i32
      %add3A_93 = arith.addi %add3A_29, %add3A_92 : i32
      %mul3A_94 = arith.constant 128 : i32
      %mul3A_95 = arith.muli %add3A_93, %mul3A_94 : i32
      %dma_start3A_96 = arith.constant 1 : i32
      %dma_start3A_97 = tpu.memref_slice %arg3[%dma_start3A_96, %mul3A_95] : memref<2x3200000xi32, #tpu.memory_space<hbm>> -> memref<1x128xi32, #tpu.memory_space<hbm>>
      %dma_start3A_98 = tpu.memref_squeeze %dma_start3A_97 : memref<1x128xi32, #tpu.memory_space<hbm>> -> memref<128xi32, #tpu.memory_space<hbm>>
      %dma_start3A_99 = tpu.memref_slice %arg3[%dma_start3A_96, %mul3A_95] : memref<2x3200000xi32, #tpu.memory_space<hbm>> -> memref<1x128xi32, #tpu.memory_space<hbm>>
      %dma_start3A_100 = tpu.memref_squeeze %dma_start3A_99 : memref<1x128xi32, #tpu.memory_space<hbm>> -> memref<128xi32, #tpu.memory_space<hbm>>
      tpu.enqueue_dma source(%dma_start3A_100 : memref<128xi32, #tpu.memory_space<hbm>>) target(%arg21 : memref<128xi32, #tpu.memory_space<vmem>>) target_semaphore(%arg11 : memref<!tpu.dma_semaphore, #tpu.memory_space<semaphore_mem>>)
      %dma_wait3A = arith.constant 0 : i32
      %dma_wait3A_101 = tpu.memref_slice %arg3[%dma_wait3A, %mul3A_33] : memref<2x3200000xi32, #tpu.memory_space<hbm>> -> memref<1x128xi32, #tpu.memory_space<hbm>>
      %dma_wait3A_102 = tpu.memref_squeeze %dma_wait3A_101 : memref<1x128xi32, #tpu.memory_space<hbm>> -> memref<128xi32, #tpu.memory_space<hbm>>
      %dma_wait3A_103 = tpu.memref_slice %arg3[%dma_wait3A, %mul3A_33] : memref<2x3200000xi32, #tpu.memory_space<hbm>> -> memref<1x128xi32, #tpu.memory_space<hbm>>
      %dma_wait3A_104 = tpu.memref_squeeze %dma_wait3A_103 : memref<1x128xi32, #tpu.memory_space<hbm>> -> memref<128xi32, #tpu.memory_space<hbm>>
      tpu.wait_dma2 semaphore(%arg11 : memref<!tpu.dma_semaphore, #tpu.memory_space<semaphore_mem>>) src(%dma_wait3A_104 : memref<128xi32, #tpu.memory_space<hbm>>) dst(%arg14 : memref<128xi32, #tpu.memory_space<vmem>>)
      %dma_wait3A_105 = arith.constant 1 : i32
      %dma_wait3A_106 = tpu.memref_slice %arg3[%dma_wait3A_105, %mul3A_41] : memref<2x3200000xi32, #tpu.memory_space<hbm>> -> memref<1x128xi32, #tpu.memory_space<hbm>>
      %dma_wait3A_107 = tpu.memref_squeeze %dma_wait3A_106 : memref<1x128xi32, #tpu.memory_space<hbm>> -> memref<128xi32, #tpu.memory_space<hbm>>
      %dma_wait3A_108 = tpu.memref_slice %arg3[%dma_wait3A_105, %mul3A_41] : memref<2x3200000xi32, #tpu.memory_space<hbm>> -> memref<1x128xi32, #tpu.memory_space<hbm>>
      %dma_wait3A_109 = tpu.memref_squeeze %dma_wait3A_108 : memref<1x128xi32, #tpu.memory_space<hbm>> -> memref<128xi32, #tpu.memory_space<hbm>>
      tpu.wait_dma2 semaphore(%arg11 : memref<!tpu.dma_semaphore, #tpu.memory_space<semaphore_mem>>) src(%dma_wait3A_109 : memref<128xi32, #tpu.memory_space<hbm>>) dst(%arg18 : memref<128xi32, #tpu.memory_space<vmem>>)
      %dma_wait3A_110 = arith.constant 0 : i32
      %dma_wait3A_111 = tpu.memref_slice %arg3[%dma_wait3A_110, %mul3A_50] : memref<2x3200000xi32, #tpu.memory_space<hbm>> -> memref<1x128xi32, #tpu.memory_space<hbm>>
      %dma_wait3A_112 = tpu.memref_squeeze %dma_wait3A_111 : memref<1x128xi32, #tpu.memory_space<hbm>> -> memref<128xi32, #tpu.memory_space<hbm>>
      %dma_wait3A_113 = tpu.memref_slice %arg3[%dma_wait3A_110, %mul3A_50] : memref<2x3200000xi32, #tpu.memory_space<hbm>> -> memref<1x128xi32, #tpu.memory_space<hbm>>
      %dma_wait3A_114 = tpu.memref_squeeze %dma_wait3A_113 : memref<1x128xi32, #tpu.memory_space<hbm>> -> memref<128xi32, #tpu.memory_space<hbm>>
      tpu.wait_dma2 semaphore(%arg11 : memref<!tpu.dma_semaphore, #tpu.memory_space<semaphore_mem>>) src(%dma_wait3A_114 : memref<128xi32, #tpu.memory_space<hbm>>) dst(%arg15 : memref<128xi32, #tpu.memory_space<vmem>>)
      %dma_wait3A_115 = arith.constant 1 : i32
      %dma_wait3A_116 = tpu.memref_slice %arg3[%dma_wait3A_115, %mul3A_59] : memref<2x3200000xi32, #tpu.memory_space<hbm>> -> memref<1x128xi32, #tpu.memory_space<hbm>>
      %dma_wait3A_117 = tpu.memref_squeeze %dma_wait3A_116 : memref<1x128xi32, #tpu.memory_space<hbm>> -> memref<128xi32, #tpu.memory_space<hbm>>
      %dma_wait3A_118 = tpu.memref_slice %arg3[%dma_wait3A_115, %mul3A_59] : memref<2x3200000xi32, #tpu.memory_space<hbm>> -> memref<1x128xi32, #tpu.memory_space<hbm>>
      %dma_wait3A_119 = tpu.memref_squeeze %dma_wait3A_118 : memref<1x128xi32, #tpu.memory_space<hbm>> -> memref<128xi32, #tpu.memory_space<hbm>>
      tpu.wait_dma2 semaphore(%arg11 : memref<!tpu.dma_semaphore, #tpu.memory_space<semaphore_mem>>) src(%dma_wait3A_119 : memref<128xi32, #tpu.memory_space<hbm>>) dst(%arg19 : memref<128xi32, #tpu.memory_space<vmem>>)
      %dma_wait3A_120 = arith.constant 0 : i32
      %dma_wait3A_121 = tpu.memref_slice %arg3[%dma_wait3A_120, %mul3A_68] : memref<2x3200000xi32, #tpu.memory_space<hbm>> -> memref<1x128xi32, #tpu.memory_space<hbm>>
      %dma_wait3A_122 = tpu.memref_squeeze %dma_wait3A_121 : memref<1x128xi32, #tpu.memory_space<hbm>> -> memref<128xi32, #tpu.memory_space<hbm>>
      %dma_wait3A_123 = tpu.memref_slice %arg3[%dma_wait3A_120, %mul3A_68] : memref<2x3200000xi32, #tpu.memory_space<hbm>> -> memref<1x128xi32, #tpu.memory_space<hbm>>
      %dma_wait3A_124 = tpu.memref_squeeze %dma_wait3A_123 : memref<1x128xi32, #tpu.memory_space<hbm>> -> memref<128xi32, #tpu.memory_space<hbm>>
      tpu.wait_dma2 semaphore(%arg11 : memref<!tpu.dma_semaphore, #tpu.memory_space<semaphore_mem>>) src(%dma_wait3A_124 : memref<128xi32, #tpu.memory_space<hbm>>) dst(%arg16 : memref<128xi32, #tpu.memory_space<vmem>>)
      %dma_wait3A_125 = arith.constant 1 : i32
      %dma_wait3A_126 = tpu.memref_slice %arg3[%dma_wait3A_125, %mul3A_77] : memref<2x3200000xi32, #tpu.memory_space<hbm>> -> memref<1x128xi32, #tpu.memory_space<hbm>>
      %dma_wait3A_127 = tpu.memref_squeeze %dma_wait3A_126 : memref<1x128xi32, #tpu.memory_space<hbm>> -> memref<128xi32, #tpu.memory_space<hbm>>
      %dma_wait3A_128 = tpu.memref_slice %arg3[%dma_wait3A_125, %mul3A_77] : memref<2x3200000xi32, #tpu.memory_space<hbm>> -> memref<1x128xi32, #tpu.memory_space<hbm>>
      %dma_wait3A_129 = tpu.memref_squeeze %dma_wait3A_128 : memref<1x128xi32, #tpu.memory_space<hbm>> -> memref<128xi32, #tpu.memory_space<hbm>>
      tpu.wait_dma2 semaphore(%arg11 : memref<!tpu.dma_semaphore, #tpu.memory_space<semaphore_mem>>) src(%dma_wait3A_129 : memref<128xi32, #tpu.memory_space<hbm>>) dst(%arg20 : memref<128xi32, #tpu.memory_space<vmem>>)
      %dma_wait3A_130 = arith.constant 0 : i32
      %dma_wait3A_131 = tpu.memref_slice %arg3[%dma_wait3A_130, %mul3A_86] : memref<2x3200000xi32, #tpu.memory_space<hbm>> -> memref<1x128xi32, #tpu.memory_space<hbm>>
      %dma_wait3A_132 = tpu.memref_squeeze %dma_wait3A_131 : memref<1x128xi32, #tpu.memory_space<hbm>> -> memref<128xi32, #tpu.memory_space<hbm>>
      %dma_wait3A_133 = tpu.memref_slice %arg3[%dma_wait3A_130, %mul3A_86] : memref<2x3200000xi32, #tpu.memory_space<hbm>> -> memref<1x128xi32, #tpu.memory_space<hbm>>
      %dma_wait3A_134 = tpu.memref_squeeze %dma_wait3A_133 : memref<1x128xi32, #tpu.memory_space<hbm>> -> memref<128xi32, #tpu.memory_space<hbm>>
      tpu.wait_dma2 semaphore(%arg11 : memref<!tpu.dma_semaphore, #tpu.memory_space<semaphore_mem>>) src(%dma_wait3A_134 : memref<128xi32, #tpu.memory_space<hbm>>) dst(%arg17 : memref<128xi32, #tpu.memory_space<vmem>>)
      %dma_wait3A_135 = arith.constant 1 : i32
      %dma_wait3A_136 = tpu.memref_slice %arg3[%dma_wait3A_135, %mul3A_95] : memref<2x3200000xi32, #tpu.memory_space<hbm>> -> memref<1x128xi32, #tpu.memory_space<hbm>>
      %dma_wait3A_137 = tpu.memref_squeeze %dma_wait3A_136 : memref<1x128xi32, #tpu.memory_space<hbm>> -> memref<128xi32, #tpu.memory_space<hbm>>
      %dma_wait3A_138 = tpu.memref_slice %arg3[%dma_wait3A_135, %mul3A_95] : memref<2x3200000xi32, #tpu.memory_space<hbm>> -> memref<1x128xi32, #tpu.memory_space<hbm>>
      %dma_wait3A_139 = tpu.memref_squeeze %dma_wait3A_138 : memref<1x128xi32, #tpu.memory_space<hbm>> -> memref<128xi32, #tpu.memory_space<hbm>>
      tpu.wait_dma2 semaphore(%arg11 : memref<!tpu.dma_semaphore, #tpu.memory_space<semaphore_mem>>) src(%dma_wait3A_139 : memref<128xi32, #tpu.memory_space<hbm>>) dst(%arg21 : memref<128xi32, #tpu.memory_space<vmem>>)
      %dma_start3A_140 = arith.constant 0 : i32
      %dma_start3A_141 = arith.constant 0 : i32
      %dma_start3A_142 = arith.constant 0 : i32
      %dma_start3A_143 = tpu.memref_slice %arg10[%dma_start3A_140, %dma_start3A_141, %dma_start3A_142] : memref<4x128x4xf32, #tpu.memory_space<vmem>> -> memref<1x128x4xf32, #tpu.memory_space<vmem>>
      %dma_start3A_144 = tpu.memref_squeeze %dma_start3A_143 : memref<1x128x4xf32, #tpu.memory_space<vmem>> -> memref<128x4xf32, #tpu.memory_space<vmem>>
      %dma_start3A_145 = arith.constant 0 : i32
      %dma_start3A_146 = arith.constant 0 : i32
      %dma_start3A_147 = tpu.memref_slice %arg2[%dma_start3A_145, %dma_start3A_146] : memref<100352x4xf32, #tpu.memory_space<hbm>> -> memref<100352x4xf32, #tpu.memory_space<hbm>>
      tpu.enqueue_indirect_dma source(%dma_start3A_147 : memref<100352x4xf32, #tpu.memory_space<hbm>>) target(%dma_start3A_144 : memref<128x4xf32, #tpu.memory_space<vmem>>) offsets(%arg14 : memref<128xi32, #tpu.memory_space<vmem>>) semaphore(%arg12 : memref<!tpu.dma_semaphore, #tpu.memory_space<semaphore_mem>>)
      %dma_start3A_148 = arith.constant 1 : i32
      %dma_start3A_149 = arith.constant 0 : i32
      %dma_start3A_150 = arith.constant 0 : i32
      %dma_start3A_151 = tpu.memref_slice %arg10[%dma_start3A_148, %dma_start3A_149, %dma_start3A_150] : memref<4x128x4xf32, #tpu.memory_space<vmem>> -> memref<1x128x4xf32, #tpu.memory_space<vmem>>
      %dma_start3A_152 = tpu.memref_squeeze %dma_start3A_151 : memref<1x128x4xf32, #tpu.memory_space<vmem>> -> memref<128x4xf32, #tpu.memory_space<vmem>>
      %dma_start3A_153 = arith.constant 0 : i32
      %dma_start3A_154 = arith.constant 0 : i32
      %dma_start3A_155 = tpu.memref_slice %arg2[%dma_start3A_153, %dma_start3A_154] : memref<100352x4xf32, #tpu.memory_space<hbm>> -> memref<100352x4xf32, #tpu.memory_space<hbm>>
      tpu.enqueue_indirect_dma source(%dma_start3A_155 : memref<100352x4xf32, #tpu.memory_space<hbm>>) target(%dma_start3A_152 : memref<128x4xf32, #tpu.memory_space<vmem>>) offsets(%arg15 : memref<128xi32, #tpu.memory_space<vmem>>) semaphore(%arg12 : memref<!tpu.dma_semaphore, #tpu.memory_space<semaphore_mem>>)
      %dma_start3A_156 = arith.constant 2 : i32
      %dma_start3A_157 = arith.constant 0 : i32
      %dma_start3A_158 = arith.constant 0 : i32
      %dma_start3A_159 = tpu.memref_slice %arg10[%dma_start3A_156, %dma_start3A_157, %dma_start3A_158] : memref<4x128x4xf32, #tpu.memory_space<vmem>> -> memref<1x128x4xf32, #tpu.memory_space<vmem>>
      %dma_start3A_160 = tpu.memref_squeeze %dma_start3A_159 : memref<1x128x4xf32, #tpu.memory_space<vmem>> -> memref<128x4xf32, #tpu.memory_space<vmem>>
      %dma_start3A_161 = arith.constant 0 : i32
      %dma_start3A_162 = arith.constant 0 : i32
      %dma_start3A_163 = tpu.memref_slice %arg2[%dma_start3A_161, %dma_start3A_162] : memref<100352x4xf32, #tpu.memory_space<hbm>> -> memref<100352x4xf32, #tpu.memory_space<hbm>>
      tpu.enqueue_indirect_dma source(%dma_start3A_163 : memref<100352x4xf32, #tpu.memory_space<hbm>>) target(%dma_start3A_160 : memref<128x4xf32, #tpu.memory_space<vmem>>) offsets(%arg16 : memref<128xi32, #tpu.memory_space<vmem>>) semaphore(%arg12 : memref<!tpu.dma_semaphore, #tpu.memory_space<semaphore_mem>>)
      %dma_start3A_164 = arith.constant 3 : i32
      %dma_start3A_165 = arith.constant 0 : i32
      %dma_start3A_166 = arith.constant 0 : i32
      %dma_start3A_167 = tpu.memref_slice %arg10[%dma_start3A_164, %dma_start3A_165, %dma_start3A_166] : memref<4x128x4xf32, #tpu.memory_space<vmem>> -> memref<1x128x4xf32, #tpu.memory_space<vmem>>
      %dma_start3A_168 = tpu.memref_squeeze %dma_start3A_167 : memref<1x128x4xf32, #tpu.memory_space<vmem>> -> memref<128x4xf32, #tpu.memory_space<vmem>>
      %dma_start3A_169 = arith.constant 0 : i32
      %dma_start3A_170 = arith.constant 0 : i32
      %dma_start3A_171 = tpu.memref_slice %arg2[%dma_start3A_169, %dma_start3A_170] : memref<100352x4xf32, #tpu.memory_space<hbm>> -> memref<100352x4xf32, #tpu.memory_space<hbm>>
      tpu.enqueue_indirect_dma source(%dma_start3A_171 : memref<100352x4xf32, #tpu.memory_space<hbm>>) target(%dma_start3A_168 : memref<128x4xf32, #tpu.memory_space<vmem>>) offsets(%arg17 : memref<128xi32, #tpu.memory_space<vmem>>) semaphore(%arg12 : memref<!tpu.dma_semaphore, #tpu.memory_space<semaphore_mem>>)
      %dma_wait3A_172 = arith.constant 0 : i32
      %dma_wait3A_173 = arith.constant 0 : i32
      %dma_wait3A_174 = arith.constant 0 : i32
      %dma_wait3A_175 = tpu.memref_slice %arg10[%dma_wait3A_172, %dma_wait3A_173, %dma_wait3A_174] : memref<4x128x4xf32, #tpu.memory_space<vmem>> -> memref<1x128x4xf32, #tpu.memory_space<vmem>>
      %dma_wait3A_176 = tpu.memref_squeeze %dma_wait3A_175 : memref<1x128x4xf32, #tpu.memory_space<vmem>> -> memref<128x4xf32, #tpu.memory_space<vmem>>
      %dma_wait3A_177 = arith.constant 0 : i32
      %dma_wait3A_178 = arith.constant 0 : i32
      %dma_wait3A_179 = tpu.memref_slice %arg2[%dma_wait3A_177, %dma_wait3A_178] : memref<100352x4xf32, #tpu.memory_space<hbm>> -> memref<100352x4xf32, #tpu.memory_space<hbm>>
      tpu.wait_indirect_dma semaphore(%arg12 : memref<!tpu.dma_semaphore, #tpu.memory_space<semaphore_mem>>) src(%dma_wait3A_179 : memref<100352x4xf32, #tpu.memory_space<hbm>>) dst(%dma_wait3A_176 : memref<128x4xf32, #tpu.memory_space<vmem>>)
      %dma_wait3A_180 = arith.constant 1 : i32
      %dma_wait3A_181 = arith.constant 0 : i32
      %dma_wait3A_182 = arith.constant 0 : i32
      %dma_wait3A_183 = tpu.memref_slice %arg10[%dma_wait3A_180, %dma_wait3A_181, %dma_wait3A_182] : memref<4x128x4xf32, #tpu.memory_space<vmem>> -> memref<1x128x4xf32, #tpu.memory_space<vmem>>
      %dma_wait3A_184 = tpu.memref_squeeze %dma_wait3A_183 : memref<1x128x4xf32, #tpu.memory_space<vmem>> -> memref<128x4xf32, #tpu.memory_space<vmem>>
      %dma_wait3A_185 = arith.constant 0 : i32
      %dma_wait3A_186 = arith.constant 0 : i32
      %dma_wait3A_187 = tpu.memref_slice %arg2[%dma_wait3A_185, %dma_wait3A_186] : memref<100352x4xf32, #tpu.memory_space<hbm>> -> memref<100352x4xf32, #tpu.memory_space<hbm>>
      tpu.wait_indirect_dma semaphore(%arg12 : memref<!tpu.dma_semaphore, #tpu.memory_space<semaphore_mem>>) src(%dma_wait3A_187 : memref<100352x4xf32, #tpu.memory_space<hbm>>) dst(%dma_wait3A_184 : memref<128x4xf32, #tpu.memory_space<vmem>>)
      %dma_wait3A_188 = arith.constant 2 : i32
      %dma_wait3A_189 = arith.constant 0 : i32
      %dma_wait3A_190 = arith.constant 0 : i32
      %dma_wait3A_191 = tpu.memref_slice %arg10[%dma_wait3A_188, %dma_wait3A_189, %dma_wait3A_190] : memref<4x128x4xf32, #tpu.memory_space<vmem>> -> memref<1x128x4xf32, #tpu.memory_space<vmem>>
      %dma_wait3A_192 = tpu.memref_squeeze %dma_wait3A_191 : memref<1x128x4xf32, #tpu.memory_space<vmem>> -> memref<128x4xf32, #tpu.memory_space<vmem>>
      %dma_wait3A_193 = arith.constant 0 : i32
      %dma_wait3A_194 = arith.constant 0 : i32
      %dma_wait3A_195 = tpu.memref_slice %arg2[%dma_wait3A_193, %dma_wait3A_194] : memref<100352x4xf32, #tpu.memory_space<hbm>> -> memref<100352x4xf32, #tpu.memory_space<hbm>>
      tpu.wait_indirect_dma semaphore(%arg12 : memref<!tpu.dma_semaphore, #tpu.memory_space<semaphore_mem>>) src(%dma_wait3A_195 : memref<100352x4xf32, #tpu.memory_space<hbm>>) dst(%dma_wait3A_192 : memref<128x4xf32, #tpu.memory_space<vmem>>)
      %dma_wait3A_196 = arith.constant 3 : i32
      %dma_wait3A_197 = arith.constant 0 : i32
      %dma_wait3A_198 = arith.constant 0 : i32
      %dma_wait3A_199 = tpu.memref_slice %arg10[%dma_wait3A_196, %dma_wait3A_197, %dma_wait3A_198] : memref<4x128x4xf32, #tpu.memory_space<vmem>> -> memref<1x128x4xf32, #tpu.memory_space<vmem>>
      %dma_wait3A_200 = tpu.memref_squeeze %dma_wait3A_199 : memref<1x128x4xf32, #tpu.memory_space<vmem>> -> memref<128x4xf32, #tpu.memory_space<vmem>>
      %dma_wait3A_201 = arith.constant 0 : i32
      %dma_wait3A_202 = arith.constant 0 : i32
      %dma_wait3A_203 = tpu.memref_slice %arg2[%dma_wait3A_201, %dma_wait3A_202] : memref<100352x4xf32, #tpu.memory_space<hbm>> -> memref<100352x4xf32, #tpu.memory_space<hbm>>
      tpu.wait_indirect_dma semaphore(%arg12 : memref<!tpu.dma_semaphore, #tpu.memory_space<semaphore_mem>>) src(%dma_wait3A_203 : memref<100352x4xf32, #tpu.memory_space<hbm>>) dst(%dma_wait3A_200 : memref<128x4xf32, #tpu.memory_space<vmem>>)
      %dma_start3A_204 = arith.constant 0 : i32
      %dma_start3A_205 = arith.constant 0 : i32
      %dma_start3A_206 = arith.constant 0 : i32
      %dma_start3A_207 = tpu.memref_slice %arg10[%dma_start3A_204, %dma_start3A_205, %dma_start3A_206] : memref<4x128x4xf32, #tpu.memory_space<vmem>> -> memref<1x128x4xf32, #tpu.memory_space<vmem>>
      %dma_start3A_208 = tpu.memref_squeeze %dma_start3A_207 : memref<1x128x4xf32, #tpu.memory_space<vmem>> -> memref<128x4xf32, #tpu.memory_space<vmem>>
      %dma_start3A_209 = arith.constant 0 : i32
      %dma_start3A_210 = arith.constant 0 : i32
      %dma_start3A_211 = tpu.memref_slice %arg8[%dma_start3A_209, %dma_start3A_210] : memref<100352x4xf32, #tpu.memory_space<vmem_shared>> -> memref<100352x4xf32, #tpu.memory_space<vmem_shared>>
      tpu.enqueue_indirect_dma source(%dma_start3A_208 : memref<128x4xf32, #tpu.memory_space<vmem>>) target(%dma_start3A_211 : memref<100352x4xf32, #tpu.memory_space<vmem_shared>>) offsets(%arg18 : memref<128xi32, #tpu.memory_space<vmem>>) semaphore(%arg13 : memref<!tpu.dma_semaphore, #tpu.memory_space<semaphore_mem>>) {add = true}
      %dma_start3A_212 = arith.constant 0 : i32
      %dma_start3A_213 = arith.constant 0 : i32
      %dma_start3A_214 = tpu.memref_slice %arg22[%dma_start3A_212, %dma_start3A_213] : memref<100352x4xf32, #tpu.memory_space<vmem_shared>> -> memref<100352x4xf32, #tpu.memory_space<vmem_shared>>
      tpu.enqueue_indirect_dma source(%arg23 : memref<128x4xf32, #tpu.memory_space<vmem>>) target(%dma_start3A_214 : memref<100352x4xf32, #tpu.memory_space<vmem_shared>>) offsets(%arg14 : memref<128xi32, #tpu.memory_space<vmem>>) semaphore(%arg13 : memref<!tpu.dma_semaphore, #tpu.memory_space<semaphore_mem>>) {add = true}
      %dma_start3A_215 = arith.constant 1 : i32
      %dma_start3A_216 = arith.constant 0 : i32
      %dma_start3A_217 = arith.constant 0 : i32
      %dma_start3A_218 = tpu.memref_slice %arg10[%dma_start3A_215, %dma_start3A_216, %dma_start3A_217] : memref<4x128x4xf32, #tpu.memory_space<vmem>> -> memref<1x128x4xf32, #tpu.memory_space<vmem>>
      %dma_start3A_219 = tpu.memref_squeeze %dma_start3A_218 : memref<1x128x4xf32, #tpu.memory_space<vmem>> -> memref<128x4xf32, #tpu.memory_space<vmem>>
      %dma_start3A_220 = arith.constant 0 : i32
      %dma_start3A_221 = arith.constant 0 : i32
      %dma_start3A_222 = tpu.memref_slice %arg8[%dma_start3A_220, %dma_start3A_221] : memref<100352x4xf32, #tpu.memory_space<vmem_shared>> -> memref<100352x4xf32, #tpu.memory_space<vmem_shared>>
      tpu.enqueue_indirect_dma source(%dma_start3A_219 : memref<128x4xf32, #tpu.memory_space<vmem>>) target(%dma_start3A_222 : memref<100352x4xf32, #tpu.memory_space<vmem_shared>>) offsets(%arg19 : memref<128xi32, #tpu.memory_space<vmem>>) semaphore(%arg13 : memref<!tpu.dma_semaphore, #tpu.memory_space<semaphore_mem>>) {add = true}
      %dma_start3A_223 = arith.constant 0 : i32
      %dma_start3A_224 = arith.constant 0 : i32
      %dma_start3A_225 = tpu.memref_slice %arg22[%dma_start3A_223, %dma_start3A_224] : memref<100352x4xf32, #tpu.memory_space<vmem_shared>> -> memref<100352x4xf32, #tpu.memory_space<vmem_shared>>
      tpu.enqueue_indirect_dma source(%arg23 : memref<128x4xf32, #tpu.memory_space<vmem>>) target(%dma_start3A_225 : memref<100352x4xf32, #tpu.memory_space<vmem_shared>>) offsets(%arg15 : memref<128xi32, #tpu.memory_space<vmem>>) semaphore(%arg13 : memref<!tpu.dma_semaphore, #tpu.memory_space<semaphore_mem>>) {add = true}
      %dma_start3A_226 = arith.constant 2 : i32
      %dma_start3A_227 = arith.constant 0 : i32
      %dma_start3A_228 = arith.constant 0 : i32
      %dma_start3A_229 = tpu.memref_slice %arg10[%dma_start3A_226, %dma_start3A_227, %dma_start3A_228] : memref<4x128x4xf32, #tpu.memory_space<vmem>> -> memref<1x128x4xf32, #tpu.memory_space<vmem>>
      %dma_start3A_230 = tpu.memref_squeeze %dma_start3A_229 : memref<1x128x4xf32, #tpu.memory_space<vmem>> -> memref<128x4xf32, #tpu.memory_space<vmem>>
      %dma_start3A_231 = arith.constant 0 : i32
      %dma_start3A_232 = arith.constant 0 : i32
      %dma_start3A_233 = tpu.memref_slice %arg8[%dma_start3A_231, %dma_start3A_232] : memref<100352x4xf32, #tpu.memory_space<vmem_shared>> -> memref<100352x4xf32, #tpu.memory_space<vmem_shared>>
      tpu.enqueue_indirect_dma source(%dma_start3A_230 : memref<128x4xf32, #tpu.memory_space<vmem>>) target(%dma_start3A_233 : memref<100352x4xf32, #tpu.memory_space<vmem_shared>>) offsets(%arg20 : memref<128xi32, #tpu.memory_space<vmem>>) semaphore(%arg13 : memref<!tpu.dma_semaphore, #tpu.memory_space<semaphore_mem>>) {add = true}
      %dma_start3A_234 = arith.constant 0 : i32
      %dma_start3A_235 = arith.constant 0 : i32
      %dma_start3A_236 = tpu.memref_slice %arg22[%dma_start3A_234, %dma_start3A_235] : memref<100352x4xf32, #tpu.memory_space<vmem_shared>> -> memref<100352x4xf32, #tpu.memory_space<vmem_shared>>
      tpu.enqueue_indirect_dma source(%arg23 : memref<128x4xf32, #tpu.memory_space<vmem>>) target(%dma_start3A_236 : memref<100352x4xf32, #tpu.memory_space<vmem_shared>>) offsets(%arg16 : memref<128xi32, #tpu.memory_space<vmem>>) semaphore(%arg13 : memref<!tpu.dma_semaphore, #tpu.memory_space<semaphore_mem>>) {add = true}
      %dma_start3A_237 = arith.constant 3 : i32
      %dma_start3A_238 = arith.constant 0 : i32
      %dma_start3A_239 = arith.constant 0 : i32
      %dma_start3A_240 = tpu.memref_slice %arg10[%dma_start3A_237, %dma_start3A_238, %dma_start3A_239] : memref<4x128x4xf32, #tpu.memory_space<vmem>> -> memref<1x128x4xf32, #tpu.memory_space<vmem>>
      %dma_start3A_241 = tpu.memref_squeeze %dma_start3A_240 : memref<1x128x4xf32, #tpu.memory_space<vmem>> -> memref<128x4xf32, #tpu.memory_space<vmem>>
      %dma_start3A_242 = arith.constant 0 : i32
      %dma_start3A_243 = arith.constant 0 : i32
      %dma_start3A_244 = tpu.memref_slice %arg8[%dma_start3A_242, %dma_start3A_243] : memref<100352x4xf32, #tpu.memory_space<vmem_shared>> -> memref<100352x4xf32, #tpu.memory_space<vmem_shared>>
      tpu.enqueue_indirect_dma source(%dma_start3A_241 : memref<128x4xf32, #tpu.memory_space<vmem>>) target(%dma_start3A_244 : memref<100352x4xf32, #tpu.memory_space<vmem_shared>>) offsets(%arg21 : memref<128xi32, #tpu.memory_space<vmem>>) semaphore(%arg13 : memref<!tpu.dma_semaphore, #tpu.memory_space<semaphore_mem>>) {add = true}
      %dma_start3A_245 = arith.constant 0 : i32
      %dma_start3A_246 = arith.constant 0 : i32
      %dma_start3A_247 = tpu.memref_slice %arg22[%dma_start3A_245, %dma_start3A_246] : memref<100352x4xf32, #tpu.memory_space<vmem_shared>> -> memref<100352x4xf32, #tpu.memory_space<vmem_shared>>
      tpu.enqueue_indirect_dma source(%arg23 : memref<128x4xf32, #tpu.memory_space<vmem>>) target(%dma_start3A_247 : memref<100352x4xf32, #tpu.memory_space<vmem_shared>>) offsets(%arg17 : memref<128xi32, #tpu.memory_space<vmem>>) semaphore(%arg13 : memref<!tpu.dma_semaphore, #tpu.memory_space<semaphore_mem>>) {add = true}
      %dma_wait3A_248 = arith.constant 0 : i32
      %dma_wait3A_249 = arith.constant 0 : i32
      %dma_wait3A_250 = arith.constant 0 : i32
      %dma_wait3A_251 = tpu.memref_slice %arg10[%dma_wait3A_248, %dma_wait3A_249, %dma_wait3A_250] : memref<4x128x4xf32, #tpu.memory_space<vmem>> -> memref<1x128x4xf32, #tpu.memory_space<vmem>>
      %dma_wait3A_252 = tpu.memref_squeeze %dma_wait3A_251 : memref<1x128x4xf32, #tpu.memory_space<vmem>> -> memref<128x4xf32, #tpu.memory_space<vmem>>
      %dma_wait3A_253 = arith.constant 0 : i32
      %dma_wait3A_254 = arith.constant 0 : i32
      %dma_wait3A_255 = tpu.memref_slice %arg8[%dma_wait3A_253, %dma_wait3A_254] : memref<100352x4xf32, #tpu.memory_space<vmem_shared>> -> memref<100352x4xf32, #tpu.memory_space<vmem_shared>>
      tpu.wait_indirect_dma semaphore(%arg13 : memref<!tpu.dma_semaphore, #tpu.memory_space<semaphore_mem>>) src(%dma_wait3A_252 : memref<128x4xf32, #tpu.memory_space<vmem>>) dst(%dma_wait3A_255 : memref<100352x4xf32, #tpu.memory_space<vmem_shared>>)
      %dma_wait3A_256 = arith.constant 0 : i32
      %dma_wait3A_257 = arith.constant 0 : i32
      %dma_wait3A_258 = tpu.memref_slice %arg22[%dma_wait3A_256, %dma_wait3A_257] : memref<100352x4xf32, #tpu.memory_space<vmem_shared>> -> memref<100352x4xf32, #tpu.memory_space<vmem_shared>>
      tpu.wait_indirect_dma semaphore(%arg13 : memref<!tpu.dma_semaphore, #tpu.memory_space<semaphore_mem>>) src(%arg23 : memref<128x4xf32, #tpu.memory_space<vmem>>) dst(%dma_wait3A_258 : memref<100352x4xf32, #tpu.memory_space<vmem_shared>>)
      %dma_wait3A_259 = arith.constant 1 : i32
      %dma_wait3A_260 = arith.constant 0 : i32
      %dma_wait3A_261 = arith.constant 0 : i32
      %dma_wait3A_262 = tpu.memref_slice %arg10[%dma_wait3A_259, %dma_wait3A_260, %dma_wait3A_261] : memref<4x128x4xf32, #tpu.memory_space<vmem>> -> memref<1x128x4xf32, #tpu.memory_space<vmem>>
      %dma_wait3A_263 = tpu.memref_squeeze %dma_wait3A_262 : memref<1x128x4xf32, #tpu.memory_space<vmem>> -> memref<128x4xf32, #tpu.memory_space<vmem>>
      %dma_wait3A_264 = arith.constant 0 : i32
      %dma_wait3A_265 = arith.constant 0 : i32
      %dma_wait3A_266 = tpu.memref_slice %arg8[%dma_wait3A_264, %dma_wait3A_265] : memref<100352x4xf32, #tpu.memory_space<vmem_shared>> -> memref<100352x4xf32, #tpu.memory_space<vmem_shared>>
      tpu.wait_indirect_dma semaphore(%arg13 : memref<!tpu.dma_semaphore, #tpu.memory_space<semaphore_mem>>) src(%dma_wait3A_263 : memref<128x4xf32, #tpu.memory_space<vmem>>) dst(%dma_wait3A_266 : memref<100352x4xf32, #tpu.memory_space<vmem_shared>>)
      %dma_wait3A_267 = arith.constant 0 : i32
      %dma_wait3A_268 = arith.constant 0 : i32
      %dma_wait3A_269 = tpu.memref_slice %arg22[%dma_wait3A_267, %dma_wait3A_268] : memref<100352x4xf32, #tpu.memory_space<vmem_shared>> -> memref<100352x4xf32, #tpu.memory_space<vmem_shared>>
      tpu.wait_indirect_dma semaphore(%arg13 : memref<!tpu.dma_semaphore, #tpu.memory_space<semaphore_mem>>) src(%arg23 : memref<128x4xf32, #tpu.memory_space<vmem>>) dst(%dma_wait3A_269 : memref<100352x4xf32, #tpu.memory_space<vmem_shared>>)
      %dma_wait3A_270 = arith.constant 2 : i32
      %dma_wait3A_271 = arith.constant 0 : i32
      %dma_wait3A_272 = arith.constant 0 : i32
      %dma_wait3A_273 = tpu.memref_slice %arg10[%dma_wait3A_270, %dma_wait3A_271, %dma_wait3A_272] : memref<4x128x4xf32, #tpu.memory_space<vmem>> -> memref<1x128x4xf32, #tpu.memory_space<vmem>>
      %dma_wait3A_274 = tpu.memref_squeeze %dma_wait3A_273 : memref<1x128x4xf32, #tpu.memory_space<vmem>> -> memref<128x4xf32, #tpu.memory_space<vmem>>
      %dma_wait3A_275 = arith.constant 0 : i32
      %dma_wait3A_276 = arith.constant 0 : i32
      %dma_wait3A_277 = tpu.memref_slice %arg8[%dma_wait3A_275, %dma_wait3A_276] : memref<100352x4xf32, #tpu.memory_space<vmem_shared>> -> memref<100352x4xf32, #tpu.memory_space<vmem_shared>>
      tpu.wait_indirect_dma semaphore(%arg13 : memref<!tpu.dma_semaphore, #tpu.memory_space<semaphore_mem>>) src(%dma_wait3A_274 : memref<128x4xf32, #tpu.memory_space<vmem>>) dst(%dma_wait3A_277 : memref<100352x4xf32, #tpu.memory_space<vmem_shared>>)
      %dma_wait3A_278 = arith.constant 0 : i32
      %dma_wait3A_279 = arith.constant 0 : i32
      %dma_wait3A_280 = tpu.memref_slice %arg22[%dma_wait3A_278, %dma_wait3A_279] : memref<100352x4xf32, #tpu.memory_space<vmem_shared>> -> memref<100352x4xf32, #tpu.memory_space<vmem_shared>>
      tpu.wait_indirect_dma semaphore(%arg13 : memref<!tpu.dma_semaphore, #tpu.memory_space<semaphore_mem>>) src(%arg23 : memref<128x4xf32, #tpu.memory_space<vmem>>) dst(%dma_wait3A_280 : memref<100352x4xf32, #tpu.memory_space<vmem_shared>>)
      %dma_wait3A_281 = arith.constant 3 : i32
      %dma_wait3A_282 = arith.constant 0 : i32
      %dma_wait3A_283 = arith.constant 0 : i32
      %dma_wait3A_284 = tpu.memref_slice %arg10[%dma_wait3A_281, %dma_wait3A_282, %dma_wait3A_283] : memref<4x128x4xf32, #tpu.memory_space<vmem>> -> memref<1x128x4xf32, #tpu.memory_space<vmem>>
      %dma_wait3A_285 = tpu.memref_squeeze %dma_wait3A_284 : memref<1x128x4xf32, #tpu.memory_space<vmem>> -> memref<128x4xf32, #tpu.memory_space<vmem>>
      %dma_wait3A_286 = arith.constant 0 : i32
      %dma_wait3A_287 = arith.constant 0 : i32
      %dma_wait3A_288 = tpu.memref_slice %arg8[%dma_wait3A_286, %dma_wait3A_287] : memref<100352x4xf32, #tpu.memory_space<vmem_shared>> -> memref<100352x4xf32, #tpu.memory_space<vmem_shared>>
      tpu.wait_indirect_dma semaphore(%arg13 : memref<!tpu.dma_semaphore, #tpu.memory_space<semaphore_mem>>) src(%dma_wait3A_285 : memref<128x4xf32, #tpu.memory_space<vmem>>) dst(%dma_wait3A_288 : memref<100352x4xf32, #tpu.memory_space<vmem_shared>>)
      %dma_wait3A_289 = arith.constant 0 : i32
      %dma_wait3A_290 = arith.constant 0 : i32
      %dma_wait3A_291 = tpu.memref_slice %arg22[%dma_wait3A_289, %dma_wait3A_290] : memref<100352x4xf32, #tpu.memory_space<vmem_shared>> -> memref<100352x4xf32, #tpu.memory_space<vmem_shared>>
      tpu.wait_indirect_dma semaphore(%arg13 : memref<!tpu.dma_semaphore, #tpu.memory_space<semaphore_mem>>) src(%arg23 : memref<128x4xf32, #tpu.memory_space<vmem>>) dst(%dma_wait3A_291 : memref<100352x4xf32, #tpu.memory_space<vmem_shared>>)
    }
    %scan3A_9 = arith.constant 195 : i32
    %scan3A_10 = arith.constant 0 : i32
    %scan3A_11 = arith.constant 0 : i32
    %add3A_12 = arith.constant 780 : i32
    %add3A_13 = arith.addi %mul3A_4, %add3A_12 : i32
    %add3A_14 = arith.addi %add3A_13, %scan3A_11 : i32
    %mul3A_15 = arith.constant 128 : i32
    %mul3A_16 = arith.muli %add3A_14, %mul3A_15 : i32
    %run_scoped3A = arith.constant 0 : i32
    "tpu.region"() ({
      %run_scoped3A_26 = tpu.sem_alloc : memref<!tpu.dma_semaphore, #tpu.memory_space<semaphore_mem>>
      %dma_start3A = tpu.memref_slice %arg3[%run_scoped3A, %mul3A_16] : memref<2x3200000xi32, #tpu.memory_space<hbm>> -> memref<1x128xi32, #tpu.memory_space<hbm>>
      %dma_start3A_27 = tpu.memref_squeeze %dma_start3A : memref<1x128xi32, #tpu.memory_space<hbm>> -> memref<128xi32, #tpu.memory_space<hbm>>
      %dma_start3A_28 = tpu.memref_slice %arg3[%run_scoped3A, %mul3A_16] : memref<2x3200000xi32, #tpu.memory_space<hbm>> -> memref<1x128xi32, #tpu.memory_space<hbm>>
      %dma_start3A_29 = tpu.memref_squeeze %dma_start3A_28 : memref<1x128xi32, #tpu.memory_space<hbm>> -> memref<128xi32, #tpu.memory_space<hbm>>
      tpu.enqueue_dma source(%dma_start3A_29 : memref<128xi32, #tpu.memory_space<hbm>>) target(%arg14 : memref<128xi32, #tpu.memory_space<vmem>>) target_semaphore(%run_scoped3A_26 : memref<!tpu.dma_semaphore, #tpu.memory_space<semaphore_mem>>)
      %dma_wait3A = tpu.memref_slice %arg3[%run_scoped3A, %mul3A_16] : memref<2x3200000xi32, #tpu.memory_space<hbm>> -> memref<1x128xi32, #tpu.memory_space<hbm>>
      %dma_wait3A_30 = tpu.memref_squeeze %dma_wait3A : memref<1x128xi32, #tpu.memory_space<hbm>> -> memref<128xi32, #tpu.memory_space<hbm>>
      %dma_wait3A_31 = tpu.memref_slice %arg3[%run_scoped3A, %mul3A_16] : memref<2x3200000xi32, #tpu.memory_space<hbm>> -> memref<1x128xi32, #tpu.memory_space<hbm>>
      %dma_wait3A_32 = tpu.memref_squeeze %dma_wait3A_31 : memref<1x128xi32, #tpu.memory_space<hbm>> -> memref<128xi32, #tpu.memory_space<hbm>>
      tpu.wait_dma2 semaphore(%run_scoped3A_26 : memref<!tpu.dma_semaphore, #tpu.memory_space<semaphore_mem>>) src(%dma_wait3A_32 : memref<128xi32, #tpu.memory_space<hbm>>) dst(%arg14 : memref<128xi32, #tpu.memory_space<vmem>>)
      tpu.yield
    }) : () -> ()
    %mul3A_17 = arith.constant 128 : i32
    %mul3A_18 = arith.muli %add3A_14, %mul3A_17 : i32
    %run_scoped3A_19 = arith.constant 1 : i32
    "tpu.region"() ({
      %run_scoped3A_26 = tpu.sem_alloc : memref<!tpu.dma_semaphore, #tpu.memory_space<semaphore_mem>>
      %dma_start3A = tpu.memref_slice %arg3[%run_scoped3A_19, %mul3A_18] : memref<2x3200000xi32, #tpu.memory_space<hbm>> -> memref<1x128xi32, #tpu.memory_space<hbm>>
      %dma_start3A_27 = tpu.memref_squeeze %dma_start3A : memref<1x128xi32, #tpu.memory_space<hbm>> -> memref<128xi32, #tpu.memory_space<hbm>>
      %dma_start3A_28 = tpu.memref_slice %arg3[%run_scoped3A_19, %mul3A_18] : memref<2x3200000xi32, #tpu.memory_space<hbm>> -> memref<1x128xi32, #tpu.memory_space<hbm>>
      %dma_start3A_29 = tpu.memref_squeeze %dma_start3A_28 : memref<1x128xi32, #tpu.memory_space<hbm>> -> memref<128xi32, #tpu.memory_space<hbm>>
      tpu.enqueue_dma source(%dma_start3A_29 : memref<128xi32, #tpu.memory_space<hbm>>) target(%arg18 : memref<128xi32, #tpu.memory_space<vmem>>) target_semaphore(%run_scoped3A_26 : memref<!tpu.dma_semaphore, #tpu.memory_space<semaphore_mem>>)
      %dma_wait3A = tpu.memref_slice %arg3[%run_scoped3A_19, %mul3A_18] : memref<2x3200000xi32, #tpu.memory_space<hbm>> -> memref<1x128xi32, #tpu.memory_space<hbm>>
      %dma_wait3A_30 = tpu.memref_squeeze %dma_wait3A : memref<1x128xi32, #tpu.memory_space<hbm>> -> memref<128xi32, #tpu.memory_space<hbm>>
      %dma_wait3A_31 = tpu.memref_slice %arg3[%run_scoped3A_19, %mul3A_18] : memref<2x3200000xi32, #tpu.memory_space<hbm>> -> memref<1x128xi32, #tpu.memory_space<hbm>>
      %dma_wait3A_32 = tpu.memref_squeeze %dma_wait3A_31 : memref<1x128xi32, #tpu.memory_space<hbm>> -> memref<128xi32, #tpu.memory_space<hbm>>
      tpu.wait_dma2 semaphore(%run_scoped3A_26 : memref<!tpu.dma_semaphore, #tpu.memory_space<semaphore_mem>>) src(%dma_wait3A_32 : memref<128xi32, #tpu.memory_space<hbm>>) dst(%arg18 : memref<128xi32, #tpu.memory_space<vmem>>)
      tpu.yield
    }) : () -> ()
    %run_scoped3A_20 = arith.constant 0 : i32
    "tpu.region"() ({
      %run_scoped3A_26 = tpu.sem_alloc : memref<!tpu.dma_semaphore, #tpu.memory_space<semaphore_mem>>
      %dma_start3A = arith.constant 0 : i32
      %dma_start3A_27 = arith.constant 0 : i32
      %dma_start3A_28 = tpu.memref_slice %arg10[%run_scoped3A_20, %dma_start3A, %dma_start3A_27] : memref<4x128x4xf32, #tpu.memory_space<vmem>> -> memref<1x128x4xf32, #tpu.memory_space<vmem>>
      %dma_start3A_29 = tpu.memref_squeeze %dma_start3A_28 : memref<1x128x4xf32, #tpu.memory_space<vmem>> -> memref<128x4xf32, #tpu.memory_space<vmem>>
      %dma_start3A_30 = arith.constant 0 : i32
      %dma_start3A_31 = arith.constant 0 : i32
      %dma_start3A_32 = tpu.memref_slice %arg2[%dma_start3A_30, %dma_start3A_31] : memref<100352x4xf32, #tpu.memory_space<hbm>> -> memref<100352x4xf32, #tpu.memory_space<hbm>>
      tpu.enqueue_indirect_dma source(%dma_start3A_32 : memref<100352x4xf32, #tpu.memory_space<hbm>>) target(%dma_start3A_29 : memref<128x4xf32, #tpu.memory_space<vmem>>) offsets(%arg14 : memref<128xi32, #tpu.memory_space<vmem>>) semaphore(%run_scoped3A_26 : memref<!tpu.dma_semaphore, #tpu.memory_space<semaphore_mem>>)
      %dma_wait3A = arith.constant 0 : i32
      %dma_wait3A_33 = arith.constant 0 : i32
      %dma_wait3A_34 = tpu.memref_slice %arg10[%run_scoped3A_20, %dma_wait3A, %dma_wait3A_33] : memref<4x128x4xf32, #tpu.memory_space<vmem>> -> memref<1x128x4xf32, #tpu.memory_space<vmem>>
      %dma_wait3A_35 = tpu.memref_squeeze %dma_wait3A_34 : memref<1x128x4xf32, #tpu.memory_space<vmem>> -> memref<128x4xf32, #tpu.memory_space<vmem>>
      %dma_wait3A_36 = arith.constant 0 : i32
      %dma_wait3A_37 = arith.constant 0 : i32
      %dma_wait3A_38 = tpu.memref_slice %arg2[%dma_wait3A_36, %dma_wait3A_37] : memref<100352x4xf32, #tpu.memory_space<hbm>> -> memref<100352x4xf32, #tpu.memory_space<hbm>>
      tpu.wait_indirect_dma semaphore(%run_scoped3A_26 : memref<!tpu.dma_semaphore, #tpu.memory_space<semaphore_mem>>) src(%dma_wait3A_38 : memref<100352x4xf32, #tpu.memory_space<hbm>>) dst(%dma_wait3A_35 : memref<128x4xf32, #tpu.memory_space<vmem>>)
      tpu.yield
    }) : () -> ()
    "tpu.region"() ({
      %run_scoped3A_26 = tpu.sem_alloc : memref<!tpu.dma_semaphore, #tpu.memory_space<semaphore_mem>>
      %dma_start3A = arith.constant 0 : i32
      %dma_start3A_27 = arith.constant 0 : i32
      %dma_start3A_28 = tpu.memref_slice %arg22[%dma_start3A, %dma_start3A_27] : memref<100352x4xf32, #tpu.memory_space<vmem_shared>> -> memref<100352x4xf32, #tpu.memory_space<vmem_shared>>
      tpu.enqueue_indirect_dma source(%arg23 : memref<128x4xf32, #tpu.memory_space<vmem>>) target(%dma_start3A_28 : memref<100352x4xf32, #tpu.memory_space<vmem_shared>>) offsets(%arg14 : memref<128xi32, #tpu.memory_space<vmem>>) semaphore(%run_scoped3A_26 : memref<!tpu.dma_semaphore, #tpu.memory_space<semaphore_mem>>) {add = true}
      %dma_wait3A = arith.constant 0 : i32
      %dma_wait3A_29 = arith.constant 0 : i32
      %dma_wait3A_30 = tpu.memref_slice %arg22[%dma_wait3A, %dma_wait3A_29] : memref<100352x4xf32, #tpu.memory_space<vmem_shared>> -> memref<100352x4xf32, #tpu.memory_space<vmem_shared>>
      tpu.wait_indirect_dma semaphore(%run_scoped3A_26 : memref<!tpu.dma_semaphore, #tpu.memory_space<semaphore_mem>>) src(%arg23 : memref<128x4xf32, #tpu.memory_space<vmem>>) dst(%dma_wait3A_30 : memref<100352x4xf32, #tpu.memory_space<vmem_shared>>)
      tpu.yield
    }) : () -> ()
    %run_scoped3A_21 = arith.constant 0 : i32
    "tpu.region"() ({
      %run_scoped3A_26 = tpu.sem_alloc : memref<!tpu.dma_semaphore, #tpu.memory_space<semaphore_mem>>
      %dma_start3A = arith.constant 0 : i32
      %dma_start3A_27 = arith.constant 0 : i32
      %dma_start3A_28 = tpu.memref_slice %arg10[%run_scoped3A_21, %dma_start3A, %dma_start3A_27] : memref<4x128x4xf32, #tpu.memory_space<vmem>> -> memref<1x128x4xf32, #tpu.memory_space<vmem>>
      %dma_start3A_29 = tpu.memref_squeeze %dma_start3A_28 : memref<1x128x4xf32, #tpu.memory_space<vmem>> -> memref<128x4xf32, #tpu.memory_space<vmem>>
      %dma_start3A_30 = arith.constant 0 : i32
      %dma_start3A_31 = arith.constant 0 : i32
      %dma_start3A_32 = tpu.memref_slice %arg8[%dma_start3A_30, %dma_start3A_31] : memref<100352x4xf32, #tpu.memory_space<vmem_shared>> -> memref<100352x4xf32, #tpu.memory_space<vmem_shared>>
      tpu.enqueue_indirect_dma source(%dma_start3A_29 : memref<128x4xf32, #tpu.memory_space<vmem>>) target(%dma_start3A_32 : memref<100352x4xf32, #tpu.memory_space<vmem_shared>>) offsets(%arg18 : memref<128xi32, #tpu.memory_space<vmem>>) semaphore(%run_scoped3A_26 : memref<!tpu.dma_semaphore, #tpu.memory_space<semaphore_mem>>) {add = true}
      %dma_wait3A = arith.constant 0 : i32
      %dma_wait3A_33 = arith.constant 0 : i32
      %dma_wait3A_34 = tpu.memref_slice %arg10[%run_scoped3A_21, %dma_wait3A, %dma_wait3A_33] : memref<4x128x4xf32, #tpu.memory_space<vmem>> -> memref<1x128x4xf32, #tpu.memory_space<vmem>>
      %dma_wait3A_35 = tpu.memref_squeeze %dma_wait3A_34 : memref<1x128x4xf32, #tpu.memory_space<vmem>> -> memref<128x4xf32, #tpu.memory_space<vmem>>
      %dma_wait3A_36 = arith.constant 0 : i32
      %dma_wait3A_37 = arith.constant 0 : i32
      %dma_wait3A_38 = tpu.memref_slice %arg8[%dma_wait3A_36, %dma_wait3A_37] : memref<100352x4xf32, #tpu.memory_space<vmem_shared>> -> memref<100352x4xf32, #tpu.memory_space<vmem_shared>>
      tpu.wait_indirect_dma semaphore(%run_scoped3A_26 : memref<!tpu.dma_semaphore, #tpu.memory_space<semaphore_mem>>) src(%dma_wait3A_35 : memref<128x4xf32, #tpu.memory_space<vmem>>) dst(%dma_wait3A_38 : memref<100352x4xf32, #tpu.memory_space<vmem_shared>>)
      tpu.yield
    }) : () -> ()
    %scan3A_22 = arith.constant 1 : i32
    %lt3A = arith.constant 8 : i32
    %lt3A_23 = arith.cmpi slt, %add3A, %lt3A : i32
    %convert_element_type3A = arith.extui %lt3A_23 : i1 to i32
    %cond3A = arith.constant 0 : i32
    %cond3A_24 = arith.cmpi ne, %convert_element_type3A, %cond3A : i32
    scf.if %cond3A_24 {
      %add3A_26 = arith.constant 24992 : i32
      %add3A_27 = arith.addi %add3A_26, %add3A : i32
      %mul3A_28 = arith.constant 128 : i32
      %mul3A_29 = arith.muli %add3A_27, %mul3A_28 : i32
      %run_scoped3A_30 = arith.constant 0 : i32
      "tpu.region"() ({
        %run_scoped3A_36 = tpu.sem_alloc : memref<!tpu.dma_semaphore, #tpu.memory_space<semaphore_mem>>
        %dma_start3A = tpu.memref_slice %arg3[%run_scoped3A_30, %mul3A_29] : memref<2x3200000xi32, #tpu.memory_space<hbm>> -> memref<1x128xi32, #tpu.memory_space<hbm>>
        %dma_start3A_37 = tpu.memref_squeeze %dma_start3A : memref<1x128xi32, #tpu.memory_space<hbm>> -> memref<128xi32, #tpu.memory_space<hbm>>
        %dma_start3A_38 = tpu.memref_slice %arg3[%run_scoped3A_30, %mul3A_29] : memref<2x3200000xi32, #tpu.memory_space<hbm>> -> memref<1x128xi32, #tpu.memory_space<hbm>>
        %dma_start3A_39 = tpu.memref_squeeze %dma_start3A_38 : memref<1x128xi32, #tpu.memory_space<hbm>> -> memref<128xi32, #tpu.memory_space<hbm>>
        tpu.enqueue_dma source(%dma_start3A_39 : memref<128xi32, #tpu.memory_space<hbm>>) target(%arg14 : memref<128xi32, #tpu.memory_space<vmem>>) target_semaphore(%run_scoped3A_36 : memref<!tpu.dma_semaphore, #tpu.memory_space<semaphore_mem>>)
        %dma_wait3A = tpu.memref_slice %arg3[%run_scoped3A_30, %mul3A_29] : memref<2x3200000xi32, #tpu.memory_space<hbm>> -> memref<1x128xi32, #tpu.memory_space<hbm>>
        %dma_wait3A_40 = tpu.memref_squeeze %dma_wait3A : memref<1x128xi32, #tpu.memory_space<hbm>> -> memref<128xi32, #tpu.memory_space<hbm>>
        %dma_wait3A_41 = tpu.memref_slice %arg3[%run_scoped3A_30, %mul3A_29] : memref<2x3200000xi32, #tpu.memory_space<hbm>> -> memref<1x128xi32, #tpu.memory_space<hbm>>
        %dma_wait3A_42 = tpu.memref_squeeze %dma_wait3A_41 : memref<1x128xi32, #tpu.memory_space<hbm>> -> memref<128xi32, #tpu.memory_space<hbm>>
        tpu.wait_dma2 semaphore(%run_scoped3A_36 : memref<!tpu.dma_semaphore, #tpu.memory_space<semaphore_mem>>) src(%dma_wait3A_42 : memref<128xi32, #tpu.memory_space<hbm>>) dst(%arg14 : memref<128xi32, #tpu.memory_space<vmem>>)
        tpu.yield
      }) : () -> ()
      %mul3A_31 = arith.constant 128 : i32
      %mul3A_32 = arith.muli %add3A_27, %mul3A_31 : i32
      %run_scoped3A_33 = arith.constant 1 : i32
      "tpu.region"() ({
        %run_scoped3A_36 = tpu.sem_alloc : memref<!tpu.dma_semaphore, #tpu.memory_space<semaphore_mem>>
        %dma_start3A = tpu.memref_slice %arg3[%run_scoped3A_33, %mul3A_32] : memref<2x3200000xi32, #tpu.memory_space<hbm>> -> memref<1x128xi32, #tpu.memory_space<hbm>>
        %dma_start3A_37 = tpu.memref_squeeze %dma_start3A : memref<1x128xi32, #tpu.memory_space<hbm>> -> memref<128xi32, #tpu.memory_space<hbm>>
        %dma_start3A_38 = tpu.memref_slice %arg3[%run_scoped3A_33, %mul3A_32] : memref<2x3200000xi32, #tpu.memory_space<hbm>> -> memref<1x128xi32, #tpu.memory_space<hbm>>
        %dma_start3A_39 = tpu.memref_squeeze %dma_start3A_38 : memref<1x128xi32, #tpu.memory_space<hbm>> -> memref<128xi32, #tpu.memory_space<hbm>>
        tpu.enqueue_dma source(%dma_start3A_39 : memref<128xi32, #tpu.memory_space<hbm>>) target(%arg18 : memref<128xi32, #tpu.memory_space<vmem>>) target_semaphore(%run_scoped3A_36 : memref<!tpu.dma_semaphore, #tpu.memory_space<semaphore_mem>>)
        %dma_wait3A = tpu.memref_slice %arg3[%run_scoped3A_33, %mul3A_32] : memref<2x3200000xi32, #tpu.memory_space<hbm>> -> memref<1x128xi32, #tpu.memory_space<hbm>>
        %dma_wait3A_40 = tpu.memref_squeeze %dma_wait3A : memref<1x128xi32, #tpu.memory_space<hbm>> -> memref<128xi32, #tpu.memory_space<hbm>>
        %dma_wait3A_41 = tpu.memref_slice %arg3[%run_scoped3A_33, %mul3A_32] : memref<2x3200000xi32, #tpu.memory_space<hbm>> -> memref<1x128xi32, #tpu.memory_space<hbm>>
        %dma_wait3A_42 = tpu.memref_squeeze %dma_wait3A_41 : memref<1x128xi32, #tpu.memory_space<hbm>> -> memref<128xi32, #tpu.memory_space<hbm>>
        tpu.wait_dma2 semaphore(%run_scoped3A_36 : memref<!tpu.dma_semaphore, #tpu.memory_space<semaphore_mem>>) src(%dma_wait3A_42 : memref<128xi32, #tpu.memory_space<hbm>>) dst(%arg18 : memref<128xi32, #tpu.memory_space<vmem>>)
        tpu.yield
      }) : () -> ()
      %run_scoped3A_34 = arith.constant 0 : i32
      "tpu.region"() ({
        %run_scoped3A_36 = tpu.sem_alloc : memref<!tpu.dma_semaphore, #tpu.memory_space<semaphore_mem>>
        %dma_start3A = arith.constant 0 : i32
        %dma_start3A_37 = arith.constant 0 : i32
        %dma_start3A_38 = tpu.memref_slice %arg10[%run_scoped3A_34, %dma_start3A, %dma_start3A_37] : memref<4x128x4xf32, #tpu.memory_space<vmem>> -> memref<1x128x4xf32, #tpu.memory_space<vmem>>
        %dma_start3A_39 = tpu.memref_squeeze %dma_start3A_38 : memref<1x128x4xf32, #tpu.memory_space<vmem>> -> memref<128x4xf32, #tpu.memory_space<vmem>>
        %dma_start3A_40 = arith.constant 0 : i32
        %dma_start3A_41 = arith.constant 0 : i32
        %dma_start3A_42 = tpu.memref_slice %arg2[%dma_start3A_40, %dma_start3A_41] : memref<100352x4xf32, #tpu.memory_space<hbm>> -> memref<100352x4xf32, #tpu.memory_space<hbm>>
        tpu.enqueue_indirect_dma source(%dma_start3A_42 : memref<100352x4xf32, #tpu.memory_space<hbm>>) target(%dma_start3A_39 : memref<128x4xf32, #tpu.memory_space<vmem>>) offsets(%arg14 : memref<128xi32, #tpu.memory_space<vmem>>) semaphore(%run_scoped3A_36 : memref<!tpu.dma_semaphore, #tpu.memory_space<semaphore_mem>>)
        %dma_wait3A = arith.constant 0 : i32
        %dma_wait3A_43 = arith.constant 0 : i32
        %dma_wait3A_44 = tpu.memref_slice %arg10[%run_scoped3A_34, %dma_wait3A, %dma_wait3A_43] : memref<4x128x4xf32, #tpu.memory_space<vmem>> -> memref<1x128x4xf32, #tpu.memory_space<vmem>>
        %dma_wait3A_45 = tpu.memref_squeeze %dma_wait3A_44 : memref<1x128x4xf32, #tpu.memory_space<vmem>> -> memref<128x4xf32, #tpu.memory_space<vmem>>
        %dma_wait3A_46 = arith.constant 0 : i32
        %dma_wait3A_47 = arith.constant 0 : i32
        %dma_wait3A_48 = tpu.memref_slice %arg2[%dma_wait3A_46, %dma_wait3A_47] : memref<100352x4xf32, #tpu.memory_space<hbm>> -> memref<100352x4xf32, #tpu.memory_space<hbm>>
        tpu.wait_indirect_dma semaphore(%run_scoped3A_36 : memref<!tpu.dma_semaphore, #tpu.memory_space<semaphore_mem>>) src(%dma_wait3A_48 : memref<100352x4xf32, #tpu.memory_space<hbm>>) dst(%dma_wait3A_45 : memref<128x4xf32, #tpu.memory_space<vmem>>)
        tpu.yield
      }) : () -> ()
      "tpu.region"() ({
        %run_scoped3A_36 = tpu.sem_alloc : memref<!tpu.dma_semaphore, #tpu.memory_space<semaphore_mem>>
        %dma_start3A = arith.constant 0 : i32
        %dma_start3A_37 = arith.constant 0 : i32
        %dma_start3A_38 = tpu.memref_slice %arg22[%dma_start3A, %dma_start3A_37] : memref<100352x4xf32, #tpu.memory_space<vmem_shared>> -> memref<100352x4xf32, #tpu.memory_space<vmem_shared>>
        tpu.enqueue_indirect_dma source(%arg23 : memref<128x4xf32, #tpu.memory_space<vmem>>) target(%dma_start3A_38 : memref<100352x4xf32, #tpu.memory_space<vmem_shared>>) offsets(%arg14 : memref<128xi32, #tpu.memory_space<vmem>>) semaphore(%run_scoped3A_36 : memref<!tpu.dma_semaphore, #tpu.memory_space<semaphore_mem>>) {add = true}
        %dma_wait3A = arith.constant 0 : i32
        %dma_wait3A_39 = arith.constant 0 : i32
        %dma_wait3A_40 = tpu.memref_slice %arg22[%dma_wait3A, %dma_wait3A_39] : memref<100352x4xf32, #tpu.memory_space<vmem_shared>> -> memref<100352x4xf32, #tpu.memory_space<vmem_shared>>
        tpu.wait_indirect_dma semaphore(%run_scoped3A_36 : memref<!tpu.dma_semaphore, #tpu.memory_space<semaphore_mem>>) src(%arg23 : memref<128x4xf32, #tpu.memory_space<vmem>>) dst(%dma_wait3A_40 : memref<100352x4xf32, #tpu.memory_space<vmem_shared>>)
        tpu.yield
      }) : () -> ()
      %run_scoped3A_35 = arith.constant 0 : i32
      "tpu.region"() ({
        %run_scoped3A_36 = tpu.sem_alloc : memref<!tpu.dma_semaphore, #tpu.memory_space<semaphore_mem>>
        %dma_start3A = arith.constant 0 : i32
        %dma_start3A_37 = arith.constant 0 : i32
        %dma_start3A_38 = tpu.memref_slice %arg10[%run_scoped3A_35, %dma_start3A, %dma_start3A_37] : memref<4x128x4xf32, #tpu.memory_space<vmem>> -> memref<1x128x4xf32, #tpu.memory_space<vmem>>
        %dma_start3A_39 = tpu.memref_squeeze %dma_start3A_38 : memref<1x128x4xf32, #tpu.memory_space<vmem>> -> memref<128x4xf32, #tpu.memory_space<vmem>>
        %dma_start3A_40 = arith.constant 0 : i32
        %dma_start3A_41 = arith.constant 0 : i32
        %dma_start3A_42 = tpu.memref_slice %arg8[%dma_start3A_40, %dma_start3A_41] : memref<100352x4xf32, #tpu.memory_space<vmem_shared>> -> memref<100352x4xf32, #tpu.memory_space<vmem_shared>>
        tpu.enqueue_indirect_dma source(%dma_start3A_39 : memref<128x4xf32, #tpu.memory_space<vmem>>) target(%dma_start3A_42 : memref<100352x4xf32, #tpu.memory_space<vmem_shared>>) offsets(%arg18 : memref<128xi32, #tpu.memory_space<vmem>>) semaphore(%run_scoped3A_36 : memref<!tpu.dma_semaphore, #tpu.memory_space<semaphore_mem>>) {add = true}
        %dma_wait3A = arith.constant 0 : i32
        %dma_wait3A_43 = arith.constant 0 : i32
        %dma_wait3A_44 = tpu.memref_slice %arg10[%run_scoped3A_35, %dma_wait3A, %dma_wait3A_43] : memref<4x128x4xf32, #tpu.memory_space<vmem>> -> memref<1x128x4xf32, #tpu.memory_space<vmem>>
        %dma_wait3A_45 = tpu.memref_squeeze %dma_wait3A_44 : memref<1x128x4xf32, #tpu.memory_space<vmem>> -> memref<128x4xf32, #tpu.memory_space<vmem>>
        %dma_wait3A_46 = arith.constant 0 : i32
        %dma_wait3A_47 = arith.constant 0 : i32
        %dma_wait3A_48 = tpu.memref_slice %arg8[%dma_wait3A_46, %dma_wait3A_47] : memref<100352x4xf32, #tpu.memory_space<vmem_shared>> -> memref<100352x4xf32, #tpu.memory_space<vmem_shared>>
        tpu.wait_indirect_dma semaphore(%run_scoped3A_36 : memref<!tpu.dma_semaphore, #tpu.memory_space<semaphore_mem>>) src(%dma_wait3A_45 : memref<128x4xf32, #tpu.memory_space<vmem>>) dst(%dma_wait3A_48 : memref<100352x4xf32, #tpu.memory_space<vmem_shared>>)
        tpu.yield
      }) : () -> ()
    } else {
    }
    %barrier3A_25 = arith.constant 0 : index
    tpu.barrier barrier_id(%barrier3A_25)
    "tpu.region"() ({
      %run_scoped3A_26 = tpu.sem_alloc : memref<!tpu.dma_semaphore, #tpu.memory_space<semaphore_mem>>
      %dma_start3A = arith.constant 0 : i32
      %dma_start3A_27 = tpu.memref_slice %arg8[%mul3A_2, %dma_start3A] : memref<100352x4xf32, #tpu.memory_space<vmem_shared>> -> memref<6272x4xf32, #tpu.memory_space<vmem_shared>>
      %dma_start3A_28 = arith.constant 0 : i32
      %dma_start3A_29 = tpu.memref_slice %arg8[%mul3A_2, %dma_start3A_28] : memref<100352x4xf32, #tpu.memory_space<vmem_shared>> -> memref<6272x4xf32, #tpu.memory_space<vmem_shared>>
      tpu.enqueue_dma source(%dma_start3A_29 : memref<6272x4xf32, #tpu.memory_space<vmem_shared>>) target(%arg9 : memref<6272x4xf32, #tpu.memory_space<vmem>>) target_semaphore(%run_scoped3A_26 : memref<!tpu.dma_semaphore, #tpu.memory_space<semaphore_mem>>)
      %dma_wait3A = arith.constant 0 : i32
      %dma_wait3A_30 = tpu.memref_slice %arg8[%mul3A_2, %dma_wait3A] : memref<100352x4xf32, #tpu.memory_space<vmem_shared>> -> memref<6272x4xf32, #tpu.memory_space<vmem_shared>>
      %dma_wait3A_31 = arith.constant 0 : i32
      %dma_wait3A_32 = tpu.memref_slice %arg8[%mul3A_2, %dma_wait3A_31] : memref<100352x4xf32, #tpu.memory_space<vmem_shared>> -> memref<6272x4xf32, #tpu.memory_space<vmem_shared>>
      tpu.wait_dma2 semaphore(%run_scoped3A_26 : memref<!tpu.dma_semaphore, #tpu.memory_space<semaphore_mem>>) src(%dma_wait3A_32 : memref<6272x4xf32, #tpu.memory_space<vmem_shared>>) dst(%arg9 : memref<6272x4xf32, #tpu.memory_space<vmem>>)
      tpu.yield
    }) : () -> ()
    "tpu.region"() ({
      %run_scoped3A_26 = tpu.sem_alloc : memref<!tpu.dma_semaphore, #tpu.memory_space<semaphore_mem>>
      %dma_start3A = arith.constant 0 : i32
      %dma_start3A_27 = tpu.memref_slice %arg6[%arg0, %mul3A_2, %dma_start3A] : memref<2x100352x4xf32, #tpu.memory_space<hbm>> -> memref<1x6272x4xf32, #tpu.memory_space<hbm>>
      %dma_start3A_28 = tpu.memref_squeeze %dma_start3A_27 : memref<1x6272x4xf32, #tpu.memory_space<hbm>> -> memref<6272x4xf32, #tpu.memory_space<hbm>>
      %dma_start3A_29 = arith.constant 0 : i32
      %dma_start3A_30 = tpu.memref_slice %arg6[%arg0, %mul3A_2, %dma_start3A_29] : memref<2x100352x4xf32, #tpu.memory_space<hbm>> -> memref<1x6272x4xf32, #tpu.memory_space<hbm>>
      %dma_start3A_31 = tpu.memref_squeeze %dma_start3A_30 : memref<1x6272x4xf32, #tpu.memory_space<hbm>> -> memref<6272x4xf32, #tpu.memory_space<hbm>>
      tpu.enqueue_dma source(%arg9 : memref<6272x4xf32, #tpu.memory_space<vmem>>) target(%dma_start3A_31 : memref<6272x4xf32, #tpu.memory_space<hbm>>) target_semaphore(%run_scoped3A_26 : memref<!tpu.dma_semaphore, #tpu.memory_space<semaphore_mem>>)
      %dma_wait3A = arith.constant 0 : i32
      %dma_wait3A_32 = tpu.memref_slice %arg6[%arg0, %mul3A_2, %dma_wait3A] : memref<2x100352x4xf32, #tpu.memory_space<hbm>> -> memref<1x6272x4xf32, #tpu.memory_space<hbm>>
      %dma_wait3A_33 = tpu.memref_squeeze %dma_wait3A_32 : memref<1x6272x4xf32, #tpu.memory_space<hbm>> -> memref<6272x4xf32, #tpu.memory_space<hbm>>
      %dma_wait3A_34 = arith.constant 0 : i32
      %dma_wait3A_35 = tpu.memref_slice %arg6[%arg0, %mul3A_2, %dma_wait3A_34] : memref<2x100352x4xf32, #tpu.memory_space<hbm>> -> memref<1x6272x4xf32, #tpu.memory_space<hbm>>
      %dma_wait3A_36 = tpu.memref_squeeze %dma_wait3A_35 : memref<1x6272x4xf32, #tpu.memory_space<hbm>> -> memref<6272x4xf32, #tpu.memory_space<hbm>>
      tpu.wait_dma2 semaphore(%run_scoped3A_26 : memref<!tpu.dma_semaphore, #tpu.memory_space<semaphore_mem>>) src(%arg9 : memref<6272x4xf32, #tpu.memory_space<vmem>>) dst(%dma_wait3A_36 : memref<6272x4xf32, #tpu.memory_space<hbm>>)
      tpu.yield
    }) : () -> ()
    "tpu.region"() ({
      %run_scoped3A_26 = tpu.sem_alloc : memref<!tpu.dma_semaphore, #tpu.memory_space<semaphore_mem>>
      %dma_start3A = arith.constant 0 : i32
      %dma_start3A_27 = tpu.memref_slice %arg22[%mul3A_2, %dma_start3A] : memref<100352x4xf32, #tpu.memory_space<vmem_shared>> -> memref<6272x4xf32, #tpu.memory_space<vmem_shared>>
      %dma_start3A_28 = arith.constant 0 : i32
      %dma_start3A_29 = tpu.memref_slice %arg22[%mul3A_2, %dma_start3A_28] : memref<100352x4xf32, #tpu.memory_space<vmem_shared>> -> memref<6272x4xf32, #tpu.memory_space<vmem_shared>>
      tpu.enqueue_dma source(%dma_start3A_29 : memref<6272x4xf32, #tpu.memory_space<vmem_shared>>) target(%arg9 : memref<6272x4xf32, #tpu.memory_space<vmem>>) target_semaphore(%run_scoped3A_26 : memref<!tpu.dma_semaphore, #tpu.memory_space<semaphore_mem>>)
      %dma_wait3A = arith.constant 0 : i32
      %dma_wait3A_30 = tpu.memref_slice %arg22[%mul3A_2, %dma_wait3A] : memref<100352x4xf32, #tpu.memory_space<vmem_shared>> -> memref<6272x4xf32, #tpu.memory_space<vmem_shared>>
      %dma_wait3A_31 = arith.constant 0 : i32
      %dma_wait3A_32 = tpu.memref_slice %arg22[%mul3A_2, %dma_wait3A_31] : memref<100352x4xf32, #tpu.memory_space<vmem_shared>> -> memref<6272x4xf32, #tpu.memory_space<vmem_shared>>
      tpu.wait_dma2 semaphore(%run_scoped3A_26 : memref<!tpu.dma_semaphore, #tpu.memory_space<semaphore_mem>>) src(%dma_wait3A_32 : memref<6272x4xf32, #tpu.memory_space<vmem_shared>>) dst(%arg9 : memref<6272x4xf32, #tpu.memory_space<vmem>>)
      tpu.yield
    }) : () -> ()
    "tpu.region"() ({
      %run_scoped3A_26 = tpu.sem_alloc : memref<!tpu.dma_semaphore, #tpu.memory_space<semaphore_mem>>
      %dma_start3A = arith.constant 0 : i32
      %dma_start3A_27 = tpu.memref_slice %arg7[%arg0, %mul3A_2, %dma_start3A] : memref<2x100352x4xf32, #tpu.memory_space<hbm>> -> memref<1x6272x4xf32, #tpu.memory_space<hbm>>
      %dma_start3A_28 = tpu.memref_squeeze %dma_start3A_27 : memref<1x6272x4xf32, #tpu.memory_space<hbm>> -> memref<6272x4xf32, #tpu.memory_space<hbm>>
      %dma_start3A_29 = arith.constant 0 : i32
      %dma_start3A_30 = tpu.memref_slice %arg7[%arg0, %mul3A_2, %dma_start3A_29] : memref<2x100352x4xf32, #tpu.memory_space<hbm>> -> memref<1x6272x4xf32, #tpu.memory_space<hbm>>
      %dma_start3A_31 = tpu.memref_squeeze %dma_start3A_30 : memref<1x6272x4xf32, #tpu.memory_space<hbm>> -> memref<6272x4xf32, #tpu.memory_space<hbm>>
      tpu.enqueue_dma source(%arg9 : memref<6272x4xf32, #tpu.memory_space<vmem>>) target(%dma_start3A_31 : memref<6272x4xf32, #tpu.memory_space<hbm>>) target_semaphore(%run_scoped3A_26 : memref<!tpu.dma_semaphore, #tpu.memory_space<semaphore_mem>>)
      %dma_wait3A = arith.constant 0 : i32
      %dma_wait3A_32 = tpu.memref_slice %arg7[%arg0, %mul3A_2, %dma_wait3A] : memref<2x100352x4xf32, #tpu.memory_space<hbm>> -> memref<1x6272x4xf32, #tpu.memory_space<hbm>>
      %dma_wait3A_33 = tpu.memref_squeeze %dma_wait3A_32 : memref<1x6272x4xf32, #tpu.memory_space<hbm>> -> memref<6272x4xf32, #tpu.memory_space<hbm>>
      %dma_wait3A_34 = arith.constant 0 : i32
      %dma_wait3A_35 = tpu.memref_slice %arg7[%arg0, %mul3A_2, %dma_wait3A_34] : memref<2x100352x4xf32, #tpu.memory_space<hbm>> -> memref<1x6272x4xf32, #tpu.memory_space<hbm>>
      %dma_wait3A_36 = tpu.memref_squeeze %dma_wait3A_35 : memref<1x6272x4xf32, #tpu.memory_space<hbm>> -> memref<6272x4xf32, #tpu.memory_space<hbm>>
      tpu.wait_dma2 semaphore(%run_scoped3A_26 : memref<!tpu.dma_semaphore, #tpu.memory_space<semaphore_mem>>) src(%arg9 : memref<6272x4xf32, #tpu.memory_space<vmem>>) dst(%dma_wait3A_36 : memref<6272x4xf32, #tpu.memory_space<hbm>>)
      tpu.yield
    }) : () -> ()
    return
  }
}

#map = affine_map<(d0, d1) -> (0, 0)>
#map1 = affine_map<(d0, d1) -> (0, 0, 0)>
module attributes {stable_mosaic.version = 14 : i64} {
  func.func @body(%arg0: i32, %arg1: i32, %arg2: memref<100352x4xf32, #tpu.memory_space<hbm>>, %arg3: memref<2x3200000xi32, #tpu.memory_space<hbm>>, %arg4: memref<6272x4xf32, #tpu.memory_space<hbm>>, %arg5: memref<2x100352x4xf32, #tpu.memory_space<hbm>>, %arg6: memref<100352x4xf32, #tpu.memory_space<vmem_shared>>, %arg7: memref<6272x4xf32, #tpu.memory_space<vmem>>, %arg8: memref<4x128x4xf32, #tpu.memory_space<vmem>>, %arg9: memref<!tpu.dma_semaphore, #tpu.memory_space<semaphore_mem>>, %arg10: memref<!tpu.dma_semaphore, #tpu.memory_space<semaphore_mem>>, %arg11: memref<!tpu.dma_semaphore, #tpu.memory_space<semaphore_mem>>, %arg12: memref<128xi32, #tpu.memory_space<vmem>>, %arg13: memref<128xi32, #tpu.memory_space<vmem>>, %arg14: memref<128xi32, #tpu.memory_space<vmem>>, %arg15: memref<128xi32, #tpu.memory_space<vmem>>, %arg16: memref<128xi32, #tpu.memory_space<vmem>>, %arg17: memref<128xi32, #tpu.memory_space<vmem>>, %arg18: memref<128xi32, #tpu.memory_space<vmem>>, %arg19: memref<128xi32, #tpu.memory_space<vmem>>) attributes {dimension_semantics = [#tpu.dimension_semantics<core_parallel>, #tpu.dimension_semantics<subcore_parallel>], iteration_bounds = array<i64: 2, 16>, scalar_prefetch = 0 : i64, scratch_operands = 14 : i64, tpu.core_type = #tpu.core_type<sc_vector_subcore>, window_params = [{transform_indices = #map}, {transform_indices = #map}, {transform_indices = #map}, {transform_indices = #map1}]} {
    %mul3A = arith.constant 2 : i32
    %mul3A_0 = arith.muli %arg1, %mul3A : i32
    %add3A = arith.addi %mul3A_0, %arg0 : i32
    %mul3A_1 = arith.constant 6272 : i32
    %mul3A_2 = arith.muli %arg1, %mul3A_1 : i32
    "tpu.region"() ({
      %run_scoped3A_26 = tpu.sem_alloc : memref<!tpu.dma_semaphore, #tpu.memory_space<semaphore_mem>>
      tpu.enqueue_dma source(%arg4 : memref<6272x4xf32, #tpu.memory_space<hbm>>) target(%arg7 : memref<6272x4xf32, #tpu.memory_space<vmem>>) target_semaphore(%run_scoped3A_26 : memref<!tpu.dma_semaphore, #tpu.memory_space<semaphore_mem>>)
      tpu.wait_dma2 semaphore(%run_scoped3A_26 : memref<!tpu.dma_semaphore, #tpu.memory_space<semaphore_mem>>) src(%arg4 : memref<6272x4xf32, #tpu.memory_space<hbm>>) dst(%arg7 : memref<6272x4xf32, #tpu.memory_space<vmem>>)
      tpu.yield
    }) : () -> ()
    "tpu.region"() ({
      %run_scoped3A_26 = tpu.sem_alloc : memref<!tpu.dma_semaphore, #tpu.memory_space<semaphore_mem>>
      %dma_start3A = arith.constant 0 : i32
      %dma_start3A_27 = tpu.memref_slice %arg6[%mul3A_2, %dma_start3A] : memref<100352x4xf32, #tpu.memory_space<vmem_shared>> -> memref<6272x4xf32, #tpu.memory_space<vmem_shared>>
      %dma_start3A_28 = arith.constant 0 : i32
      %dma_start3A_29 = tpu.memref_slice %arg6[%mul3A_2, %dma_start3A_28] : memref<100352x4xf32, #tpu.memory_space<vmem_shared>> -> memref<6272x4xf32, #tpu.memory_space<vmem_shared>>
      tpu.enqueue_dma source(%arg7 : memref<6272x4xf32, #tpu.memory_space<vmem>>) target(%dma_start3A_29 : memref<6272x4xf32, #tpu.memory_space<vmem_shared>>) target_semaphore(%run_scoped3A_26 : memref<!tpu.dma_semaphore, #tpu.memory_space<semaphore_mem>>)
      %dma_wait3A = arith.constant 0 : i32
      %dma_wait3A_30 = tpu.memref_slice %arg6[%mul3A_2, %dma_wait3A] : memref<100352x4xf32, #tpu.memory_space<vmem_shared>> -> memref<6272x4xf32, #tpu.memory_space<vmem_shared>>
      %dma_wait3A_31 = arith.constant 0 : i32
      %dma_wait3A_32 = tpu.memref_slice %arg6[%mul3A_2, %dma_wait3A_31] : memref<100352x4xf32, #tpu.memory_space<vmem_shared>> -> memref<6272x4xf32, #tpu.memory_space<vmem_shared>>
      tpu.wait_dma2 semaphore(%run_scoped3A_26 : memref<!tpu.dma_semaphore, #tpu.memory_space<semaphore_mem>>) src(%arg7 : memref<6272x4xf32, #tpu.memory_space<vmem>>) dst(%dma_wait3A_32 : memref<6272x4xf32, #tpu.memory_space<vmem_shared>>)
      tpu.yield
    }) : () -> ()
    %barrier3A = arith.constant 0 : index
    tpu.barrier barrier_id(%barrier3A)
    %mul3A_3 = arith.constant 781 : i32
    %mul3A_4 = arith.muli %add3A, %mul3A_3 : i32
    %scan3A = arith.constant 0 : i32
    %scan3A_5 = arith.constant 0 : i32
    %scan3A_6 = arith.constant 195 : i32
    %scan3A_7 = arith.addi %scan3A_5, %scan3A_6 : i32
    %scan3A_8 = arith.constant 1 : i32
    scf.for %scan3A_26 = %scan3A_5 to %scan3A_7 step %scan3A_8  : i32 {
      %mul3A_27 = arith.constant 4 : i32
      %mul3A_28 = arith.muli %scan3A_26, %mul3A_27 : i32
      %add3A_29 = arith.addi %mul3A_4, %mul3A_28 : i32
      %add3A_30 = arith.constant 0 : i32
      %add3A_31 = arith.addi %add3A_29, %add3A_30 : i32
      %mul3A_32 = arith.constant 128 : i32
      %mul3A_33 = arith.muli %add3A_31, %mul3A_32 : i32
      %dma_start3A = arith.constant 0 : i32
      %dma_start3A_34 = tpu.memref_slice %arg3[%dma_start3A, %mul3A_33] : memref<2x3200000xi32, #tpu.memory_space<hbm>> -> memref<1x128xi32, #tpu.memory_space<hbm>>
      %dma_start3A_35 = tpu.memref_squeeze %dma_start3A_34 : memref<1x128xi32, #tpu.memory_space<hbm>> -> memref<128xi32, #tpu.memory_space<hbm>>
      %dma_start3A_36 = tpu.memref_slice %arg3[%dma_start3A, %mul3A_33] : memref<2x3200000xi32, #tpu.memory_space<hbm>> -> memref<1x128xi32, #tpu.memory_space<hbm>>
      %dma_start3A_37 = tpu.memref_squeeze %dma_start3A_36 : memref<1x128xi32, #tpu.memory_space<hbm>> -> memref<128xi32, #tpu.memory_space<hbm>>
      tpu.enqueue_dma source(%dma_start3A_37 : memref<128xi32, #tpu.memory_space<hbm>>) target(%arg12 : memref<128xi32, #tpu.memory_space<vmem>>) target_semaphore(%arg9 : memref<!tpu.dma_semaphore, #tpu.memory_space<semaphore_mem>>)
      %add3A_38 = arith.constant 0 : i32
      %add3A_39 = arith.addi %add3A_29, %add3A_38 : i32
      %mul3A_40 = arith.constant 128 : i32
      %mul3A_41 = arith.muli %add3A_39, %mul3A_40 : i32
      %dma_start3A_42 = arith.constant 1 : i32
      %dma_start3A_43 = tpu.memref_slice %arg3[%dma_start3A_42, %mul3A_41] : memref<2x3200000xi32, #tpu.memory_space<hbm>> -> memref<1x128xi32, #tpu.memory_space<hbm>>
      %dma_start3A_44 = tpu.memref_squeeze %dma_start3A_43 : memref<1x128xi32, #tpu.memory_space<hbm>> -> memref<128xi32, #tpu.memory_space<hbm>>
      %dma_start3A_45 = tpu.memref_slice %arg3[%dma_start3A_42, %mul3A_41] : memref<2x3200000xi32, #tpu.memory_space<hbm>> -> memref<1x128xi32, #tpu.memory_space<hbm>>
      %dma_start3A_46 = tpu.memref_squeeze %dma_start3A_45 : memref<1x128xi32, #tpu.memory_space<hbm>> -> memref<128xi32, #tpu.memory_space<hbm>>
      tpu.enqueue_dma source(%dma_start3A_46 : memref<128xi32, #tpu.memory_space<hbm>>) target(%arg16 : memref<128xi32, #tpu.memory_space<vmem>>) target_semaphore(%arg9 : memref<!tpu.dma_semaphore, #tpu.memory_space<semaphore_mem>>)
      %add3A_47 = arith.constant 1 : i32
      %add3A_48 = arith.addi %add3A_29, %add3A_47 : i32
      %mul3A_49 = arith.constant 128 : i32
      %mul3A_50 = arith.muli %add3A_48, %mul3A_49 : i32
      %dma_start3A_51 = arith.constant 0 : i32
      %dma_start3A_52 = tpu.memref_slice %arg3[%dma_start3A_51, %mul3A_50] : memref<2x3200000xi32, #tpu.memory_space<hbm>> -> memref<1x128xi32, #tpu.memory_space<hbm>>
      %dma_start3A_53 = tpu.memref_squeeze %dma_start3A_52 : memref<1x128xi32, #tpu.memory_space<hbm>> -> memref<128xi32, #tpu.memory_space<hbm>>
      %dma_start3A_54 = tpu.memref_slice %arg3[%dma_start3A_51, %mul3A_50] : memref<2x3200000xi32, #tpu.memory_space<hbm>> -> memref<1x128xi32, #tpu.memory_space<hbm>>
      %dma_start3A_55 = tpu.memref_squeeze %dma_start3A_54 : memref<1x128xi32, #tpu.memory_space<hbm>> -> memref<128xi32, #tpu.memory_space<hbm>>
      tpu.enqueue_dma source(%dma_start3A_55 : memref<128xi32, #tpu.memory_space<hbm>>) target(%arg13 : memref<128xi32, #tpu.memory_space<vmem>>) target_semaphore(%arg9 : memref<!tpu.dma_semaphore, #tpu.memory_space<semaphore_mem>>)
      %add3A_56 = arith.constant 1 : i32
      %add3A_57 = arith.addi %add3A_29, %add3A_56 : i32
      %mul3A_58 = arith.constant 128 : i32
      %mul3A_59 = arith.muli %add3A_57, %mul3A_58 : i32
      %dma_start3A_60 = arith.constant 1 : i32
      %dma_start3A_61 = tpu.memref_slice %arg3[%dma_start3A_60, %mul3A_59] : memref<2x3200000xi32, #tpu.memory_space<hbm>> -> memref<1x128xi32, #tpu.memory_space<hbm>>
      %dma_start3A_62 = tpu.memref_squeeze %dma_start3A_61 : memref<1x128xi32, #tpu.memory_space<hbm>> -> memref<128xi32, #tpu.memory_space<hbm>>
      %dma_start3A_63 = tpu.memref_slice %arg3[%dma_start3A_60, %mul3A_59] : memref<2x3200000xi32, #tpu.memory_space<hbm>> -> memref<1x128xi32, #tpu.memory_space<hbm>>
      %dma_start3A_64 = tpu.memref_squeeze %dma_start3A_63 : memref<1x128xi32, #tpu.memory_space<hbm>> -> memref<128xi32, #tpu.memory_space<hbm>>
      tpu.enqueue_dma source(%dma_start3A_64 : memref<128xi32, #tpu.memory_space<hbm>>) target(%arg17 : memref<128xi32, #tpu.memory_space<vmem>>) target_semaphore(%arg9 : memref<!tpu.dma_semaphore, #tpu.memory_space<semaphore_mem>>)
      %add3A_65 = arith.constant 2 : i32
      %add3A_66 = arith.addi %add3A_29, %add3A_65 : i32
      %mul3A_67 = arith.constant 128 : i32
      %mul3A_68 = arith.muli %add3A_66, %mul3A_67 : i32
      %dma_start3A_69 = arith.constant 0 : i32
      %dma_start3A_70 = tpu.memref_slice %arg3[%dma_start3A_69, %mul3A_68] : memref<2x3200000xi32, #tpu.memory_space<hbm>> -> memref<1x128xi32, #tpu.memory_space<hbm>>
      %dma_start3A_71 = tpu.memref_squeeze %dma_start3A_70 : memref<1x128xi32, #tpu.memory_space<hbm>> -> memref<128xi32, #tpu.memory_space<hbm>>
      %dma_start3A_72 = tpu.memref_slice %arg3[%dma_start3A_69, %mul3A_68] : memref<2x3200000xi32, #tpu.memory_space<hbm>> -> memref<1x128xi32, #tpu.memory_space<hbm>>
      %dma_start3A_73 = tpu.memref_squeeze %dma_start3A_72 : memref<1x128xi32, #tpu.memory_space<hbm>> -> memref<128xi32, #tpu.memory_space<hbm>>
      tpu.enqueue_dma source(%dma_start3A_73 : memref<128xi32, #tpu.memory_space<hbm>>) target(%arg14 : memref<128xi32, #tpu.memory_space<vmem>>) target_semaphore(%arg9 : memref<!tpu.dma_semaphore, #tpu.memory_space<semaphore_mem>>)
      %add3A_74 = arith.constant 2 : i32
      %add3A_75 = arith.addi %add3A_29, %add3A_74 : i32
      %mul3A_76 = arith.constant 128 : i32
      %mul3A_77 = arith.muli %add3A_75, %mul3A_76 : i32
      %dma_start3A_78 = arith.constant 1 : i32
      %dma_start3A_79 = tpu.memref_slice %arg3[%dma_start3A_78, %mul3A_77] : memref<2x3200000xi32, #tpu.memory_space<hbm>> -> memref<1x128xi32, #tpu.memory_space<hbm>>
      %dma_start3A_80 = tpu.memref_squeeze %dma_start3A_79 : memref<1x128xi32, #tpu.memory_space<hbm>> -> memref<128xi32, #tpu.memory_space<hbm>>
      %dma_start3A_81 = tpu.memref_slice %arg3[%dma_start3A_78, %mul3A_77] : memref<2x3200000xi32, #tpu.memory_space<hbm>> -> memref<1x128xi32, #tpu.memory_space<hbm>>
      %dma_start3A_82 = tpu.memref_squeeze %dma_start3A_81 : memref<1x128xi32, #tpu.memory_space<hbm>> -> memref<128xi32, #tpu.memory_space<hbm>>
      tpu.enqueue_dma source(%dma_start3A_82 : memref<128xi32, #tpu.memory_space<hbm>>) target(%arg18 : memref<128xi32, #tpu.memory_space<vmem>>) target_semaphore(%arg9 : memref<!tpu.dma_semaphore, #tpu.memory_space<semaphore_mem>>)
      %add3A_83 = arith.constant 3 : i32
      %add3A_84 = arith.addi %add3A_29, %add3A_83 : i32
      %mul3A_85 = arith.constant 128 : i32
      %mul3A_86 = arith.muli %add3A_84, %mul3A_85 : i32
      %dma_start3A_87 = arith.constant 0 : i32
      %dma_start3A_88 = tpu.memref_slice %arg3[%dma_start3A_87, %mul3A_86] : memref<2x3200000xi32, #tpu.memory_space<hbm>> -> memref<1x128xi32, #tpu.memory_space<hbm>>
      %dma_start3A_89 = tpu.memref_squeeze %dma_start3A_88 : memref<1x128xi32, #tpu.memory_space<hbm>> -> memref<128xi32, #tpu.memory_space<hbm>>
      %dma_start3A_90 = tpu.memref_slice %arg3[%dma_start3A_87, %mul3A_86] : memref<2x3200000xi32, #tpu.memory_space<hbm>> -> memref<1x128xi32, #tpu.memory_space<hbm>>
      %dma_start3A_91 = tpu.memref_squeeze %dma_start3A_90 : memref<1x128xi32, #tpu.memory_space<hbm>> -> memref<128xi32, #tpu.memory_space<hbm>>
      tpu.enqueue_dma source(%dma_start3A_91 : memref<128xi32, #tpu.memory_space<hbm>>) target(%arg15 : memref<128xi32, #tpu.memory_space<vmem>>) target_semaphore(%arg9 : memref<!tpu.dma_semaphore, #tpu.memory_space<semaphore_mem>>)
      %add3A_92 = arith.constant 3 : i32
      %add3A_93 = arith.addi %add3A_29, %add3A_92 : i32
      %mul3A_94 = arith.constant 128 : i32
      %mul3A_95 = arith.muli %add3A_93, %mul3A_94 : i32
      %dma_start3A_96 = arith.constant 1 : i32
      %dma_start3A_97 = tpu.memref_slice %arg3[%dma_start3A_96, %mul3A_95] : memref<2x3200000xi32, #tpu.memory_space<hbm>> -> memref<1x128xi32, #tpu.memory_space<hbm>>
      %dma_start3A_98 = tpu.memref_squeeze %dma_start3A_97 : memref<1x128xi32, #tpu.memory_space<hbm>> -> memref<128xi32, #tpu.memory_space<hbm>>
      %dma_start3A_99 = tpu.memref_slice %arg3[%dma_start3A_96, %mul3A_95] : memref<2x3200000xi32, #tpu.memory_space<hbm>> -> memref<1x128xi32, #tpu.memory_space<hbm>>
      %dma_start3A_100 = tpu.memref_squeeze %dma_start3A_99 : memref<1x128xi32, #tpu.memory_space<hbm>> -> memref<128xi32, #tpu.memory_space<hbm>>
      tpu.enqueue_dma source(%dma_start3A_100 : memref<128xi32, #tpu.memory_space<hbm>>) target(%arg19 : memref<128xi32, #tpu.memory_space<vmem>>) target_semaphore(%arg9 : memref<!tpu.dma_semaphore, #tpu.memory_space<semaphore_mem>>)
      %dma_wait3A = arith.constant 0 : i32
      %dma_wait3A_101 = tpu.memref_slice %arg3[%dma_wait3A, %mul3A_33] : memref<2x3200000xi32, #tpu.memory_space<hbm>> -> memref<1x128xi32, #tpu.memory_space<hbm>>
      %dma_wait3A_102 = tpu.memref_squeeze %dma_wait3A_101 : memref<1x128xi32, #tpu.memory_space<hbm>> -> memref<128xi32, #tpu.memory_space<hbm>>
      %dma_wait3A_103 = tpu.memref_slice %arg3[%dma_wait3A, %mul3A_33] : memref<2x3200000xi32, #tpu.memory_space<hbm>> -> memref<1x128xi32, #tpu.memory_space<hbm>>
      %dma_wait3A_104 = tpu.memref_squeeze %dma_wait3A_103 : memref<1x128xi32, #tpu.memory_space<hbm>> -> memref<128xi32, #tpu.memory_space<hbm>>
      tpu.wait_dma2 semaphore(%arg9 : memref<!tpu.dma_semaphore, #tpu.memory_space<semaphore_mem>>) src(%dma_wait3A_104 : memref<128xi32, #tpu.memory_space<hbm>>) dst(%arg12 : memref<128xi32, #tpu.memory_space<vmem>>)
      %dma_wait3A_105 = arith.constant 1 : i32
      %dma_wait3A_106 = tpu.memref_slice %arg3[%dma_wait3A_105, %mul3A_41] : memref<2x3200000xi32, #tpu.memory_space<hbm>> -> memref<1x128xi32, #tpu.memory_space<hbm>>
      %dma_wait3A_107 = tpu.memref_squeeze %dma_wait3A_106 : memref<1x128xi32, #tpu.memory_space<hbm>> -> memref<128xi32, #tpu.memory_space<hbm>>
      %dma_wait3A_108 = tpu.memref_slice %arg3[%dma_wait3A_105, %mul3A_41] : memref<2x3200000xi32, #tpu.memory_space<hbm>> -> memref<1x128xi32, #tpu.memory_space<hbm>>
      %dma_wait3A_109 = tpu.memref_squeeze %dma_wait3A_108 : memref<1x128xi32, #tpu.memory_space<hbm>> -> memref<128xi32, #tpu.memory_space<hbm>>
      tpu.wait_dma2 semaphore(%arg9 : memref<!tpu.dma_semaphore, #tpu.memory_space<semaphore_mem>>) src(%dma_wait3A_109 : memref<128xi32, #tpu.memory_space<hbm>>) dst(%arg16 : memref<128xi32, #tpu.memory_space<vmem>>)
      %dma_wait3A_110 = arith.constant 0 : i32
      %dma_wait3A_111 = tpu.memref_slice %arg3[%dma_wait3A_110, %mul3A_50] : memref<2x3200000xi32, #tpu.memory_space<hbm>> -> memref<1x128xi32, #tpu.memory_space<hbm>>
      %dma_wait3A_112 = tpu.memref_squeeze %dma_wait3A_111 : memref<1x128xi32, #tpu.memory_space<hbm>> -> memref<128xi32, #tpu.memory_space<hbm>>
      %dma_wait3A_113 = tpu.memref_slice %arg3[%dma_wait3A_110, %mul3A_50] : memref<2x3200000xi32, #tpu.memory_space<hbm>> -> memref<1x128xi32, #tpu.memory_space<hbm>>
      %dma_wait3A_114 = tpu.memref_squeeze %dma_wait3A_113 : memref<1x128xi32, #tpu.memory_space<hbm>> -> memref<128xi32, #tpu.memory_space<hbm>>
      tpu.wait_dma2 semaphore(%arg9 : memref<!tpu.dma_semaphore, #tpu.memory_space<semaphore_mem>>) src(%dma_wait3A_114 : memref<128xi32, #tpu.memory_space<hbm>>) dst(%arg13 : memref<128xi32, #tpu.memory_space<vmem>>)
      %dma_wait3A_115 = arith.constant 1 : i32
      %dma_wait3A_116 = tpu.memref_slice %arg3[%dma_wait3A_115, %mul3A_59] : memref<2x3200000xi32, #tpu.memory_space<hbm>> -> memref<1x128xi32, #tpu.memory_space<hbm>>
      %dma_wait3A_117 = tpu.memref_squeeze %dma_wait3A_116 : memref<1x128xi32, #tpu.memory_space<hbm>> -> memref<128xi32, #tpu.memory_space<hbm>>
      %dma_wait3A_118 = tpu.memref_slice %arg3[%dma_wait3A_115, %mul3A_59] : memref<2x3200000xi32, #tpu.memory_space<hbm>> -> memref<1x128xi32, #tpu.memory_space<hbm>>
      %dma_wait3A_119 = tpu.memref_squeeze %dma_wait3A_118 : memref<1x128xi32, #tpu.memory_space<hbm>> -> memref<128xi32, #tpu.memory_space<hbm>>
      tpu.wait_dma2 semaphore(%arg9 : memref<!tpu.dma_semaphore, #tpu.memory_space<semaphore_mem>>) src(%dma_wait3A_119 : memref<128xi32, #tpu.memory_space<hbm>>) dst(%arg17 : memref<128xi32, #tpu.memory_space<vmem>>)
      %dma_wait3A_120 = arith.constant 0 : i32
      %dma_wait3A_121 = tpu.memref_slice %arg3[%dma_wait3A_120, %mul3A_68] : memref<2x3200000xi32, #tpu.memory_space<hbm>> -> memref<1x128xi32, #tpu.memory_space<hbm>>
      %dma_wait3A_122 = tpu.memref_squeeze %dma_wait3A_121 : memref<1x128xi32, #tpu.memory_space<hbm>> -> memref<128xi32, #tpu.memory_space<hbm>>
      %dma_wait3A_123 = tpu.memref_slice %arg3[%dma_wait3A_120, %mul3A_68] : memref<2x3200000xi32, #tpu.memory_space<hbm>> -> memref<1x128xi32, #tpu.memory_space<hbm>>
      %dma_wait3A_124 = tpu.memref_squeeze %dma_wait3A_123 : memref<1x128xi32, #tpu.memory_space<hbm>> -> memref<128xi32, #tpu.memory_space<hbm>>
      tpu.wait_dma2 semaphore(%arg9 : memref<!tpu.dma_semaphore, #tpu.memory_space<semaphore_mem>>) src(%dma_wait3A_124 : memref<128xi32, #tpu.memory_space<hbm>>) dst(%arg14 : memref<128xi32, #tpu.memory_space<vmem>>)
      %dma_wait3A_125 = arith.constant 1 : i32
      %dma_wait3A_126 = tpu.memref_slice %arg3[%dma_wait3A_125, %mul3A_77] : memref<2x3200000xi32, #tpu.memory_space<hbm>> -> memref<1x128xi32, #tpu.memory_space<hbm>>
      %dma_wait3A_127 = tpu.memref_squeeze %dma_wait3A_126 : memref<1x128xi32, #tpu.memory_space<hbm>> -> memref<128xi32, #tpu.memory_space<hbm>>
      %dma_wait3A_128 = tpu.memref_slice %arg3[%dma_wait3A_125, %mul3A_77] : memref<2x3200000xi32, #tpu.memory_space<hbm>> -> memref<1x128xi32, #tpu.memory_space<hbm>>
      %dma_wait3A_129 = tpu.memref_squeeze %dma_wait3A_128 : memref<1x128xi32, #tpu.memory_space<hbm>> -> memref<128xi32, #tpu.memory_space<hbm>>
      tpu.wait_dma2 semaphore(%arg9 : memref<!tpu.dma_semaphore, #tpu.memory_space<semaphore_mem>>) src(%dma_wait3A_129 : memref<128xi32, #tpu.memory_space<hbm>>) dst(%arg18 : memref<128xi32, #tpu.memory_space<vmem>>)
      %dma_wait3A_130 = arith.constant 0 : i32
      %dma_wait3A_131 = tpu.memref_slice %arg3[%dma_wait3A_130, %mul3A_86] : memref<2x3200000xi32, #tpu.memory_space<hbm>> -> memref<1x128xi32, #tpu.memory_space<hbm>>
      %dma_wait3A_132 = tpu.memref_squeeze %dma_wait3A_131 : memref<1x128xi32, #tpu.memory_space<hbm>> -> memref<128xi32, #tpu.memory_space<hbm>>
      %dma_wait3A_133 = tpu.memref_slice %arg3[%dma_wait3A_130, %mul3A_86] : memref<2x3200000xi32, #tpu.memory_space<hbm>> -> memref<1x128xi32, #tpu.memory_space<hbm>>
      %dma_wait3A_134 = tpu.memref_squeeze %dma_wait3A_133 : memref<1x128xi32, #tpu.memory_space<hbm>> -> memref<128xi32, #tpu.memory_space<hbm>>
      tpu.wait_dma2 semaphore(%arg9 : memref<!tpu.dma_semaphore, #tpu.memory_space<semaphore_mem>>) src(%dma_wait3A_134 : memref<128xi32, #tpu.memory_space<hbm>>) dst(%arg15 : memref<128xi32, #tpu.memory_space<vmem>>)
      %dma_wait3A_135 = arith.constant 1 : i32
      %dma_wait3A_136 = tpu.memref_slice %arg3[%dma_wait3A_135, %mul3A_95] : memref<2x3200000xi32, #tpu.memory_space<hbm>> -> memref<1x128xi32, #tpu.memory_space<hbm>>
      %dma_wait3A_137 = tpu.memref_squeeze %dma_wait3A_136 : memref<1x128xi32, #tpu.memory_space<hbm>> -> memref<128xi32, #tpu.memory_space<hbm>>
      %dma_wait3A_138 = tpu.memref_slice %arg3[%dma_wait3A_135, %mul3A_95] : memref<2x3200000xi32, #tpu.memory_space<hbm>> -> memref<1x128xi32, #tpu.memory_space<hbm>>
      %dma_wait3A_139 = tpu.memref_squeeze %dma_wait3A_138 : memref<1x128xi32, #tpu.memory_space<hbm>> -> memref<128xi32, #tpu.memory_space<hbm>>
      tpu.wait_dma2 semaphore(%arg9 : memref<!tpu.dma_semaphore, #tpu.memory_space<semaphore_mem>>) src(%dma_wait3A_139 : memref<128xi32, #tpu.memory_space<hbm>>) dst(%arg19 : memref<128xi32, #tpu.memory_space<vmem>>)
      %dma_start3A_140 = arith.constant 0 : i32
      %dma_start3A_141 = arith.constant 0 : i32
      %dma_start3A_142 = arith.constant 0 : i32
      %dma_start3A_143 = tpu.memref_slice %arg8[%dma_start3A_140, %dma_start3A_141, %dma_start3A_142] : memref<4x128x4xf32, #tpu.memory_space<vmem>> -> memref<1x128x4xf32, #tpu.memory_space<vmem>>
      %dma_start3A_144 = tpu.memref_squeeze %dma_start3A_143 : memref<1x128x4xf32, #tpu.memory_space<vmem>> -> memref<128x4xf32, #tpu.memory_space<vmem>>
      %dma_start3A_145 = arith.constant 0 : i32
      %dma_start3A_146 = arith.constant 0 : i32
      %dma_start3A_147 = tpu.memref_slice %arg2[%dma_start3A_145, %dma_start3A_146] : memref<100352x4xf32, #tpu.memory_space<hbm>> -> memref<100352x4xf32, #tpu.memory_space<hbm>>
      tpu.enqueue_indirect_dma source(%dma_start3A_147 : memref<100352x4xf32, #tpu.memory_space<hbm>>) target(%dma_start3A_144 : memref<128x4xf32, #tpu.memory_space<vmem>>) offsets(%arg12 : memref<128xi32, #tpu.memory_space<vmem>>) semaphore(%arg10 : memref<!tpu.dma_semaphore, #tpu.memory_space<semaphore_mem>>)
      %dma_start3A_148 = arith.constant 1 : i32
      %dma_start3A_149 = arith.constant 0 : i32
      %dma_start3A_150 = arith.constant 0 : i32
      %dma_start3A_151 = tpu.memref_slice %arg8[%dma_start3A_148, %dma_start3A_149, %dma_start3A_150] : memref<4x128x4xf32, #tpu.memory_space<vmem>> -> memref<1x128x4xf32, #tpu.memory_space<vmem>>
      %dma_start3A_152 = tpu.memref_squeeze %dma_start3A_151 : memref<1x128x4xf32, #tpu.memory_space<vmem>> -> memref<128x4xf32, #tpu.memory_space<vmem>>
      %dma_start3A_153 = arith.constant 0 : i32
      %dma_start3A_154 = arith.constant 0 : i32
      %dma_start3A_155 = tpu.memref_slice %arg2[%dma_start3A_153, %dma_start3A_154] : memref<100352x4xf32, #tpu.memory_space<hbm>> -> memref<100352x4xf32, #tpu.memory_space<hbm>>
      tpu.enqueue_indirect_dma source(%dma_start3A_155 : memref<100352x4xf32, #tpu.memory_space<hbm>>) target(%dma_start3A_152 : memref<128x4xf32, #tpu.memory_space<vmem>>) offsets(%arg13 : memref<128xi32, #tpu.memory_space<vmem>>) semaphore(%arg10 : memref<!tpu.dma_semaphore, #tpu.memory_space<semaphore_mem>>)
      %dma_start3A_156 = arith.constant 2 : i32
      %dma_start3A_157 = arith.constant 0 : i32
      %dma_start3A_158 = arith.constant 0 : i32
      %dma_start3A_159 = tpu.memref_slice %arg8[%dma_start3A_156, %dma_start3A_157, %dma_start3A_158] : memref<4x128x4xf32, #tpu.memory_space<vmem>> -> memref<1x128x4xf32, #tpu.memory_space<vmem>>
      %dma_start3A_160 = tpu.memref_squeeze %dma_start3A_159 : memref<1x128x4xf32, #tpu.memory_space<vmem>> -> memref<128x4xf32, #tpu.memory_space<vmem>>
      %dma_start3A_161 = arith.constant 0 : i32
      %dma_start3A_162 = arith.constant 0 : i32
      %dma_start3A_163 = tpu.memref_slice %arg2[%dma_start3A_161, %dma_start3A_162] : memref<100352x4xf32, #tpu.memory_space<hbm>> -> memref<100352x4xf32, #tpu.memory_space<hbm>>
      tpu.enqueue_indirect_dma source(%dma_start3A_163 : memref<100352x4xf32, #tpu.memory_space<hbm>>) target(%dma_start3A_160 : memref<128x4xf32, #tpu.memory_space<vmem>>) offsets(%arg14 : memref<128xi32, #tpu.memory_space<vmem>>) semaphore(%arg10 : memref<!tpu.dma_semaphore, #tpu.memory_space<semaphore_mem>>)
      %dma_start3A_164 = arith.constant 3 : i32
      %dma_start3A_165 = arith.constant 0 : i32
      %dma_start3A_166 = arith.constant 0 : i32
      %dma_start3A_167 = tpu.memref_slice %arg8[%dma_start3A_164, %dma_start3A_165, %dma_start3A_166] : memref<4x128x4xf32, #tpu.memory_space<vmem>> -> memref<1x128x4xf32, #tpu.memory_space<vmem>>
      %dma_start3A_168 = tpu.memref_squeeze %dma_start3A_167 : memref<1x128x4xf32, #tpu.memory_space<vmem>> -> memref<128x4xf32, #tpu.memory_space<vmem>>
      %dma_start3A_169 = arith.constant 0 : i32
      %dma_start3A_170 = arith.constant 0 : i32
      %dma_start3A_171 = tpu.memref_slice %arg2[%dma_start3A_169, %dma_start3A_170] : memref<100352x4xf32, #tpu.memory_space<hbm>> -> memref<100352x4xf32, #tpu.memory_space<hbm>>
      tpu.enqueue_indirect_dma source(%dma_start3A_171 : memref<100352x4xf32, #tpu.memory_space<hbm>>) target(%dma_start3A_168 : memref<128x4xf32, #tpu.memory_space<vmem>>) offsets(%arg15 : memref<128xi32, #tpu.memory_space<vmem>>) semaphore(%arg10 : memref<!tpu.dma_semaphore, #tpu.memory_space<semaphore_mem>>)
      %dma_wait3A_172 = arith.constant 0 : i32
      %dma_wait3A_173 = arith.constant 0 : i32
      %dma_wait3A_174 = arith.constant 0 : i32
      %dma_wait3A_175 = tpu.memref_slice %arg8[%dma_wait3A_172, %dma_wait3A_173, %dma_wait3A_174] : memref<4x128x4xf32, #tpu.memory_space<vmem>> -> memref<1x128x4xf32, #tpu.memory_space<vmem>>
      %dma_wait3A_176 = tpu.memref_squeeze %dma_wait3A_175 : memref<1x128x4xf32, #tpu.memory_space<vmem>> -> memref<128x4xf32, #tpu.memory_space<vmem>>
      %dma_wait3A_177 = arith.constant 0 : i32
      %dma_wait3A_178 = arith.constant 0 : i32
      %dma_wait3A_179 = tpu.memref_slice %arg2[%dma_wait3A_177, %dma_wait3A_178] : memref<100352x4xf32, #tpu.memory_space<hbm>> -> memref<100352x4xf32, #tpu.memory_space<hbm>>
      tpu.wait_indirect_dma semaphore(%arg10 : memref<!tpu.dma_semaphore, #tpu.memory_space<semaphore_mem>>) src(%dma_wait3A_179 : memref<100352x4xf32, #tpu.memory_space<hbm>>) dst(%dma_wait3A_176 : memref<128x4xf32, #tpu.memory_space<vmem>>)
      %dma_wait3A_180 = arith.constant 1 : i32
      %dma_wait3A_181 = arith.constant 0 : i32
      %dma_wait3A_182 = arith.constant 0 : i32
      %dma_wait3A_183 = tpu.memref_slice %arg8[%dma_wait3A_180, %dma_wait3A_181, %dma_wait3A_182] : memref<4x128x4xf32, #tpu.memory_space<vmem>> -> memref<1x128x4xf32, #tpu.memory_space<vmem>>
      %dma_wait3A_184 = tpu.memref_squeeze %dma_wait3A_183 : memref<1x128x4xf32, #tpu.memory_space<vmem>> -> memref<128x4xf32, #tpu.memory_space<vmem>>
      %dma_wait3A_185 = arith.constant 0 : i32
      %dma_wait3A_186 = arith.constant 0 : i32
      %dma_wait3A_187 = tpu.memref_slice %arg2[%dma_wait3A_185, %dma_wait3A_186] : memref<100352x4xf32, #tpu.memory_space<hbm>> -> memref<100352x4xf32, #tpu.memory_space<hbm>>
      tpu.wait_indirect_dma semaphore(%arg10 : memref<!tpu.dma_semaphore, #tpu.memory_space<semaphore_mem>>) src(%dma_wait3A_187 : memref<100352x4xf32, #tpu.memory_space<hbm>>) dst(%dma_wait3A_184 : memref<128x4xf32, #tpu.memory_space<vmem>>)
      %dma_wait3A_188 = arith.constant 2 : i32
      %dma_wait3A_189 = arith.constant 0 : i32
      %dma_wait3A_190 = arith.constant 0 : i32
      %dma_wait3A_191 = tpu.memref_slice %arg8[%dma_wait3A_188, %dma_wait3A_189, %dma_wait3A_190] : memref<4x128x4xf32, #tpu.memory_space<vmem>> -> memref<1x128x4xf32, #tpu.memory_space<vmem>>
      %dma_wait3A_192 = tpu.memref_squeeze %dma_wait3A_191 : memref<1x128x4xf32, #tpu.memory_space<vmem>> -> memref<128x4xf32, #tpu.memory_space<vmem>>
      %dma_wait3A_193 = arith.constant 0 : i32
      %dma_wait3A_194 = arith.constant 0 : i32
      %dma_wait3A_195 = tpu.memref_slice %arg2[%dma_wait3A_193, %dma_wait3A_194] : memref<100352x4xf32, #tpu.memory_space<hbm>> -> memref<100352x4xf32, #tpu.memory_space<hbm>>
      tpu.wait_indirect_dma semaphore(%arg10 : memref<!tpu.dma_semaphore, #tpu.memory_space<semaphore_mem>>) src(%dma_wait3A_195 : memref<100352x4xf32, #tpu.memory_space<hbm>>) dst(%dma_wait3A_192 : memref<128x4xf32, #tpu.memory_space<vmem>>)
      %dma_wait3A_196 = arith.constant 3 : i32
      %dma_wait3A_197 = arith.constant 0 : i32
      %dma_wait3A_198 = arith.constant 0 : i32
      %dma_wait3A_199 = tpu.memref_slice %arg8[%dma_wait3A_196, %dma_wait3A_197, %dma_wait3A_198] : memref<4x128x4xf32, #tpu.memory_space<vmem>> -> memref<1x128x4xf32, #tpu.memory_space<vmem>>
      %dma_wait3A_200 = tpu.memref_squeeze %dma_wait3A_199 : memref<1x128x4xf32, #tpu.memory_space<vmem>> -> memref<128x4xf32, #tpu.memory_space<vmem>>
      %dma_wait3A_201 = arith.constant 0 : i32
      %dma_wait3A_202 = arith.constant 0 : i32
      %dma_wait3A_203 = tpu.memref_slice %arg2[%dma_wait3A_201, %dma_wait3A_202] : memref<100352x4xf32, #tpu.memory_space<hbm>> -> memref<100352x4xf32, #tpu.memory_space<hbm>>
      tpu.wait_indirect_dma semaphore(%arg10 : memref<!tpu.dma_semaphore, #tpu.memory_space<semaphore_mem>>) src(%dma_wait3A_203 : memref<100352x4xf32, #tpu.memory_space<hbm>>) dst(%dma_wait3A_200 : memref<128x4xf32, #tpu.memory_space<vmem>>)
      %dma_start3A_204 = arith.constant 0 : i32
      %dma_start3A_205 = arith.constant 0 : i32
      %dma_start3A_206 = arith.constant 0 : i32
      %dma_start3A_207 = tpu.memref_slice %arg8[%dma_start3A_204, %dma_start3A_205, %dma_start3A_206] : memref<4x128x4xf32, #tpu.memory_space<vmem>> -> memref<1x128x4xf32, #tpu.memory_space<vmem>>
      %dma_start3A_208 = tpu.memref_squeeze %dma_start3A_207 : memref<1x128x4xf32, #tpu.memory_space<vmem>> -> memref<128x4xf32, #tpu.memory_space<vmem>>
      %dma_start3A_209 = arith.constant 0 : i32
      %dma_start3A_210 = arith.constant 0 : i32
      %dma_start3A_211 = tpu.memref_slice %arg6[%dma_start3A_209, %dma_start3A_210] : memref<100352x4xf32, #tpu.memory_space<vmem_shared>> -> memref<100352x4xf32, #tpu.memory_space<vmem_shared>>
      tpu.enqueue_indirect_dma source(%dma_start3A_208 : memref<128x4xf32, #tpu.memory_space<vmem>>) target(%dma_start3A_211 : memref<100352x4xf32, #tpu.memory_space<vmem_shared>>) offsets(%arg16 : memref<128xi32, #tpu.memory_space<vmem>>) semaphore(%arg11 : memref<!tpu.dma_semaphore, #tpu.memory_space<semaphore_mem>>) {add = true}
      %dma_start3A_212 = arith.constant 1 : i32
      %dma_start3A_213 = arith.constant 0 : i32
      %dma_start3A_214 = arith.constant 0 : i32
      %dma_start3A_215 = tpu.memref_slice %arg8[%dma_start3A_212, %dma_start3A_213, %dma_start3A_214] : memref<4x128x4xf32, #tpu.memory_space<vmem>> -> memref<1x128x4xf32, #tpu.memory_space<vmem>>
      %dma_start3A_216 = tpu.memref_squeeze %dma_start3A_215 : memref<1x128x4xf32, #tpu.memory_space<vmem>> -> memref<128x4xf32, #tpu.memory_space<vmem>>
      %dma_start3A_217 = arith.constant 0 : i32
      %dma_start3A_218 = arith.constant 0 : i32
      %dma_start3A_219 = tpu.memref_slice %arg6[%dma_start3A_217, %dma_start3A_218] : memref<100352x4xf32, #tpu.memory_space<vmem_shared>> -> memref<100352x4xf32, #tpu.memory_space<vmem_shared>>
      tpu.enqueue_indirect_dma source(%dma_start3A_216 : memref<128x4xf32, #tpu.memory_space<vmem>>) target(%dma_start3A_219 : memref<100352x4xf32, #tpu.memory_space<vmem_shared>>) offsets(%arg17 : memref<128xi32, #tpu.memory_space<vmem>>) semaphore(%arg11 : memref<!tpu.dma_semaphore, #tpu.memory_space<semaphore_mem>>) {add = true}
      %dma_start3A_220 = arith.constant 2 : i32
      %dma_start3A_221 = arith.constant 0 : i32
      %dma_start3A_222 = arith.constant 0 : i32
      %dma_start3A_223 = tpu.memref_slice %arg8[%dma_start3A_220, %dma_start3A_221, %dma_start3A_222] : memref<4x128x4xf32, #tpu.memory_space<vmem>> -> memref<1x128x4xf32, #tpu.memory_space<vmem>>
      %dma_start3A_224 = tpu.memref_squeeze %dma_start3A_223 : memref<1x128x4xf32, #tpu.memory_space<vmem>> -> memref<128x4xf32, #tpu.memory_space<vmem>>
      %dma_start3A_225 = arith.constant 0 : i32
      %dma_start3A_226 = arith.constant 0 : i32
      %dma_start3A_227 = tpu.memref_slice %arg6[%dma_start3A_225, %dma_start3A_226] : memref<100352x4xf32, #tpu.memory_space<vmem_shared>> -> memref<100352x4xf32, #tpu.memory_space<vmem_shared>>
      tpu.enqueue_indirect_dma source(%dma_start3A_224 : memref<128x4xf32, #tpu.memory_space<vmem>>) target(%dma_start3A_227 : memref<100352x4xf32, #tpu.memory_space<vmem_shared>>) offsets(%arg18 : memref<128xi32, #tpu.memory_space<vmem>>) semaphore(%arg11 : memref<!tpu.dma_semaphore, #tpu.memory_space<semaphore_mem>>) {add = true}
      %dma_start3A_228 = arith.constant 3 : i32
      %dma_start3A_229 = arith.constant 0 : i32
      %dma_start3A_230 = arith.constant 0 : i32
      %dma_start3A_231 = tpu.memref_slice %arg8[%dma_start3A_228, %dma_start3A_229, %dma_start3A_230] : memref<4x128x4xf32, #tpu.memory_space<vmem>> -> memref<1x128x4xf32, #tpu.memory_space<vmem>>
      %dma_start3A_232 = tpu.memref_squeeze %dma_start3A_231 : memref<1x128x4xf32, #tpu.memory_space<vmem>> -> memref<128x4xf32, #tpu.memory_space<vmem>>
      %dma_start3A_233 = arith.constant 0 : i32
      %dma_start3A_234 = arith.constant 0 : i32
      %dma_start3A_235 = tpu.memref_slice %arg6[%dma_start3A_233, %dma_start3A_234] : memref<100352x4xf32, #tpu.memory_space<vmem_shared>> -> memref<100352x4xf32, #tpu.memory_space<vmem_shared>>
      tpu.enqueue_indirect_dma source(%dma_start3A_232 : memref<128x4xf32, #tpu.memory_space<vmem>>) target(%dma_start3A_235 : memref<100352x4xf32, #tpu.memory_space<vmem_shared>>) offsets(%arg19 : memref<128xi32, #tpu.memory_space<vmem>>) semaphore(%arg11 : memref<!tpu.dma_semaphore, #tpu.memory_space<semaphore_mem>>) {add = true}
      %dma_wait3A_236 = arith.constant 0 : i32
      %dma_wait3A_237 = arith.constant 0 : i32
      %dma_wait3A_238 = arith.constant 0 : i32
      %dma_wait3A_239 = tpu.memref_slice %arg8[%dma_wait3A_236, %dma_wait3A_237, %dma_wait3A_238] : memref<4x128x4xf32, #tpu.memory_space<vmem>> -> memref<1x128x4xf32, #tpu.memory_space<vmem>>
      %dma_wait3A_240 = tpu.memref_squeeze %dma_wait3A_239 : memref<1x128x4xf32, #tpu.memory_space<vmem>> -> memref<128x4xf32, #tpu.memory_space<vmem>>
      %dma_wait3A_241 = arith.constant 0 : i32
      %dma_wait3A_242 = arith.constant 0 : i32
      %dma_wait3A_243 = tpu.memref_slice %arg6[%dma_wait3A_241, %dma_wait3A_242] : memref<100352x4xf32, #tpu.memory_space<vmem_shared>> -> memref<100352x4xf32, #tpu.memory_space<vmem_shared>>
      tpu.wait_indirect_dma semaphore(%arg11 : memref<!tpu.dma_semaphore, #tpu.memory_space<semaphore_mem>>) src(%dma_wait3A_240 : memref<128x4xf32, #tpu.memory_space<vmem>>) dst(%dma_wait3A_243 : memref<100352x4xf32, #tpu.memory_space<vmem_shared>>)
      %dma_wait3A_244 = arith.constant 1 : i32
      %dma_wait3A_245 = arith.constant 0 : i32
      %dma_wait3A_246 = arith.constant 0 : i32
      %dma_wait3A_247 = tpu.memref_slice %arg8[%dma_wait3A_244, %dma_wait3A_245, %dma_wait3A_246] : memref<4x128x4xf32, #tpu.memory_space<vmem>> -> memref<1x128x4xf32, #tpu.memory_space<vmem>>
      %dma_wait3A_248 = tpu.memref_squeeze %dma_wait3A_247 : memref<1x128x4xf32, #tpu.memory_space<vmem>> -> memref<128x4xf32, #tpu.memory_space<vmem>>
      %dma_wait3A_249 = arith.constant 0 : i32
      %dma_wait3A_250 = arith.constant 0 : i32
      %dma_wait3A_251 = tpu.memref_slice %arg6[%dma_wait3A_249, %dma_wait3A_250] : memref<100352x4xf32, #tpu.memory_space<vmem_shared>> -> memref<100352x4xf32, #tpu.memory_space<vmem_shared>>
      tpu.wait_indirect_dma semaphore(%arg11 : memref<!tpu.dma_semaphore, #tpu.memory_space<semaphore_mem>>) src(%dma_wait3A_248 : memref<128x4xf32, #tpu.memory_space<vmem>>) dst(%dma_wait3A_251 : memref<100352x4xf32, #tpu.memory_space<vmem_shared>>)
      %dma_wait3A_252 = arith.constant 2 : i32
      %dma_wait3A_253 = arith.constant 0 : i32
      %dma_wait3A_254 = arith.constant 0 : i32
      %dma_wait3A_255 = tpu.memref_slice %arg8[%dma_wait3A_252, %dma_wait3A_253, %dma_wait3A_254] : memref<4x128x4xf32, #tpu.memory_space<vmem>> -> memref<1x128x4xf32, #tpu.memory_space<vmem>>
      %dma_wait3A_256 = tpu.memref_squeeze %dma_wait3A_255 : memref<1x128x4xf32, #tpu.memory_space<vmem>> -> memref<128x4xf32, #tpu.memory_space<vmem>>
      %dma_wait3A_257 = arith.constant 0 : i32
      %dma_wait3A_258 = arith.constant 0 : i32
      %dma_wait3A_259 = tpu.memref_slice %arg6[%dma_wait3A_257, %dma_wait3A_258] : memref<100352x4xf32, #tpu.memory_space<vmem_shared>> -> memref<100352x4xf32, #tpu.memory_space<vmem_shared>>
      tpu.wait_indirect_dma semaphore(%arg11 : memref<!tpu.dma_semaphore, #tpu.memory_space<semaphore_mem>>) src(%dma_wait3A_256 : memref<128x4xf32, #tpu.memory_space<vmem>>) dst(%dma_wait3A_259 : memref<100352x4xf32, #tpu.memory_space<vmem_shared>>)
      %dma_wait3A_260 = arith.constant 3 : i32
      %dma_wait3A_261 = arith.constant 0 : i32
      %dma_wait3A_262 = arith.constant 0 : i32
      %dma_wait3A_263 = tpu.memref_slice %arg8[%dma_wait3A_260, %dma_wait3A_261, %dma_wait3A_262] : memref<4x128x4xf32, #tpu.memory_space<vmem>> -> memref<1x128x4xf32, #tpu.memory_space<vmem>>
      %dma_wait3A_264 = tpu.memref_squeeze %dma_wait3A_263 : memref<1x128x4xf32, #tpu.memory_space<vmem>> -> memref<128x4xf32, #tpu.memory_space<vmem>>
      %dma_wait3A_265 = arith.constant 0 : i32
      %dma_wait3A_266 = arith.constant 0 : i32
      %dma_wait3A_267 = tpu.memref_slice %arg6[%dma_wait3A_265, %dma_wait3A_266] : memref<100352x4xf32, #tpu.memory_space<vmem_shared>> -> memref<100352x4xf32, #tpu.memory_space<vmem_shared>>
      tpu.wait_indirect_dma semaphore(%arg11 : memref<!tpu.dma_semaphore, #tpu.memory_space<semaphore_mem>>) src(%dma_wait3A_264 : memref<128x4xf32, #tpu.memory_space<vmem>>) dst(%dma_wait3A_267 : memref<100352x4xf32, #tpu.memory_space<vmem_shared>>)
    }
    %scan3A_9 = arith.constant 195 : i32
    %scan3A_10 = arith.constant 0 : i32
    %scan3A_11 = arith.constant 0 : i32
    %add3A_12 = arith.constant 780 : i32
    %add3A_13 = arith.addi %mul3A_4, %add3A_12 : i32
    %add3A_14 = arith.addi %add3A_13, %scan3A_11 : i32
    %mul3A_15 = arith.constant 128 : i32
    %mul3A_16 = arith.muli %add3A_14, %mul3A_15 : i32
    %run_scoped3A = arith.constant 0 : i32
    "tpu.region"() ({
      %run_scoped3A_26 = tpu.sem_alloc : memref<!tpu.dma_semaphore, #tpu.memory_space<semaphore_mem>>
      %dma_start3A = tpu.memref_slice %arg3[%run_scoped3A, %mul3A_16] : memref<2x3200000xi32, #tpu.memory_space<hbm>> -> memref<1x128xi32, #tpu.memory_space<hbm>>
      %dma_start3A_27 = tpu.memref_squeeze %dma_start3A : memref<1x128xi32, #tpu.memory_space<hbm>> -> memref<128xi32, #tpu.memory_space<hbm>>
      %dma_start3A_28 = tpu.memref_slice %arg3[%run_scoped3A, %mul3A_16] : memref<2x3200000xi32, #tpu.memory_space<hbm>> -> memref<1x128xi32, #tpu.memory_space<hbm>>
      %dma_start3A_29 = tpu.memref_squeeze %dma_start3A_28 : memref<1x128xi32, #tpu.memory_space<hbm>> -> memref<128xi32, #tpu.memory_space<hbm>>
      tpu.enqueue_dma source(%dma_start3A_29 : memref<128xi32, #tpu.memory_space<hbm>>) target(%arg12 : memref<128xi32, #tpu.memory_space<vmem>>) target_semaphore(%run_scoped3A_26 : memref<!tpu.dma_semaphore, #tpu.memory_space<semaphore_mem>>)
      %dma_wait3A = tpu.memref_slice %arg3[%run_scoped3A, %mul3A_16] : memref<2x3200000xi32, #tpu.memory_space<hbm>> -> memref<1x128xi32, #tpu.memory_space<hbm>>
      %dma_wait3A_30 = tpu.memref_squeeze %dma_wait3A : memref<1x128xi32, #tpu.memory_space<hbm>> -> memref<128xi32, #tpu.memory_space<hbm>>
      %dma_wait3A_31 = tpu.memref_slice %arg3[%run_scoped3A, %mul3A_16] : memref<2x3200000xi32, #tpu.memory_space<hbm>> -> memref<1x128xi32, #tpu.memory_space<hbm>>
      %dma_wait3A_32 = tpu.memref_squeeze %dma_wait3A_31 : memref<1x128xi32, #tpu.memory_space<hbm>> -> memref<128xi32, #tpu.memory_space<hbm>>
      tpu.wait_dma2 semaphore(%run_scoped3A_26 : memref<!tpu.dma_semaphore, #tpu.memory_space<semaphore_mem>>) src(%dma_wait3A_32 : memref<128xi32, #tpu.memory_space<hbm>>) dst(%arg12 : memref<128xi32, #tpu.memory_space<vmem>>)
      tpu.yield
    }) : () -> ()
    %mul3A_17 = arith.constant 128 : i32
    %mul3A_18 = arith.muli %add3A_14, %mul3A_17 : i32
    %run_scoped3A_19 = arith.constant 1 : i32
    "tpu.region"() ({
      %run_scoped3A_26 = tpu.sem_alloc : memref<!tpu.dma_semaphore, #tpu.memory_space<semaphore_mem>>
      %dma_start3A = tpu.memref_slice %arg3[%run_scoped3A_19, %mul3A_18] : memref<2x3200000xi32, #tpu.memory_space<hbm>> -> memref<1x128xi32, #tpu.memory_space<hbm>>
      %dma_start3A_27 = tpu.memref_squeeze %dma_start3A : memref<1x128xi32, #tpu.memory_space<hbm>> -> memref<128xi32, #tpu.memory_space<hbm>>
      %dma_start3A_28 = tpu.memref_slice %arg3[%run_scoped3A_19, %mul3A_18] : memref<2x3200000xi32, #tpu.memory_space<hbm>> -> memref<1x128xi32, #tpu.memory_space<hbm>>
      %dma_start3A_29 = tpu.memref_squeeze %dma_start3A_28 : memref<1x128xi32, #tpu.memory_space<hbm>> -> memref<128xi32, #tpu.memory_space<hbm>>
      tpu.enqueue_dma source(%dma_start3A_29 : memref<128xi32, #tpu.memory_space<hbm>>) target(%arg16 : memref<128xi32, #tpu.memory_space<vmem>>) target_semaphore(%run_scoped3A_26 : memref<!tpu.dma_semaphore, #tpu.memory_space<semaphore_mem>>)
      %dma_wait3A = tpu.memref_slice %arg3[%run_scoped3A_19, %mul3A_18] : memref<2x3200000xi32, #tpu.memory_space<hbm>> -> memref<1x128xi32, #tpu.memory_space<hbm>>
      %dma_wait3A_30 = tpu.memref_squeeze %dma_wait3A : memref<1x128xi32, #tpu.memory_space<hbm>> -> memref<128xi32, #tpu.memory_space<hbm>>
      %dma_wait3A_31 = tpu.memref_slice %arg3[%run_scoped3A_19, %mul3A_18] : memref<2x3200000xi32, #tpu.memory_space<hbm>> -> memref<1x128xi32, #tpu.memory_space<hbm>>
      %dma_wait3A_32 = tpu.memref_squeeze %dma_wait3A_31 : memref<1x128xi32, #tpu.memory_space<hbm>> -> memref<128xi32, #tpu.memory_space<hbm>>
      tpu.wait_dma2 semaphore(%run_scoped3A_26 : memref<!tpu.dma_semaphore, #tpu.memory_space<semaphore_mem>>) src(%dma_wait3A_32 : memref<128xi32, #tpu.memory_space<hbm>>) dst(%arg16 : memref<128xi32, #tpu.memory_space<vmem>>)
      tpu.yield
    }) : () -> ()
    %run_scoped3A_20 = arith.constant 0 : i32
    "tpu.region"() ({
      %run_scoped3A_26 = tpu.sem_alloc : memref<!tpu.dma_semaphore, #tpu.memory_space<semaphore_mem>>
      %dma_start3A = arith.constant 0 : i32
      %dma_start3A_27 = arith.constant 0 : i32
      %dma_start3A_28 = tpu.memref_slice %arg8[%run_scoped3A_20, %dma_start3A, %dma_start3A_27] : memref<4x128x4xf32, #tpu.memory_space<vmem>> -> memref<1x128x4xf32, #tpu.memory_space<vmem>>
      %dma_start3A_29 = tpu.memref_squeeze %dma_start3A_28 : memref<1x128x4xf32, #tpu.memory_space<vmem>> -> memref<128x4xf32, #tpu.memory_space<vmem>>
      %dma_start3A_30 = arith.constant 0 : i32
      %dma_start3A_31 = arith.constant 0 : i32
      %dma_start3A_32 = tpu.memref_slice %arg2[%dma_start3A_30, %dma_start3A_31] : memref<100352x4xf32, #tpu.memory_space<hbm>> -> memref<100352x4xf32, #tpu.memory_space<hbm>>
      tpu.enqueue_indirect_dma source(%dma_start3A_32 : memref<100352x4xf32, #tpu.memory_space<hbm>>) target(%dma_start3A_29 : memref<128x4xf32, #tpu.memory_space<vmem>>) offsets(%arg12 : memref<128xi32, #tpu.memory_space<vmem>>) semaphore(%run_scoped3A_26 : memref<!tpu.dma_semaphore, #tpu.memory_space<semaphore_mem>>)
      %dma_wait3A = arith.constant 0 : i32
      %dma_wait3A_33 = arith.constant 0 : i32
      %dma_wait3A_34 = tpu.memref_slice %arg8[%run_scoped3A_20, %dma_wait3A, %dma_wait3A_33] : memref<4x128x4xf32, #tpu.memory_space<vmem>> -> memref<1x128x4xf32, #tpu.memory_space<vmem>>
      %dma_wait3A_35 = tpu.memref_squeeze %dma_wait3A_34 : memref<1x128x4xf32, #tpu.memory_space<vmem>> -> memref<128x4xf32, #tpu.memory_space<vmem>>
      %dma_wait3A_36 = arith.constant 0 : i32
      %dma_wait3A_37 = arith.constant 0 : i32
      %dma_wait3A_38 = tpu.memref_slice %arg2[%dma_wait3A_36, %dma_wait3A_37] : memref<100352x4xf32, #tpu.memory_space<hbm>> -> memref<100352x4xf32, #tpu.memory_space<hbm>>
      tpu.wait_indirect_dma semaphore(%run_scoped3A_26 : memref<!tpu.dma_semaphore, #tpu.memory_space<semaphore_mem>>) src(%dma_wait3A_38 : memref<100352x4xf32, #tpu.memory_space<hbm>>) dst(%dma_wait3A_35 : memref<128x4xf32, #tpu.memory_space<vmem>>)
      tpu.yield
    }) : () -> ()
    %run_scoped3A_21 = arith.constant 0 : i32
    "tpu.region"() ({
      %run_scoped3A_26 = tpu.sem_alloc : memref<!tpu.dma_semaphore, #tpu.memory_space<semaphore_mem>>
      %dma_start3A = arith.constant 0 : i32
      %dma_start3A_27 = arith.constant 0 : i32
      %dma_start3A_28 = tpu.memref_slice %arg8[%run_scoped3A_21, %dma_start3A, %dma_start3A_27] : memref<4x128x4xf32, #tpu.memory_space<vmem>> -> memref<1x128x4xf32, #tpu.memory_space<vmem>>
      %dma_start3A_29 = tpu.memref_squeeze %dma_start3A_28 : memref<1x128x4xf32, #tpu.memory_space<vmem>> -> memref<128x4xf32, #tpu.memory_space<vmem>>
      %dma_start3A_30 = arith.constant 0 : i32
      %dma_start3A_31 = arith.constant 0 : i32
      %dma_start3A_32 = tpu.memref_slice %arg6[%dma_start3A_30, %dma_start3A_31] : memref<100352x4xf32, #tpu.memory_space<vmem_shared>> -> memref<100352x4xf32, #tpu.memory_space<vmem_shared>>
      tpu.enqueue_indirect_dma source(%dma_start3A_29 : memref<128x4xf32, #tpu.memory_space<vmem>>) target(%dma_start3A_32 : memref<100352x4xf32, #tpu.memory_space<vmem_shared>>) offsets(%arg16 : memref<128xi32, #tpu.memory_space<vmem>>) semaphore(%run_scoped3A_26 : memref<!tpu.dma_semaphore, #tpu.memory_space<semaphore_mem>>) {add = true}
      %dma_wait3A = arith.constant 0 : i32
      %dma_wait3A_33 = arith.constant 0 : i32
      %dma_wait3A_34 = tpu.memref_slice %arg8[%run_scoped3A_21, %dma_wait3A, %dma_wait3A_33] : memref<4x128x4xf32, #tpu.memory_space<vmem>> -> memref<1x128x4xf32, #tpu.memory_space<vmem>>
      %dma_wait3A_35 = tpu.memref_squeeze %dma_wait3A_34 : memref<1x128x4xf32, #tpu.memory_space<vmem>> -> memref<128x4xf32, #tpu.memory_space<vmem>>
      %dma_wait3A_36 = arith.constant 0 : i32
      %dma_wait3A_37 = arith.constant 0 : i32
      %dma_wait3A_38 = tpu.memref_slice %arg6[%dma_wait3A_36, %dma_wait3A_37] : memref<100352x4xf32, #tpu.memory_space<vmem_shared>> -> memref<100352x4xf32, #tpu.memory_space<vmem_shared>>
      tpu.wait_indirect_dma semaphore(%run_scoped3A_26 : memref<!tpu.dma_semaphore, #tpu.memory_space<semaphore_mem>>) src(%dma_wait3A_35 : memref<128x4xf32, #tpu.memory_space<vmem>>) dst(%dma_wait3A_38 : memref<100352x4xf32, #tpu.memory_space<vmem_shared>>)
      tpu.yield
    }) : () -> ()
    %scan3A_22 = arith.constant 1 : i32
    %lt3A = arith.constant 8 : i32
    %lt3A_23 = arith.cmpi slt, %add3A, %lt3A : i32
    %convert_element_type3A = arith.extui %lt3A_23 : i1 to i32
    %cond3A = arith.constant 0 : i32
    %cond3A_24 = arith.cmpi ne, %convert_element_type3A, %cond3A : i32
    scf.if %cond3A_24 {
      %add3A_26 = arith.constant 24992 : i32
      %add3A_27 = arith.addi %add3A_26, %add3A : i32
      %mul3A_28 = arith.constant 128 : i32
      %mul3A_29 = arith.muli %add3A_27, %mul3A_28 : i32
      %run_scoped3A_30 = arith.constant 0 : i32
      "tpu.region"() ({
        %run_scoped3A_36 = tpu.sem_alloc : memref<!tpu.dma_semaphore, #tpu.memory_space<semaphore_mem>>
        %dma_start3A = tpu.memref_slice %arg3[%run_scoped3A_30, %mul3A_29] : memref<2x3200000xi32, #tpu.memory_space<hbm>> -> memref<1x128xi32, #tpu.memory_space<hbm>>
        %dma_start3A_37 = tpu.memref_squeeze %dma_start3A : memref<1x128xi32, #tpu.memory_space<hbm>> -> memref<128xi32, #tpu.memory_space<hbm>>
        %dma_start3A_38 = tpu.memref_slice %arg3[%run_scoped3A_30, %mul3A_29] : memref<2x3200000xi32, #tpu.memory_space<hbm>> -> memref<1x128xi32, #tpu.memory_space<hbm>>
        %dma_start3A_39 = tpu.memref_squeeze %dma_start3A_38 : memref<1x128xi32, #tpu.memory_space<hbm>> -> memref<128xi32, #tpu.memory_space<hbm>>
        tpu.enqueue_dma source(%dma_start3A_39 : memref<128xi32, #tpu.memory_space<hbm>>) target(%arg12 : memref<128xi32, #tpu.memory_space<vmem>>) target_semaphore(%run_scoped3A_36 : memref<!tpu.dma_semaphore, #tpu.memory_space<semaphore_mem>>)
        %dma_wait3A = tpu.memref_slice %arg3[%run_scoped3A_30, %mul3A_29] : memref<2x3200000xi32, #tpu.memory_space<hbm>> -> memref<1x128xi32, #tpu.memory_space<hbm>>
        %dma_wait3A_40 = tpu.memref_squeeze %dma_wait3A : memref<1x128xi32, #tpu.memory_space<hbm>> -> memref<128xi32, #tpu.memory_space<hbm>>
        %dma_wait3A_41 = tpu.memref_slice %arg3[%run_scoped3A_30, %mul3A_29] : memref<2x3200000xi32, #tpu.memory_space<hbm>> -> memref<1x128xi32, #tpu.memory_space<hbm>>
        %dma_wait3A_42 = tpu.memref_squeeze %dma_wait3A_41 : memref<1x128xi32, #tpu.memory_space<hbm>> -> memref<128xi32, #tpu.memory_space<hbm>>
        tpu.wait_dma2 semaphore(%run_scoped3A_36 : memref<!tpu.dma_semaphore, #tpu.memory_space<semaphore_mem>>) src(%dma_wait3A_42 : memref<128xi32, #tpu.memory_space<hbm>>) dst(%arg12 : memref<128xi32, #tpu.memory_space<vmem>>)
        tpu.yield
      }) : () -> ()
      %mul3A_31 = arith.constant 128 : i32
      %mul3A_32 = arith.muli %add3A_27, %mul3A_31 : i32
      %run_scoped3A_33 = arith.constant 1 : i32
      "tpu.region"() ({
        %run_scoped3A_36 = tpu.sem_alloc : memref<!tpu.dma_semaphore, #tpu.memory_space<semaphore_mem>>
        %dma_start3A = tpu.memref_slice %arg3[%run_scoped3A_33, %mul3A_32] : memref<2x3200000xi32, #tpu.memory_space<hbm>> -> memref<1x128xi32, #tpu.memory_space<hbm>>
        %dma_start3A_37 = tpu.memref_squeeze %dma_start3A : memref<1x128xi32, #tpu.memory_space<hbm>> -> memref<128xi32, #tpu.memory_space<hbm>>
        %dma_start3A_38 = tpu.memref_slice %arg3[%run_scoped3A_33, %mul3A_32] : memref<2x3200000xi32, #tpu.memory_space<hbm>> -> memref<1x128xi32, #tpu.memory_space<hbm>>
        %dma_start3A_39 = tpu.memref_squeeze %dma_start3A_38 : memref<1x128xi32, #tpu.memory_space<hbm>> -> memref<128xi32, #tpu.memory_space<hbm>>
        tpu.enqueue_dma source(%dma_start3A_39 : memref<128xi32, #tpu.memory_space<hbm>>) target(%arg16 : memref<128xi32, #tpu.memory_space<vmem>>) target_semaphore(%run_scoped3A_36 : memref<!tpu.dma_semaphore, #tpu.memory_space<semaphore_mem>>)
        %dma_wait3A = tpu.memref_slice %arg3[%run_scoped3A_33, %mul3A_32] : memref<2x3200000xi32, #tpu.memory_space<hbm>> -> memref<1x128xi32, #tpu.memory_space<hbm>>
        %dma_wait3A_40 = tpu.memref_squeeze %dma_wait3A : memref<1x128xi32, #tpu.memory_space<hbm>> -> memref<128xi32, #tpu.memory_space<hbm>>
        %dma_wait3A_41 = tpu.memref_slice %arg3[%run_scoped3A_33, %mul3A_32] : memref<2x3200000xi32, #tpu.memory_space<hbm>> -> memref<1x128xi32, #tpu.memory_space<hbm>>
        %dma_wait3A_42 = tpu.memref_squeeze %dma_wait3A_41 : memref<1x128xi32, #tpu.memory_space<hbm>> -> memref<128xi32, #tpu.memory_space<hbm>>
        tpu.wait_dma2 semaphore(%run_scoped3A_36 : memref<!tpu.dma_semaphore, #tpu.memory_space<semaphore_mem>>) src(%dma_wait3A_42 : memref<128xi32, #tpu.memory_space<hbm>>) dst(%arg16 : memref<128xi32, #tpu.memory_space<vmem>>)
        tpu.yield
      }) : () -> ()
      %run_scoped3A_34 = arith.constant 0 : i32
      "tpu.region"() ({
        %run_scoped3A_36 = tpu.sem_alloc : memref<!tpu.dma_semaphore, #tpu.memory_space<semaphore_mem>>
        %dma_start3A = arith.constant 0 : i32
        %dma_start3A_37 = arith.constant 0 : i32
        %dma_start3A_38 = tpu.memref_slice %arg8[%run_scoped3A_34, %dma_start3A, %dma_start3A_37] : memref<4x128x4xf32, #tpu.memory_space<vmem>> -> memref<1x128x4xf32, #tpu.memory_space<vmem>>
        %dma_start3A_39 = tpu.memref_squeeze %dma_start3A_38 : memref<1x128x4xf32, #tpu.memory_space<vmem>> -> memref<128x4xf32, #tpu.memory_space<vmem>>
        %dma_start3A_40 = arith.constant 0 : i32
        %dma_start3A_41 = arith.constant 0 : i32
        %dma_start3A_42 = tpu.memref_slice %arg2[%dma_start3A_40, %dma_start3A_41] : memref<100352x4xf32, #tpu.memory_space<hbm>> -> memref<100352x4xf32, #tpu.memory_space<hbm>>
        tpu.enqueue_indirect_dma source(%dma_start3A_42 : memref<100352x4xf32, #tpu.memory_space<hbm>>) target(%dma_start3A_39 : memref<128x4xf32, #tpu.memory_space<vmem>>) offsets(%arg12 : memref<128xi32, #tpu.memory_space<vmem>>) semaphore(%run_scoped3A_36 : memref<!tpu.dma_semaphore, #tpu.memory_space<semaphore_mem>>)
        %dma_wait3A = arith.constant 0 : i32
        %dma_wait3A_43 = arith.constant 0 : i32
        %dma_wait3A_44 = tpu.memref_slice %arg8[%run_scoped3A_34, %dma_wait3A, %dma_wait3A_43] : memref<4x128x4xf32, #tpu.memory_space<vmem>> -> memref<1x128x4xf32, #tpu.memory_space<vmem>>
        %dma_wait3A_45 = tpu.memref_squeeze %dma_wait3A_44 : memref<1x128x4xf32, #tpu.memory_space<vmem>> -> memref<128x4xf32, #tpu.memory_space<vmem>>
        %dma_wait3A_46 = arith.constant 0 : i32
        %dma_wait3A_47 = arith.constant 0 : i32
        %dma_wait3A_48 = tpu.memref_slice %arg2[%dma_wait3A_46, %dma_wait3A_47] : memref<100352x4xf32, #tpu.memory_space<hbm>> -> memref<100352x4xf32, #tpu.memory_space<hbm>>
        tpu.wait_indirect_dma semaphore(%run_scoped3A_36 : memref<!tpu.dma_semaphore, #tpu.memory_space<semaphore_mem>>) src(%dma_wait3A_48 : memref<100352x4xf32, #tpu.memory_space<hbm>>) dst(%dma_wait3A_45 : memref<128x4xf32, #tpu.memory_space<vmem>>)
        tpu.yield
      }) : () -> ()
      %run_scoped3A_35 = arith.constant 0 : i32
      "tpu.region"() ({
        %run_scoped3A_36 = tpu.sem_alloc : memref<!tpu.dma_semaphore, #tpu.memory_space<semaphore_mem>>
        %dma_start3A = arith.constant 0 : i32
        %dma_start3A_37 = arith.constant 0 : i32
        %dma_start3A_38 = tpu.memref_slice %arg8[%run_scoped3A_35, %dma_start3A, %dma_start3A_37] : memref<4x128x4xf32, #tpu.memory_space<vmem>> -> memref<1x128x4xf32, #tpu.memory_space<vmem>>
        %dma_start3A_39 = tpu.memref_squeeze %dma_start3A_38 : memref<1x128x4xf32, #tpu.memory_space<vmem>> -> memref<128x4xf32, #tpu.memory_space<vmem>>
        %dma_start3A_40 = arith.constant 0 : i32
        %dma_start3A_41 = arith.constant 0 : i32
        %dma_start3A_42 = tpu.memref_slice %arg6[%dma_start3A_40, %dma_start3A_41] : memref<100352x4xf32, #tpu.memory_space<vmem_shared>> -> memref<100352x4xf32, #tpu.memory_space<vmem_shared>>
        tpu.enqueue_indirect_dma source(%dma_start3A_39 : memref<128x4xf32, #tpu.memory_space<vmem>>) target(%dma_start3A_42 : memref<100352x4xf32, #tpu.memory_space<vmem_shared>>) offsets(%arg16 : memref<128xi32, #tpu.memory_space<vmem>>) semaphore(%run_scoped3A_36 : memref<!tpu.dma_semaphore, #tpu.memory_space<semaphore_mem>>) {add = true}
        %dma_wait3A = arith.constant 0 : i32
        %dma_wait3A_43 = arith.constant 0 : i32
        %dma_wait3A_44 = tpu.memref_slice %arg8[%run_scoped3A_35, %dma_wait3A, %dma_wait3A_43] : memref<4x128x4xf32, #tpu.memory_space<vmem>> -> memref<1x128x4xf32, #tpu.memory_space<vmem>>
        %dma_wait3A_45 = tpu.memref_squeeze %dma_wait3A_44 : memref<1x128x4xf32, #tpu.memory_space<vmem>> -> memref<128x4xf32, #tpu.memory_space<vmem>>
        %dma_wait3A_46 = arith.constant 0 : i32
        %dma_wait3A_47 = arith.constant 0 : i32
        %dma_wait3A_48 = tpu.memref_slice %arg6[%dma_wait3A_46, %dma_wait3A_47] : memref<100352x4xf32, #tpu.memory_space<vmem_shared>> -> memref<100352x4xf32, #tpu.memory_space<vmem_shared>>
        tpu.wait_indirect_dma semaphore(%run_scoped3A_36 : memref<!tpu.dma_semaphore, #tpu.memory_space<semaphore_mem>>) src(%dma_wait3A_45 : memref<128x4xf32, #tpu.memory_space<vmem>>) dst(%dma_wait3A_48 : memref<100352x4xf32, #tpu.memory_space<vmem_shared>>)
        tpu.yield
      }) : () -> ()
    } else {
    }
    %barrier3A_25 = arith.constant 0 : index
    tpu.barrier barrier_id(%barrier3A_25)
    "tpu.region"() ({
      %run_scoped3A_26 = tpu.sem_alloc : memref<!tpu.dma_semaphore, #tpu.memory_space<semaphore_mem>>
      %dma_start3A = arith.constant 0 : i32
      %dma_start3A_27 = tpu.memref_slice %arg6[%mul3A_2, %dma_start3A] : memref<100352x4xf32, #tpu.memory_space<vmem_shared>> -> memref<6272x4xf32, #tpu.memory_space<vmem_shared>>
      %dma_start3A_28 = arith.constant 0 : i32
      %dma_start3A_29 = tpu.memref_slice %arg6[%mul3A_2, %dma_start3A_28] : memref<100352x4xf32, #tpu.memory_space<vmem_shared>> -> memref<6272x4xf32, #tpu.memory_space<vmem_shared>>
      tpu.enqueue_dma source(%dma_start3A_29 : memref<6272x4xf32, #tpu.memory_space<vmem_shared>>) target(%arg7 : memref<6272x4xf32, #tpu.memory_space<vmem>>) target_semaphore(%run_scoped3A_26 : memref<!tpu.dma_semaphore, #tpu.memory_space<semaphore_mem>>)
      %dma_wait3A = arith.constant 0 : i32
      %dma_wait3A_30 = tpu.memref_slice %arg6[%mul3A_2, %dma_wait3A] : memref<100352x4xf32, #tpu.memory_space<vmem_shared>> -> memref<6272x4xf32, #tpu.memory_space<vmem_shared>>
      %dma_wait3A_31 = arith.constant 0 : i32
      %dma_wait3A_32 = tpu.memref_slice %arg6[%mul3A_2, %dma_wait3A_31] : memref<100352x4xf32, #tpu.memory_space<vmem_shared>> -> memref<6272x4xf32, #tpu.memory_space<vmem_shared>>
      tpu.wait_dma2 semaphore(%run_scoped3A_26 : memref<!tpu.dma_semaphore, #tpu.memory_space<semaphore_mem>>) src(%dma_wait3A_32 : memref<6272x4xf32, #tpu.memory_space<vmem_shared>>) dst(%arg7 : memref<6272x4xf32, #tpu.memory_space<vmem>>)
      tpu.yield
    }) : () -> ()
    "tpu.region"() ({
      %run_scoped3A_26 = tpu.sem_alloc : memref<!tpu.dma_semaphore, #tpu.memory_space<semaphore_mem>>
      %dma_start3A = arith.constant 0 : i32
      %dma_start3A_27 = tpu.memref_slice %arg5[%arg0, %mul3A_2, %dma_start3A] : memref<2x100352x4xf32, #tpu.memory_space<hbm>> -> memref<1x6272x4xf32, #tpu.memory_space<hbm>>
      %dma_start3A_28 = tpu.memref_squeeze %dma_start3A_27 : memref<1x6272x4xf32, #tpu.memory_space<hbm>> -> memref<6272x4xf32, #tpu.memory_space<hbm>>
      %dma_start3A_29 = arith.constant 0 : i32
      %dma_start3A_30 = tpu.memref_slice %arg5[%arg0, %mul3A_2, %dma_start3A_29] : memref<2x100352x4xf32, #tpu.memory_space<hbm>> -> memref<1x6272x4xf32, #tpu.memory_space<hbm>>
      %dma_start3A_31 = tpu.memref_squeeze %dma_start3A_30 : memref<1x6272x4xf32, #tpu.memory_space<hbm>> -> memref<6272x4xf32, #tpu.memory_space<hbm>>
      tpu.enqueue_dma source(%arg7 : memref<6272x4xf32, #tpu.memory_space<vmem>>) target(%dma_start3A_31 : memref<6272x4xf32, #tpu.memory_space<hbm>>) target_semaphore(%run_scoped3A_26 : memref<!tpu.dma_semaphore, #tpu.memory_space<semaphore_mem>>)
      %dma_wait3A = arith.constant 0 : i32
      %dma_wait3A_32 = tpu.memref_slice %arg5[%arg0, %mul3A_2, %dma_wait3A] : memref<2x100352x4xf32, #tpu.memory_space<hbm>> -> memref<1x6272x4xf32, #tpu.memory_space<hbm>>
      %dma_wait3A_33 = tpu.memref_squeeze %dma_wait3A_32 : memref<1x6272x4xf32, #tpu.memory_space<hbm>> -> memref<6272x4xf32, #tpu.memory_space<hbm>>
      %dma_wait3A_34 = arith.constant 0 : i32
      %dma_wait3A_35 = tpu.memref_slice %arg5[%arg0, %mul3A_2, %dma_wait3A_34] : memref<2x100352x4xf32, #tpu.memory_space<hbm>> -> memref<1x6272x4xf32, #tpu.memory_space<hbm>>
      %dma_wait3A_36 = tpu.memref_squeeze %dma_wait3A_35 : memref<1x6272x4xf32, #tpu.memory_space<hbm>> -> memref<6272x4xf32, #tpu.memory_space<hbm>>
      tpu.wait_dma2 semaphore(%run_scoped3A_26 : memref<!tpu.dma_semaphore, #tpu.memory_space<semaphore_mem>>) src(%arg7 : memref<6272x4xf32, #tpu.memory_space<vmem>>) dst(%dma_wait3A_36 : memref<6272x4xf32, #tpu.memory_space<hbm>>)
      tpu.yield
    }) : () -> ()
    return
  }
}

module attributes {stable_mosaic.version = 14 : i64} {
  func.func @body(%arg0: memref<3136x128xf32, #tpu.memory_space<vmem>>, %arg1: memref<2x3136x128xf32, #tpu.memory_space<vmem>>, %arg2: memref<2x3136x128xf32, #tpu.memory_space<vmem>>, %arg3: memref<4xf32, #tpu.memory_space<smem>>, %arg4: memref<3136x128xf32, #tpu.memory_space<vmem>>, %arg5: memref<3136x128xf32, #tpu.memory_space<vmem>>) attributes {dimension_semantics = [], scalar_prefetch = 0 : i64, scratch_operands = 0 : i64, tpu.core_type = #tpu.core_type<tc>} {
    %get3A = arith.constant 0 : index
    %get3A_0 = memref.load %arg3[%get3A] : memref<4xf32, #tpu.memory_space<smem>>
    %get3A_1 = arith.constant 1 : index
    %get3A_2 = memref.load %arg3[%get3A_1] : memref<4xf32, #tpu.memory_space<smem>>
    %get3A_3 = arith.constant 2 : index
    %get3A_4 = memref.load %arg3[%get3A_3] : memref<4xf32, #tpu.memory_space<smem>>
    %get3A_5 = arith.constant 3 : index
    %get3A_6 = memref.load %arg3[%get3A_5] : memref<4xf32, #tpu.memory_space<smem>>
    %get3A_7 = arith.constant 0 : index
    %get3A_8 = arith.constant 0 : index
    %get3A_9 = arith.constant 0 : index
    %get3A_10 = vector.load %arg1[%get3A_7, %get3A_8, %get3A_9] : memref<2x3136x128xf32, #tpu.memory_space<vmem>>, vector<1x3136x128xf32>
    %get3A_11 = vector.shape_cast %get3A_10 : vector<1x3136x128xf32> to vector<3136x128xf32>
    %get3A_12 = arith.constant 1 : index
    %get3A_13 = arith.constant 0 : index
    %get3A_14 = arith.constant 0 : index
    %get3A_15 = vector.load %arg1[%get3A_12, %get3A_13, %get3A_14] : memref<2x3136x128xf32, #tpu.memory_space<vmem>>, vector<1x3136x128xf32>
    %get3A_16 = vector.shape_cast %get3A_15 : vector<1x3136x128xf32> to vector<3136x128xf32>
    %add3A = arith.addf %get3A_11, %get3A_16 : vector<3136x128xf32>
    %get3A_17 = arith.constant 0 : index
    %get3A_18 = arith.constant 0 : index
    %get3A_19 = arith.constant 0 : index
    %get3A_20 = vector.load %arg2[%get3A_17, %get3A_18, %get3A_19] : memref<2x3136x128xf32, #tpu.memory_space<vmem>>, vector<1x3136x128xf32>
    %get3A_21 = vector.shape_cast %get3A_20 : vector<1x3136x128xf32> to vector<3136x128xf32>
    %get3A_22 = arith.constant 1 : index
    %get3A_23 = arith.constant 0 : index
    %get3A_24 = arith.constant 0 : index
    %get3A_25 = vector.load %arg2[%get3A_22, %get3A_23, %get3A_24] : memref<2x3136x128xf32, #tpu.memory_space<vmem>>, vector<1x3136x128xf32>
    %get3A_26 = vector.shape_cast %get3A_25 : vector<1x3136x128xf32> to vector<3136x128xf32>
    %add3A_27 = arith.addf %get3A_21, %get3A_26 : vector<3136x128xf32>
    %swap3A = arith.constant 0 : index
    %swap3A_28 = arith.constant 0 : index
    %swap3A_29 = vector.load %arg5[%swap3A, %swap3A_28] : memref<3136x128xf32, #tpu.memory_space<vmem>>, vector<3136x128xf32>
    tpu.vector_store %arg5[%swap3A, %swap3A_28], %add3A_27 {strides = array<i32>} : memref<3136x128xf32, #tpu.memory_space<vmem>>, vector<3136x128xf32>,
    %log3A = math.log %add3A_27 : vector<3136x128xf32>
    %mul3A = vector.broadcast %get3A_0 : f32 to vector<3136x128xf32>
    %mul3A_30 = arith.mulf %mul3A, %log3A : vector<3136x128xf32>
    %exp3A = math.exp %mul3A_30 : vector<3136x128xf32>
    %mul3A_31 = vector.broadcast %get3A_2 : f32 to vector<3136x128xf32>
    %mul3A_32 = arith.mulf %mul3A_31, %exp3A : vector<3136x128xf32>
    %get3A_33 = arith.constant 0 : index
    %get3A_34 = arith.constant 0 : index
    %get3A_35 = vector.load %arg0[%get3A_33, %get3A_34] : memref<3136x128xf32, #tpu.memory_space<vmem>>, vector<3136x128xf32>
    %mul3A_36 = arith.mulf %mul3A_32, %get3A_35 : vector<3136x128xf32>
    %sub3A = arith.constant 1.000000e+00 : f32
    %sub3A_37 = arith.subf %get3A_0, %sub3A : f32
    %mul3A_38 = vector.broadcast %sub3A_37 : f32 to vector<3136x128xf32>
    %mul3A_39 = arith.mulf %mul3A_38, %log3A : vector<3136x128xf32>
    %exp3A_40 = math.exp %mul3A_39 : vector<3136x128xf32>
    %mul3A_41 = vector.broadcast %get3A_4 : f32 to vector<3136x128xf32>
    %mul3A_42 = arith.mulf %mul3A_41, %exp3A_40 : vector<3136x128xf32>
    %mul3A_43 = arith.mulf %mul3A_42, %add3A : vector<3136x128xf32>
    %add3A_44 = arith.addf %mul3A_36, %mul3A_43 : vector<3136x128xf32>
    %add3A_45 = vector.broadcast %get3A_6 : f32 to vector<3136x128xf32>
    %add3A_46 = arith.addf %add3A_44, %add3A_45 : vector<3136x128xf32>
    %swap3A_47 = arith.constant 0 : index
    %swap3A_48 = arith.constant 0 : index
    %swap3A_49 = vector.load %arg4[%swap3A_47, %swap3A_48] : memref<3136x128xf32, #tpu.memory_space<vmem>>, vector<3136x128xf32>
    tpu.vector_store %arg4[%swap3A_47, %swap3A_48], %add3A_46 {strides = array<i32>} : memref<3136x128xf32, #tpu.memory_space<vmem>>, vector<3136x128xf32>,
    return
  }
}

module attributes {stable_mosaic.version = 14 : i64} {
  func.func @body(%arg0: memref<3136x128xf32, #tpu.memory_space<vmem>>, %arg1: memref<2x3136x128xf32, #tpu.memory_space<vmem>>, %arg2: memref<3136x128xf32, #tpu.memory_space<vmem>>, %arg3: memref<4xf32, #tpu.memory_space<smem>>, %arg4: memref<3136x128xf32, #tpu.memory_space<vmem>>) attributes {dimension_semantics = [], scalar_prefetch = 0 : i64, scratch_operands = 0 : i64, tpu.core_type = #tpu.core_type<tc>} {
    %get3A = arith.constant 0 : index
    %get3A_0 = memref.load %arg3[%get3A] : memref<4xf32, #tpu.memory_space<smem>>
    %get3A_1 = arith.constant 1 : index
    %get3A_2 = memref.load %arg3[%get3A_1] : memref<4xf32, #tpu.memory_space<smem>>
    %get3A_3 = arith.constant 2 : index
    %get3A_4 = memref.load %arg3[%get3A_3] : memref<4xf32, #tpu.memory_space<smem>>
    %get3A_5 = arith.constant 3 : index
    %get3A_6 = memref.load %arg3[%get3A_5] : memref<4xf32, #tpu.memory_space<smem>>
    %get3A_7 = arith.constant 0 : index
    %get3A_8 = arith.constant 0 : index
    %get3A_9 = arith.constant 0 : index
    %get3A_10 = vector.load %arg1[%get3A_7, %get3A_8, %get3A_9] : memref<2x3136x128xf32, #tpu.memory_space<vmem>>, vector<1x3136x128xf32>
    %get3A_11 = vector.shape_cast %get3A_10 : vector<1x3136x128xf32> to vector<3136x128xf32>
    %get3A_12 = arith.constant 1 : index
    %get3A_13 = arith.constant 0 : index
    %get3A_14 = arith.constant 0 : index
    %get3A_15 = vector.load %arg1[%get3A_12, %get3A_13, %get3A_14] : memref<2x3136x128xf32, #tpu.memory_space<vmem>>, vector<1x3136x128xf32>
    %get3A_16 = vector.shape_cast %get3A_15 : vector<1x3136x128xf32> to vector<3136x128xf32>
    %add3A = arith.addf %get3A_11, %get3A_16 : vector<3136x128xf32>
    %get3A_17 = arith.constant 0 : index
    %get3A_18 = arith.constant 0 : index
    %get3A_19 = vector.load %arg2[%get3A_17, %get3A_18] : memref<3136x128xf32, #tpu.memory_space<vmem>>, vector<3136x128xf32>
    %log3A = math.log %get3A_19 : vector<3136x128xf32>
    %mul3A = vector.broadcast %get3A_0 : f32 to vector<3136x128xf32>
    %mul3A_20 = arith.mulf %mul3A, %log3A : vector<3136x128xf32>
    %exp3A = math.exp %mul3A_20 : vector<3136x128xf32>
    %mul3A_21 = vector.broadcast %get3A_2 : f32 to vector<3136x128xf32>
    %mul3A_22 = arith.mulf %mul3A_21, %exp3A : vector<3136x128xf32>
    %get3A_23 = arith.constant 0 : index
    %get3A_24 = arith.constant 0 : index
    %get3A_25 = vector.load %arg0[%get3A_23, %get3A_24] : memref<3136x128xf32, #tpu.memory_space<vmem>>, vector<3136x128xf32>
    %mul3A_26 = arith.mulf %mul3A_22, %get3A_25 : vector<3136x128xf32>
    %sub3A = arith.constant 1.000000e+00 : f32
    %sub3A_27 = arith.subf %get3A_0, %sub3A : f32
    %mul3A_28 = vector.broadcast %sub3A_27 : f32 to vector<3136x128xf32>
    %mul3A_29 = arith.mulf %mul3A_28, %log3A : vector<3136x128xf32>
    %exp3A_30 = math.exp %mul3A_29 : vector<3136x128xf32>
    %mul3A_31 = vector.broadcast %get3A_4 : f32 to vector<3136x128xf32>
    %mul3A_32 = arith.mulf %mul3A_31, %exp3A_30 : vector<3136x128xf32>
    %mul3A_33 = arith.mulf %mul3A_32, %add3A : vector<3136x128xf32>
    %add3A_34 = arith.addf %mul3A_26, %mul3A_33 : vector<3136x128xf32>
    %add3A_35 = vector.broadcast %get3A_6 : f32 to vector<3136x128xf32>
    %add3A_36 = arith.addf %add3A_34, %add3A_35 : vector<3136x128xf32>
    %swap3A = arith.constant 0 : index
    %swap3A_37 = arith.constant 0 : index
    %swap3A_38 = vector.load %arg4[%swap3A, %swap3A_37] : memref<3136x128xf32, #tpu.memory_space<vmem>>, vector<3136x128xf32>
    tpu.vector_store %arg4[%swap3A, %swap3A_37], %add3A_36 {strides = array<i32>} : memref<3136x128xf32, #tpu.memory_space<vmem>>, vector<3136x128xf32>,
    return
  }
}

</mosaic_0001>

<sc_bundles>
// kernel: kernel.6.cloned.1.call-start
scs
__scs_entry_jumppad:
0x0: {  	(pc) =	sbr.rel $0x88, $3  }
0x1: {  	(tag) =	ssettag $0x0;
	lr =	simm.s32 $0x1  }
0x2: {  	[smem:$0x3F9C] =	sst lr;
	_ =	strace $0xD0000000  }
0x3: {  	_ = 	snop  }
0x4: {  	_ = 	snop  }
0x5: {  	_ = 	snop  }
0x6: {  	_ = 	snop  }
0x7: {  	_ = 	snop  }
__scs_overlays_trampoline_lowered:
0x8: {  	[smem:$0x3FAB] =	sst s0  }
0x9: {  	[smem:$0x3FAC] =	sst s1  }
0xa: {  	[smem:$0x3FAD] =	sst s2  }
0xb: {  	[smem:$0x3FAE] =	sst s3  }
0xc: {  	[smem:$0x3FAF] =	sst s4  }
0xd: {  	[smem:$0x3FB0] =	sst s5  }
0xe: {  	[smem:$0x3FB1] =	sst s6  }
0xf: {  	[smem:$0x3FB2] =	sst s7  }
0x10: {  	[smem:$0x3FB3] =	sst s8  }
0x11: {  	[smem:$0x3FB4] =	sst s9;
	s0 =	simm.s32 @!p0 $0x0  }
0x12: {  	s1 =	sld [smem:$0x3F9A];
	s0 =	simm.s32 @p0 $0x1  }
0x13: {  	[smem:$0x3FB5] =	sst s0;
	s0 =	simm.s32 @!p1 $0x0  }
0x14: {  	s2 =	sld [smem:$0x3F99];
	s0 =	simm.s32 @p1 $0x1  }
0x15: {  	[smem:$0x3FB6] =	sst s0;
	s0 =	simm.s32 @!p2 $0x0  }
0x16: {  	s3 =	sld [smem:$0x3FDB];
	s0 =	simm.s32 @p2 $0x1  }
0x17: {  	s4 =	simm.s32 $0x1BF5;
	[smem:$0x3FB8] =	sst s0  }
0x18: {  	s0 =	sld [smem:$0x3F9B];
	_ =	swait.ge [sflag:s4], $0x0  }
0x19: {  	s7 =	sld [smem:$0x3F9C]  }
0x1a: {  	s8 =	sadd.s32 $0xFFFFE003, lr  }
0x1b: {  	s9 =	sadd.s32 $0xFFFFFEF7, lr;
	s5 =	simm.s32 $0xFFFFFFFF;
	p2 =	slt.u32 s8, $0xFFFFF086  }
0x1c: {  	p1 =	slt.u32 s9, $0xF7A;
	s5 =	simm.s32 @!p2 $0x0  }
0x1d: {  	s5 =	simm.s32 @p1 $0x1;
	p0 =	seq.s32 s7, s2  }
0x1e: {  	s7 =	smul.u32 @!p0 $0xF7A, s2;
	p2 =	seq.s32 @!p0 s5, $0x0  }
0x1f: {  	s9 =	smul.u32 $0xF7A, s1;
	s8 =	simm.s32 @!p0 $0x1BF5;
	p2 =	por !p2, p0  }
0x20: {  	[sflag:s8] =	ssyncset.s32 @!p0 $0xFFFFF086;
	s6 =	sadd.s32 @!p0 s3, s7;
	s7 =	simm.s32 @!p0 $0x108  }
0x21: {  	s3 =	sadd.s32 s3, s9;
	s6 =	sadd.s32 @!p0 $0x88, s6;
	s7 =	simm.s32 @p2 $0x1082  }
0x22: {  	[simem:s7], [sflag:s8] =	dma.local @!p0 [hbm:s6], $0xF7A  }
0x23: {  	s9 =	sor.u32 $0xD0000000, s2;
	s6 =	simm.s32 $0x108;
	_ =	swait.ge @!p0 [sflag:s8], $0x0  }
0x24: {  	s3 =	sadd.s32 $0x88, s3;
	s6 =	simm.s32 @!p1 $0x1082;
	[sflag:s4] =	ssyncset.s32 $0xFFFFF086  }
0x25: {  	[simem:s6], [sflag:s4] =	dma.local [hbm:s3], $0xF7A  }
0x26: {  	[smem:$0x3F9C] =	sst s1;
	(tag) =	ssettag s2;
	_ =	strace s9  }
0x27: {  	s1 =	sld [smem:$0x3FAC]  }
0x28: {  	s2 =	sld [smem:$0x3FAD]  }
0x29: {  	s4 =	sld [smem:$0x3FAF]  }
0x2a: {  	p0 =	seq.s32 s5, $0x0;
	s5 =	sld [smem:$0x3FB0]  }
0x2b: {  	s6 =	sld [smem:$0x3FB1]  }
0x2c: {  	s7 =	sld [smem:$0x3FB2]  }
0x2d: {  	s3 =	simm.s32 $0x108;
	s8 =	sld [smem:$0x3FB3]  }
0x2e: {  	s3 =	simm.s32 @!p0 $0x1082;
	s9 =	sld [smem:$0x3FB4]  }
0x2f: {  	lr =	sadd.s32 s0, s3;
	s0 =	sld [smem:$0x3FAB]  }
0x30: {  	s3 =	sld [smem:$0x3FAE]  }
0x31: {  	[smem:$0x3FB7] =	sst s10  }
0x32: {  	s10 =	sld [smem:$0x3FB5];
	_ =	sdelay $0x3  }
0x33: {  	p0 =	seq.s32 s10, $0x1;
	s10 =	sld [smem:$0x3FB7];
	_ =	sdelay $0x3  }
0x34: {  	[smem:$0x3FB7] =	sst s10  }
0x35: {  	s10 =	sld [smem:$0x3FB6];
	_ =	sdelay $0x3  }
0x36: {  	p1 =	seq.s32 s10, $0x1;
	s10 =	sld [smem:$0x3FB7];
	_ =	sdelay $0x3  }
0x37: {  	[smem:$0x3FB7] =	sst s10  }
0x38: {  	s10 =	sld [smem:$0x3FB8]  }
0x39: {  	_ = 	snop;
	(pc) =	sbr.ind lr, $3  }
0x3a: {  	_ = 	snop  }
0x3b: {  	_ = 	snop  }
0x3c: {  	p2 =	seq.s32 s10, $0x1;
	s10 =	sld [smem:$0x3FB7]  }
0x3d: {  	_ =	shalt  }
0x3e: {  	_ =	shalt  }
0x3f: {  	_ =	shalt  }
0x40: {  	_ =	shalt  }
0x41: {  	_ =	shalt  }
0x42: {  	_ =	shalt  }
0x43: {  	_ =	shalt  }
0x44: {  	_ =	shalt  }
0x45: {  	_ =	shalt  }
0x46: {  	_ =	shalt  }
0x47: {  	_ =	shalt  }
0x48: {  	_ =	shalt  }
0x49: {  	_ =	shalt  }
0x4a: {  	_ =	shalt  }
0x4b: {  	_ =	shalt  }
0x4c: {  	_ =	shalt  }
0x4d: {  	_ =	shalt  }
0x4e: {  	_ =	shalt  }
0x4f: {  	_ =	shalt  }
0x50: {  	_ =	shalt  }
0x51: {  	_ =	shalt  }
0x52: {  	_ =	shalt  }
0x53: {  	_ =	shalt  }
0x54: {  	_ =	shalt  }
0x55: {  	_ =	shalt  }
0x56: {  	_ =	shalt  }
0x57: {  	_ =	shalt  }
0x58: {  	_ =	shalt  }
0x59: {  	_ =	shalt  }
0x5a: {  	_ =	shalt  }
0x5b: {  	_ =	shalt  }
0x5c: {  	_ =	shalt  }
0x5d: {  	_ =	shalt  }
0x5e: {  	_ =	shalt  }
0x5f: {  	_ =	shalt  }
0x60: {  	_ =	shalt  }
0x61: {  	_ =	shalt  }
0x62: {  	_ =	shalt  }
0x63: {  	_ =	shalt  }
0x64: {  	_ =	shalt  }
0x65: {  	_ =	shalt  }
0x66: {  	_ =	shalt  }
0x67: {  	_ =	shalt  }
0x68: {  	_ =	shalt  }
0x69: {  	_ =	shalt  }
0x6a: {  	_ =	shalt  }
0x6b: {  	_ =	shalt  }
0x6c: {  	_ =	shalt  }
0x6d: {  	_ =	shalt  }
0x6e: {  	_ =	shalt  }
0x6f: {  	_ =	shalt  }
0x70: {  	_ =	shalt  }
0x71: {  	_ =	shalt  }
0x72: {  	_ =	shalt  }
0x73: {  	_ =	shalt  }
0x74: {  	_ =	shalt  }
0x75: {  	_ =	shalt  }
0x76: {  	_ =	shalt  }
0x77: {  	_ =	shalt  }
0x78: {  	_ =	shalt  }
0x79: {  	_ =	shalt  }
0x7a: {  	_ =	shalt  }
0x7b: {  	_ =	shalt  }
0x7c: {  	_ =	shalt  }
0x7d: {  	_ =	shalt  }
0x7e: {  	_ =	shalt  }
0x7f: {  	_ =	shalt  }
0x80: {  	_ =	shalt  }
0x81: {  	_ =	shalt  }
0x82: {  	_ =	shalt  }
0x83: {  	_ =	shalt  }
0x84: {  	_ =	shalt  }
0x85: {  	_ =	shalt  }
0x86: {  	_ =	shalt  }
0x87: {  	_ =	shalt  }
.Lfunc_end0:
.L_simem_size_0:
called_computation_lowered:
.L_overlay_start_0:
0x88: {  	s2 =	sld [smem:$0x3FD9]  }
0x89: {  	s3 =	sld [smem:$0x3FFE];
	_ =	sdelay $0x1  }
0x8a: {  	s1 =	srdreg.scid  }
0x8b: {  	s0 =	sand.u32 $0x1, s1  }
0x8c: {  	s17 =	sshll.u32 s0, $0xA;
	s2 =	sadd.s32 s3, s2  }
0x8d: {  	s2 =	sadd.s32 s2, s17  }
0x8e: {  	[smem:$0x3FC3] =	sst s2  }
0x8f: {  	_ = 	snop  }
0x90: {  	s2 =	sld [smem:$0x3FD0];
	(tm) =	ssettm $0x1  }
0x91: {  	s18 =	sld [smem:$0x3FFB];
	_ =	sdelay $0x3  }
0x92: {  	_ =	strace s18  }
0x93: {  	s3 =	sld [smem:$0x3FFC];
	_ =	sdelay $0x3  }
0x94: {  	_ =	strace s3  }
0x95: {  	s3 =	sld [smem:$0x3FFD];
	_ =	sdelay $0x3  }
0x96: {  	_ =	strace s3  }
0x97: {  	_ =	strace $0x8FFFFFFF  }
0x98: {  	s19 =	sld [smem:$0x3FDB];
	_ =	sdelay $0x1  }
0x99: {  	s4 =	simm.s32 $_scs_section_size  }
0x9a: {  	s5 =	simm.s32 $_size__tile_overlayer_lowered;
	s6 =	simm.s32 $_tile_overlayer_lowered  }
0x9b: {  	s22 =	simm.s32 $0x1BFF;
	s21 =	sshll.u32 s6, $0x1;
	s3 =	sadd.s32 s4, s19  }
0x9c: {  	s7 =	simm.s32 $0x0;
	s20 =	sshll.u32 s5, $0x1;
	s5 =	sadd.s32 s21, s3  }
0x9d: {  	[timem:s7], [sflag:s22] =	dma.local [hbm:s5], s20  }
0x9e: {  	_ =	swait.ge [sflag:s22], s20  }
0x9f: {  	s4 =	ssub.s32 $0x0, s20;
	[sflag:s22] =	ssyncset.done $0x0  }
0xa0: {  	[sflag:s22] =	ssyncadd.s32 s4;
	_ =	sdelay $0x1  }
0xa1: {  	s23 =	simm.s32 $0x1B8B  }
0xa2: {  	_ =	swait.ge [sflag:s23], $0x1  }
0xa3: {  	[sflag:s23] =	ssyncset.done $0x0  }
0xa4: {  	s25 =	simm.s32 $0x1B8E;
	s24 =	sld [smem:$0x3FFE];
	[sflag:s23] =	ssyncadd.s32 $0xFFFFFFFF  }
0xa5: {  	s26 =	simm.s32 $execute0_lowered;
	[smem:$0x3FD2] =	sst s25  }
0xa6: {  	s5 =	sshll.u32 s26, $0x1;
	_ =	strace $0x80000046;
	[dreg:$0x1] =	wrdreg $0xFFFFFFFF  }
0xa7: {  	s28 =	simm.s32 $_size_execute0_lowered;
	s3 =	sadd.s32 s3, s5;
	[dreg:$0x0] =	wrdreg $0x0  }
0xa8: {  	s5 =	sshll.u32 s28, $0x1;
	[dreg:$0x2] =	wrdreg s3  }
0xa9: {  	[dreg:$0x3] =	wrdreg s5  }
0xaa: {  	[dreg:$0x4] =	wrdreg $0xC0  }
0xab: {  	_ =	task [dreg:s7], $0x5FFFF  }
0xac: {  	[dreg:$0x1] =	wrdreg $0xFFFFFFFF  }
0xad: {  	[dreg:$0x0] =	wrdreg $0x60  }
0xae: {  	[dreg:$0x2] =	wrdreg s24  }
0xaf: {  	[dreg:$0x3] =	wrdreg s2  }
0xb0: {  	[dreg:$0x4] =	wrdreg $0x0  }
0xb1: {  	[dreg:$0x5] =	wrdreg $0x13A000  }
0xb2: {  	[dreg:$0x6] =	wrdreg $0x9  }
0xb3: {  	_ =	task.clear_ibuf [dreg:s7], $0x7FFFF;
	_ =	strace $0x90000046  }
0xb4: {  	s29 =	simm.s32 $0x9;
	_ =	strace $0x80000048  }
0xb5: {  	_ =	swait.ge [sflag:s29], $0x1  }
0xb6: {  	[sflag:s29] =	ssyncadd.s32 $0xFFFFFFFF  }
0xb7: {  	_ =	strace $0x90000048  }
0xb8: {  	_ =	sfence  }
0xb9: {  	s30 =	sld [smem:$0x0];
	_ =	sdelay $0x2  }
0xba: {  	s31 =	sshll.u32 s1, $0xD;
	s1 =	sshrl.u32 s1, $0x2  }
0xbb: {  	s3 =	sand.u32 $0x4000, s31;
	s1 =	sadd.s32 s1, s30  }
0xbc: {  	s0 =	sor.u32 s3, s0;
	s1 =	sshll.u32 s1, $0x11  }
0xbd: {  	s0 =	sor.u32 s1, s0  }
0xbe: {  	s0 =	sadd.s32 $0x8F2B, s0  }
0xbf: {  	[sflag:s0] =	ssyncadd.remote.s32 $0x1  }
0xc0: {  	_ =	sfence.sel $0xFFFF  }
0xc1: {  	[dreg:$0x0] =	wrdreg $0xFFFFFFFF;
	(pc) =	sbr.abs _section_cstart, $3  }
0xc2: {  	[dreg:$0x1] =	wrdreg $0xFFFFFFFF  }
0xc3: {  	_ =	task.clear_ibuf [dreg:s7], $0x2FFFF;
	_ =	strace $0x9FFFFFFF  }
0xc4: {  	(tm) =	ssettm $0x7FFFFFFF  }
0xc5: {  	_ =	shalt  }
tec
execute0_lowered:
.L_overlay_start_1:
0x0: {  	(tag) =	ssettag $0x1  }
0x1: {  	s0 =	rddreg [dreg:$0x0]  }
0x2: {  	s3 =	rddreg [dreg:$0x2]  }
0x3: {  	s4 =	rddreg [dreg:$0x3]  }
0x4: {  	s1 =	srdreg.scid;
	s14 =	stileid.u32  }
0x5: {  	s5 =	simm.s32 $0x0;
	s28 =	simm.s32 $0x13780;
	s29 =	simm.s32 $0x13980  }
0x6: {  	s30 =	simm.s32 $0x1;
	s31 =	simm.s32 $0x80;
	s2 =	smul.u32 $0xC400, s14  }
0x7: {  	s1 =	sand.u32 $0x1, s1;
	[smem:$0x7FF] =	sst s5;
	s20 =	smul.u32 $0x61A0, s14  }
0x8: {  	s6 =	sadd.s32 $0x3C00, s0;
	s8 =	sshll.u32 s14, $0x1;
	s13 =	smul.u32 $0x30D00, s14  }
0x9: {  	s10 =	sadd.s32 $0x1C400, s0;
	s12 =	sadd.s32 $0xDFA00, s0;
	s7 =	smul.u32 $0xC4000, s1  }
0xa: {  	p0 =	sgt.u32 s14, $0x3;
	_ =	strace $0x80000047;
	s23 =	smul.u32 $0x18680, s1  }
0xb: {  	s11 =	sor.u32 s1, s8;
	s16 =	ssub.s32 $0x2, s1;
	s1 =	smul.u32 $0x30D0, s1  }
0xc: {  	[dreg:$0xb] =	wrdreg s12;
	s9 =	smul.u32 $0x18680, s11;
	s17 =	sshrl.u32 s16, $0x1  }
0xd: {  	s15 =	sadd.s32 s2, s3;
	s11 =	sshll.u32 s11, $0x4;
	s26 =	sadd.s32 s20, s10  }
0xe: {  	s7 =	sadd.s32 s2, s7;
	s22 =	sadd.s32 s11, s10;
	s11 =	sadd.s32 s23, s13  }
0xf: {  	[dreg:$0xc] =	wrdreg s15;
	s7 =	sshrl.u32 s7, $0x3;
	s18 =	sshrl.u32 s9, $0x3  }
0x10: {  	s9 =	sadd.s32 s2, s4;
	s24 =	sadd.s32 $0x61A00, s22;
	s8 =	sadd.s32 $0x180, s11  }
0x11: {  	s13 =	sadd.s32 $0x30D580, s11;
	s20 =	sadd.s32 $0x30D500, s11;
	s23 =	sadd.s32 $0x80, s11  }
0x12: {  	s0 =	sadd.s32 s7, s0;
	s19 =	sadd.s32 s10, s18;
	[dreg:$0x10] =	wrdreg s24  }
0x13: {  	s7 =	ssub.s32 s16, s17;
	[dreg:$0xd] =	wrdreg s9;
	s21 =	sadd.s32 $0x30C0, s19  }
0x14: {  	s12 =	sshrl.u32 s8, $0x3;
	s2 =	sadd.s32 $0x64B40, s19;
	[dreg:$0xe] =	wrdreg s21  }
0x15: {  	s16 =	sadd.s32 $0x100, s11;
	s25 =	sadd.s32 $0xDFC00, s0;
	[dreg:$0xf] =	wrdreg s2  }
0x16: {  	s0 =	sadd.s32 $0x110C00, s0;
	s18 =	sshrl.u32 s16, $0x3;
	[dreg:$0x12] =	wrdreg s25  }
0x17: {  	s2 =	sadd.s32 $0xC3480, s22;
	[dreg:$0x13] =	wrdreg s0;
	s0 =	sadd.s32 s12, s10  }
0x18: {  	s19 =	sadd.s32 s18, s10;
	s21 =	sshrl.u32 s20, $0x3;
	s22 =	sadd.s32 $0x30D480, s11  }
0x19: {  	s25 =	sshrl.u32 s23, $0x3;
	s18 =	simm.s32 $0x6200;
	s20 =	simm.s32 $0x19C00  }
0x1a: {  	s23 =	simm.s32 $0x13680;
	s11 =	simm.s32 $0x3;
	[dreg:$0x11] =	wrdreg s2  }
0x1b: {  	s12 =	simm.s32 $0x0;
	s2 =	sadd.s32 s1, s26;
	[dreg:$0x6] =	wrdreg s0  }
0x1c: {  	s1 =	sshrl.u32 s13, $0x3;
	[dreg:$0x8] =	wrdreg s19;
	s0 =	sadd.s32 s21, s10  }
0x1d: {  	s26 =	smax.u32 s7, $0x1;
	s19 =	simm.s32 $0x4;
	[dreg:$0x5] =	wrdreg s2  }
0x1e: {  	s21 =	simm.s32 $0x13600;
	s7 =	simm.s32 $0x13200;
	[dreg:$0x9] =	wrdreg s0  }
0x1f: {  	s17 =	sadd.s32 s1, s10;
	s1 =	sshrl.u32 s22, $0x3;
	[dreg:$0x14] =	wrdreg s26  }
0x20: {  	s22 =	simm.s32 $0x13800;
	s26 =	simm.s32 $0x13900;
	s0 =	simm.s32 $0x12600  }
0x21: {  	s2 =	simm.s32 $0x12A00;
	[dreg:$0x7] =	wrdreg s17;
	s24 =	sadd.s32 s1, s10  }
0x22: {  	s17 =	sadd.s32 s25, s10;
	s25 =	simm.s32 $0x13700;
	s1 =	simm.s32 $0x12E00  }
0x23: {  	s10 =	simm.s32 $0x2;
	[dreg:$0xa] =	wrdreg s24;
	s24 =	simm.s32 $0x13880  }
.LBB2_1:
0x24: {  	s8 =	rddreg [dreg:$0x1]  }
0x25: {  	[tilespmem:s18], [sflag:$0x4] =	stream.linear.gather [hbm4b:s8+s5], $0xC400, $0x38;
	[tilespmem:$0x1A000] =	vst v63  }
0x26: {  	_ =	swait.ge [sflag:s19], $0xC400  }
0x27: {  	[sflag:s19] =	ssyncset.done $0x0  }
0x28: {  	[sflag:s19] =	ssyncadd.s32 $0xFFFF3C00  }
0x29: {  	[spmem:s15] =	stream.linear.scatter [tilespmem:s18], [sflag:$0x4], $0xC400, $0x38;
	[tilespmem:$0x1A000] =	vst v63  }
0x2a: {  	_ =	swait.ge [sflag:s19], $0xC400  }
0x2b: {  	[sflag:s19] =	ssyncset.done $0x0  }
0x2c: {  	[sflag:s19] =	ssyncadd.s32 $0xFFFF3C00  }
0x2d: {  	[spmem:s9] =	stream.linear.scatter [tilespmem:s18], [sflag:$0x4], $0xC400, $0x38;
	[tilespmem:$0x1A000] =	vst v63  }
0x2e: {  	_ =	swait.ge [sflag:s19], $0xC400  }
0x2f: {  	[sflag:s19] =	ssyncset.done $0x0  }
0x30: {  	s14 =	rddreg [dreg:$0xb];
	[sflag:s19] =	ssyncadd.s32 $0xFFFF3C00  }
0x31: {  	[tilespmem:s20], [sflag:$0x4] =	stream.linear.gather [hbm4b:s14+s5], $0x400, $0x38;
	[tilespmem:$0x1A000] =	vst v63  }
0x32: {  	_ =	swait.ge [sflag:s19], $0x400  }
0x33: {  	[sflag:s19] =	ssyncset.done $0x0  }
0x34: {  	[sflag:s19] =	ssyncadd.s32 $0xFFFFFC00  }
0x35: {  	[bflag:$0x0] =	sbarrier.arrive $0xFFFF  }
0x36: {  	s13 =	rddreg [dreg:$0x5]  }
0x37: {  	s13 =	sadd.s32 $0x0, s13  }
0x38: {  	[tilespmem:s21], [sflag:$0x1] =	stream.linear.gather [hbm4b:s13+s5], $0x80, $0x38;
	[tilespmem:$0x1A000] =	vst v63  }
0x39: {  	s13 =	sadd.s32 $0x61A80, s13  }
0x3a: {  	[tilespmem:s22], [sflag:$0x1] =	stream.linear.gather [hbm4b:s13+s5], $0x80, $0x38;
	[tilespmem:$0x1A000] =	vst v63  }
0x3b: {  	s15 =	sadd.s32 $0x0, s17;
	s14 =	rddreg [dreg:$0xa]  }
0x3c: {  	[tilespmem:s23], [sflag:$0x1] =	stream.linear.gather [hbm4b:s15+s5], $0x80, $0x38;
	[tilespmem:$0x1A000] =	vst v63  }
0x3d: {  	s16 =	rddreg [dreg:$0x8];
	s8 =	sadd.s32 $0x0, s14  }
0x3e: {  	[tilespmem:s24], [sflag:$0x1] =	stream.linear.gather [hbm4b:s8+s5], $0x80, $0x38;
	[tilespmem:$0x1A000] =	vst v63  }
0x3f: {  	s9 =	rddreg [dreg:$0x9];
	s15 =	sadd.s32 $0x0, s16  }
0x40: {  	[tilespmem:s25], [sflag:$0x1] =	stream.linear.gather [hbm4b:s15+s5], $0x80, $0x38;
	[tilespmem:$0x1A000] =	vst v63  }
0x41: {  	s16 =	rddreg [dreg:$0x6];
	s8 =	sadd.s32 $0x0, s9  }
0x42: {  	[tilespmem:s26], [sflag:$0x1] =	stream.linear.gather [hbm4b:s8+s5], $0x80, $0x38;
	[tilespmem:$0x1A000] =	vst v63  }
0x43: {  	s9 =	rddreg [dreg:$0x7];
	s15 =	sadd.s32 $0x0, s16  }
0x44: {  	[tilespmem:s28], [sflag:$0x1] =	stream.linear.gather [hbm4b:s15+s5], $0x80, $0x38;
	[tilespmem:$0x1A000] =	vst v63  }
0x45: {  	s16 =	sadd.s32 $0x0, s9  }
0x46: {  	[tilespmem:s29], [sflag:$0x1] =	stream.linear.gather [hbm4b:s16+s5], $0x80, $0x38;
	[tilespmem:$0x1A000] =	vst v63  }
0x47: {  	_ =	swait.ge [sflag:s30], $0x80  }
0x48: {  	[sflag:s30] =	ssyncset.done $0x0  }
0x49: {  	[sflag:s30] =	ssyncadd.s32 $0xFFFFFF80  }
0x4a: {  	_ =	swait.ge [sflag:s30], $0x80  }
0x4b: {  	[sflag:s30] =	ssyncset.done $0x0  }
0x4c: {  	[sflag:s30] =	ssyncadd.s32 $0xFFFFFF80  }
0x4d: {  	_ =	swait.ge [sflag:s30], $0x80  }
0x4e: {  	[sflag:s30] =	ssyncset.done $0x0  }
0x4f: {  	[sflag:s30] =	ssyncadd.s32 $0xFFFFFF80  }
0x50: {  	_ =	swait.ge [sflag:s30], $0x80  }
0x51: {  	[sflag:s30] =	ssyncset.done $0x0  }
0x52: {  	[sflag:s30] =	ssyncadd.s32 $0xFFFFFF80  }
0x53: {  	_ =	swait.ge [sflag:s30], $0x80  }
0x54: {  	[sflag:s30] =	ssyncset.done $0x0  }
0x55: {  	[sflag:s30] =	ssyncadd.s32 $0xFFFFFF80  }
0x56: {  	_ =	swait.ge [sflag:s30], $0x80  }
0x57: {  	[sflag:s30] =	ssyncset.done $0x0  }
0x58: {  	[sflag:s30] =	ssyncadd.s32 $0xFFFFFF80  }
0x59: {  	_ =	swait.ge [sflag:s30], $0x80  }
0x5a: {  	[sflag:s30] =	ssyncset.done $0x0  }
0x5b: {  	[sflag:s30] =	ssyncadd.s32 $0xFFFFFF80  }
0x5c: {  	_ =	swait.ge [sflag:s30], $0x80  }
0x5d: {  	[sflag:s30] =	ssyncset.done $0x0  }
0x5e: {  	[sflag:s30] =	ssyncadd.s32 $0xFFFFFF80  }
0x5f: {  	[tilespmem:s0], [sflag:$0x2] =	stream.indirect.gather [hbm4b:s6+s31], $0x4, s21, s31, $0xb8;
	[tilespmem:$0x1A000] =	vst v63  }
0x60: {  	_ = 	snop  }
0x61: {  	[tilespmem:s2], [sflag:$0x2] =	stream.indirect.gather [hbm4b:s6+s31], $0x4, s23, s31, $0xb8;
	[tilespmem:$0x1A000] =	vst v63  }
0x62: {  	_ = 	snop  }
0x63: {  	[tilespmem:s1], [sflag:$0x2] =	stream.indirect.gather [hbm4b:s6+s31], $0x4, s25, s31, $0xb8;
	[tilespmem:$0x1A000] =	vst v63  }
0x64: {  	_ = 	snop  }
0x65: {  	[tilespmem:s7], [sflag:$0x2] =	stream.indirect.gather [hbm4b:s6+s31], $0x4, s28, s31, $0xb8;
	[tilespmem:$0x1A000] =	vst v63  }
0x66: {  	_ =	swait.ge [sflag:s10], $0x200  }
0x67: {  	[sflag:s10] =	ssyncset.done $0x0  }
0x68: {  	[sflag:s10] =	ssyncadd.s32 $0xFFFFFE00  }
0x69: {  	_ =	swait.ge [sflag:s10], $0x200  }
0x6a: {  	[sflag:s10] =	ssyncset.done $0x0  }
0x6b: {  	[sflag:s10] =	ssyncadd.s32 $0xFFFFFE00  }
0x6c: {  	_ =	swait.ge [sflag:s10], $0x200  }
0x6d: {  	[sflag:s10] =	ssyncset.done $0x0  }
0x6e: {  	[sflag:s10] =	ssyncadd.s32 $0xFFFFFE00  }
0x6f: {  	_ =	swait.ge [sflag:s10], $0x200  }
0x70: {  	[sflag:s10] =	ssyncset.done $0x0  }
0x71: {  	[sflag:s10] =	ssyncadd.s32 $0xFFFFFE00  }
0x72: {  	[spmem:s3] =	stream.indirect.scatter.add.f32 [tilespmem:s0], [sflag:$0x3], $0x4, s22, s31, $0xb8;
	[tilespmem:$0x1A000] =	vst v63  }
0x73: {  	_ = 	snop  }
0x74: {  	[spmem:s4] =	stream.indirect.scatter.add.f32 [tilespmem:s20], [sflag:$0x3], $0x4, s21, s31, $0xb8;
	[tilespmem:$0x1A000] =	vst v63  }
0x75: {  	_ = 	snop  }
0x76: {  	[spmem:s3] =	stream.indirect.scatter.add.f32 [tilespmem:s2], [sflag:$0x3], $0x4, s24, s31, $0xb8;
	[tilespmem:$0x1A000] =	vst v63  }
0x77: {  	_ = 	snop  }
0x78: {  	[spmem:s4] =	stream.indirect.scatter.add.f32 [tilespmem:s20], [sflag:$0x3], $0x4, s23, s31, $0xb8;
	[tilespmem:$0x1A000] =	vst v63  }
0x79: {  	_ = 	snop  }
0x7a: {  	[spmem:s3] =	stream.indirect.scatter.add.f32 [tilespmem:s1], [sflag:$0x3], $0x4, s26, s31, $0xb8;
	[tilespmem:$0x1A000] =	vst v63  }
0x7b: {  	_ = 	snop  }
0x7c: {  	[spmem:s4] =	stream.indirect.scatter.add.f32 [tilespmem:s20], [sflag:$0x3], $0x4, s25, s31, $0xb8;
	[tilespmem:$0x1A000] =	vst v63  }
0x7d: {  	_ = 	snop  }
0x7e: {  	[spmem:s3] =	stream.indirect.scatter.add.f32 [tilespmem:s7], [sflag:$0x3], $0x4, s29, s31, $0xb8;
	[tilespmem:$0x1A000] =	vst v63  }
0x7f: {  	_ = 	snop  }
0x80: {  	[spmem:s4] =	stream.indirect.scatter.add.f32 [tilespmem:s20], [sflag:$0x3], $0x4, s28, s31, $0xb8;
	[tilespmem:$0x1A000] =	vst v63  }
0x81: {  	_ =	swait.ge [sflag:s11], $0x200  }
0x82: {  	[sflag:s11] =	ssyncset.done $0x0  }
0x83: {  	[sflag:s11] =	ssyncadd.s32 $0xFFFFFE00  }
0x84: {  	_ =	swait.ge [sflag:s11], $0x200  }
0x85: {  	[sflag:s11] =	ssyncset.done $0x0  }
0x86: {  	[sflag:s11] =	ssyncadd.s32 $0xFFFFFE00  }
0x87: {  	_ =	swait.ge [sflag:s11], $0x200  }
0x88: {  	[sflag:s11] =	ssyncset.done $0x0  }
0x89: {  	[sflag:s11] =	ssyncadd.s32 $0xFFFFFE00  }
0x8a: {  	_ =	swait.ge [sflag:s11], $0x200  }
0x8b: {  	[sflag:s11] =	ssyncset.done $0x0  }
0x8c: {  	[sflag:s11] =	ssyncadd.s32 $0xFFFFFE00  }
0x8d: {  	_ =	swait.ge [sflag:s11], $0x200  }
0x8e: {  	[sflag:s11] =	ssyncset.done $0x0  }
0x8f: {  	[sflag:s11] =	ssyncadd.s32 $0xFFFFFE00  }
0x90: {  	_ =	swait.ge [sflag:s11], $0x200  }
0x91: {  	[sflag:s11] =	ssyncset.done $0x0  }
0x92: {  	[sflag:s11] =	ssyncadd.s32 $0xFFFFFE00  }
0x93: {  	_ =	swait.ge [sflag:s11], $0x200  }
0x94: {  	[sflag:s11] =	ssyncset.done $0x0  }
0x95: {  	[sflag:s11] =	ssyncadd.s32 $0xFFFFFE00  }
0x96: {  	s14 =	simm.s32 $0x80;
	_ =	swait.ge [sflag:s11], $0x200  }
0x97: {  	s13 =	simm.s32 $0x40;
	s15 =	rddreg [dreg:$0x5];
	[sflag:s11] =	ssyncset.done $0x0  }
.LBB2_2:
0x98: {  	[sflag:s11] =	ssyncadd.s32 $0xFFFFFE00;
	s15 =	sadd.s32 s13, s15  }
0x99: {  	[tilespmem:s21], [sflag:$0x1] =	stream.linear.gather [hbm4b:s15+s5], $0x80, $0x38;
	[tilespmem:$0x1A000] =	vst v63  }
0x9a: {  	s15 =	sadd.s32 $0x61A80, s15  }
0x9b: {  	[tilespmem:s22], [sflag:$0x1] =	stream.linear.gather [hbm4b:s15+s5], $0x80, $0x38;
	[tilespmem:$0x1A000] =	vst v63  }
0x9c: {  	s8 =	rddreg [dreg:$0xa];
	s15 =	sadd.s32 s13, s17  }
0x9d: {  	[tilespmem:s23], [sflag:$0x1] =	stream.linear.gather [hbm4b:s15+s5], $0x80, $0x38;
	[tilespmem:$0x1A000] =	vst v63  }
0x9e: {  	s9 =	rddreg [dreg:$0x8];
	s8 =	sadd.s32 s13, s8  }
0x9f: {  	[tilespmem:s24], [sflag:$0x1] =	stream.linear.gather [hbm4b:s8+s5], $0x80, $0x38;
	[tilespmem:$0x1A000] =	vst v63  }
0xa0: {  	s15 =	rddreg [dreg:$0x9];
	s8 =	sadd.s32 s13, s9  }
0xa1: {  	[tilespmem:s25], [sflag:$0x1] =	stream.linear.gather [hbm4b:s8+s5], $0x80, $0x38;
	[tilespmem:$0x1A000] =	vst v63  }
0xa2: {  	s9 =	rddreg [dreg:$0x6];
	s8 =	sadd.s32 s13, s15  }
0xa3: {  	[tilespmem:s26], [sflag:$0x1] =	stream.linear.gather [hbm4b:s8+s5], $0x80, $0x38;
	[tilespmem:$0x1A000] =	vst v63  }
0xa4: {  	s9 =	sadd.s32 s13, s9;
	s15 =	rddreg [dreg:$0x7]  }
0xa5: {  	[tilespmem:s28], [sflag:$0x1] =	stream.linear.gather [hbm4b:s9+s5], $0x80, $0x38;
	[tilespmem:$0x1A000] =	vst v63  }
0xa6: {  	s15 =	sadd.s32 s13, s15  }
0xa7: {  	[tilespmem:s29], [sflag:$0x1] =	stream.linear.gather [hbm4b:s15+s5], $0x80, $0x38;
	[tilespmem:$0x1A000] =	vst v63  }
0xa8: {  	_ =	swait.ge [sflag:s30], $0x80  }
0xa9: {  	[sflag:s30] =	ssyncset.done $0x0  }
0xaa: {  	[sflag:s30] =	ssyncadd.s32 $0xFFFFFF80  }
0xab: {  	_ =	swait.ge [sflag:s30], $0x80  }
0xac: {  	[sflag:s30] =	ssyncset.done $0x0  }
0xad: {  	[sflag:s30] =	ssyncadd.s32 $0xFFFFFF80  }
0xae: {  	_ =	swait.ge [sflag:s30], $0x80  }
0xaf: {  	[sflag:s30] =	ssyncset.done $0x0  }
0xb0: {  	[sflag:s30] =	ssyncadd.s32 $0xFFFFFF80  }
0xb1: {  	_ =	swait.ge [sflag:s30], $0x80  }
0xb2: {  	[sflag:s30] =	ssyncset.done $0x0  }
0xb3: {  	[sflag:s30] =	ssyncadd.s32 $0xFFFFFF80  }
0xb4: {  	_ =	swait.ge [sflag:s30], $0x80  }
0xb5: {  	[sflag:s30] =	ssyncset.done $0x0  }
0xb6: {  	[sflag:s30] =	ssyncadd.s32 $0xFFFFFF80  }
0xb7: {  	_ =	swait.ge [sflag:s30], $0x80  }
0xb8: {  	[sflag:s30] =	ssyncset.done $0x0  }
0xb9: {  	[sflag:s30] =	ssyncadd.s32 $0xFFFFFF80  }
0xba: {  	_ =	swait.ge [sflag:s30], $0x80  }
0xbb: {  	[sflag:s30] =	ssyncset.done $0x0  }
0xbc: {  	[sflag:s30] =	ssyncadd.s32 $0xFFFFFF80  }
0xbd: {  	_ =	swait.ge [sflag:s30], $0x80  }
0xbe: {  	[sflag:s30] =	ssyncset.done $0x0  }
0xbf: {  	[sflag:s30] =	ssyncadd.s32 $0xFFFFFF80  }
0xc0: {  	[tilespmem:s0], [sflag:$0x2] =	stream.indirect.gather [hbm4b:s6+s31], $0x4, s21, s31, $0xb8;
	[tilespmem:$0x1A000] =	vst v63  }
0xc1: {  	_ = 	snop  }
0xc2: {  	[tilespmem:s2], [sflag:$0x2] =	stream.indirect.gather [hbm4b:s6+s31], $0x4, s23, s31, $0xb8;
	[tilespmem:$0x1A000] =	vst v63  }
0xc3: {  	_ = 	snop  }
0xc4: {  	[tilespmem:s1], [sflag:$0x2] =	stream.indirect.gather [hbm4b:s6+s31], $0x4, s25, s31, $0xb8;
	[tilespmem:$0x1A000] =	vst v63  }
0xc5: {  	_ = 	snop  }
0xc6: {  	[tilespmem:s7], [sflag:$0x2] =	stream.indirect.gather [hbm4b:s6+s31], $0x4, s28, s31, $0xb8;
	[tilespmem:$0x1A000] =	vst v63  }
0xc7: {  	_ =	swait.ge [sflag:s10], $0x200  }
0xc8: {  	[sflag:s10] =	ssyncset.done $0x0  }
0xc9: {  	[sflag:s10] =	ssyncadd.s32 $0xFFFFFE00  }
0xca: {  	_ =	swait.ge [sflag:s10], $0x200  }
0xcb: {  	[sflag:s10] =	ssyncset.done $0x0  }
0xcc: {  	[sflag:s10] =	ssyncadd.s32 $0xFFFFFE00  }
0xcd: {  	_ =	swait.ge [sflag:s10], $0x200  }
0xce: {  	[sflag:s10] =	ssyncset.done $0x0  }
0xcf: {  	[sflag:s10] =	ssyncadd.s32 $0xFFFFFE00  }
0xd0: {  	_ =	swait.ge [sflag:s10], $0x200  }
0xd1: {  	[sflag:s10] =	ssyncset.done $0x0  }
0xd2: {  	[sflag:s10] =	ssyncadd.s32 $0xFFFFFE00  }
0xd3: {  	[spmem:s3] =	stream.indirect.scatter.add.f32 [tilespmem:s0], [sflag:$0x3], $0x4, s22, s31, $0xb8;
	[tilespmem:$0x1A000] =	vst v63  }
0xd4: {  	_ = 	snop  }
0xd5: {  	[spmem:s4] =	stream.indirect.scatter.add.f32 [tilespmem:s20], [sflag:$0x3], $0x4, s21, s31, $0xb8;
	[tilespmem:$0x1A000] =	vst v63  }
0xd6: {  	_ = 	snop  }
0xd7: {  	[spmem:s3] =	stream.indirect.scatter.add.f32 [tilespmem:s2], [sflag:$0x3], $0x4, s24, s31, $0xb8;
	[tilespmem:$0x1A000] =	vst v63  }
0xd8: {  	_ = 	snop  }
0xd9: {  	[spmem:s4] =	stream.indirect.scatter.add.f32 [tilespmem:s20], [sflag:$0x3], $0x4, s23, s31, $0xb8;
	[tilespmem:$0x1A000] =	vst v63  }
0xda: {  	_ = 	snop  }
0xdb: {  	[spmem:s3] =	stream.indirect.scatter.add.f32 [tilespmem:s1], [sflag:$0x3], $0x4, s26, s31, $0xb8;
	[tilespmem:$0x1A000] =	vst v63  }
0xdc: {  	_ = 	snop  }
0xdd: {  	[spmem:s4] =	stream.indirect.scatter.add.f32 [tilespmem:s20], [sflag:$0x3], $0x4, s25, s31, $0xb8;
	[tilespmem:$0x1A000] =	vst v63  }
0xde: {  	_ = 	snop  }
0xdf: {  	[spmem:s3] =	stream.indirect.scatter.add.f32 [tilespmem:s7], [sflag:$0x3], $0x4, s29, s31, $0xb8;
	[tilespmem:$0x1A000] =	vst v63  }
0xe0: {  	_ = 	snop  }
0xe1: {  	[spmem:s4] =	stream.indirect.scatter.add.f32 [tilespmem:s20], [sflag:$0x3], $0x4, s28, s31, $0xb8;
	[tilespmem:$0x1A000] =	vst v63  }
0xe2: {  	_ =	swait.ge [sflag:s11], $0x200  }
0xe3: {  	[sflag:s11] =	ssyncset.done $0x0  }
0xe4: {  	[sflag:s11] =	ssyncadd.s32 $0xFFFFFE00  }
0xe5: {  	_ =	swait.ge [sflag:s11], $0x200  }
0xe6: {  	[sflag:s11] =	ssyncset.done $0x0  }
0xe7: {  	[sflag:s11] =	ssyncadd.s32 $0xFFFFFE00  }
0xe8: {  	_ =	swait.ge [sflag:s11], $0x200  }
0xe9: {  	[sflag:s11] =	ssyncset.done $0x0  }
0xea: {  	[sflag:s11] =	ssyncadd.s32 $0xFFFFFE00  }
0xeb: {  	_ =	swait.ge [sflag:s11], $0x200  }
0xec: {  	[sflag:s11] =	ssyncset.done $0x0  }
0xed: {  	[sflag:s11] =	ssyncadd.s32 $0xFFFFFE00  }
0xee: {  	_ =	swait.ge [sflag:s11], $0x200  }
0xef: {  	[sflag:s11] =	ssyncset.done $0x0  }
0xf0: {  	[sflag:s11] =	ssyncadd.s32 $0xFFFFFE00  }
0xf1: {  	_ =	swait.ge [sflag:s11], $0x200  }
0xf2: {  	[sflag:s11] =	ssyncset.done $0x0  }
0xf3: {  	p1 =	sne.s32 s14, $0x3080;
	[sflag:s11] =	ssyncadd.s32 $0xFFFFFE00  }
.Ltmp0:
0xf4: {  	_ =	swait.ge [sflag:s11], $0x200;
	(pc) =	sbr.rel @p1 .LBB2_2-.Ltmp0, $4  }
0xf5: {  	[sflag:s11] =	ssyncset.done $0x0  }
0xf6: {  	[sflag:s11] =	ssyncadd.s32 $0xFFFFFE00  }
0xf7: {  	s16 =	smov.u32 s14;
	s14 =	sadd.s32 $0x40, s14;
	_ =	swait.ge [sflag:s11], $0x200  }
0xf8: {  	s13 =	smov.u32 s16;
	s15 =	rddreg [dreg:$0x5];
	[sflag:s11] =	ssyncset.done $0x0  }
0xf9: {  	[sflag:s11] =	ssyncadd.s32 $0xFFFFFE00;
	s8 =	sadd.s32 s13, s15  }
0xfa: {  	[tilespmem:s21], [sflag:$0x1] =	stream.linear.gather [hbm4b:s8+s5], $0x80, $0x38;
	[tilespmem:$0x1A000] =	vst v63  }
0xfb: {  	s8 =	sadd.s32 $0x61A80, s8  }
0xfc: {  	[tilespmem:s22], [sflag:$0x1] =	stream.linear.gather [hbm4b:s8+s5], $0x80, $0x38;
	[tilespmem:$0x1A000] =	vst v63  }
0xfd: {  	s9 =	rddreg [dreg:$0xa];
	s16 =	sadd.s32 s13, s17  }
0xfe: {  	[tilespmem:s23], [sflag:$0x1] =	stream.linear.gather [hbm4b:s16+s5], $0x80, $0x38;
	[tilespmem:$0x1A000] =	vst v63  }
0xff: {  	s14 =	rddreg [dreg:$0x8];
	s9 =	sadd.s32 s13, s9  }
0x100: {  	[tilespmem:s24], [sflag:$0x1] =	stream.linear.gather [hbm4b:s9+s5], $0x80, $0x38;
	[tilespmem:$0x1A000] =	vst v63  }
0x101: {  	s15 =	rddreg [dreg:$0x9];
	s16 =	sadd.s32 s13, s14  }
0x102: {  	[tilespmem:s25], [sflag:$0x1] =	stream.linear.gather [hbm4b:s16+s5], $0x80, $0x38;
	[tilespmem:$0x1A000] =	vst v63  }
0x103: {  	s15 =	sadd.s32 s13, s15;
	s14 =	rddreg [dreg:$0x6]  }
0x104: {  	[tilespmem:s26], [sflag:$0x1] =	stream.linear.gather [hbm4b:s15+s5], $0x80, $0x38;
	[tilespmem:$0x1A000] =	vst v63  }
0x105: {  	s14 =	sadd.s32 s13, s14;
	s16 =	rddreg [dreg:$0x7]  }
0x106: {  	[tilespmem:s28], [sflag:$0x1] =	stream.linear.gather [hbm4b:s14+s5], $0x80, $0x38;
	[tilespmem:$0x1A000] =	vst v63  }
0x107: {  	s15 =	sadd.s32 s13, s16  }
0x108: {  	[tilespmem:s29], [sflag:$0x1] =	stream.linear.gather [hbm4b:s15+s5], $0x80, $0x38;
	[tilespmem:$0x1A000] =	vst v63  }
0x109: {  	_ =	swait.ge [sflag:s30], $0x80  }
0x10a: {  	[sflag:s30] =	ssyncset.done $0x0  }
0x10b: {  	[sflag:s30] =	ssyncadd.s32 $0xFFFFFF80  }
0x10c: {  	_ =	swait.ge [sflag:s30], $0x80  }
0x10d: {  	[sflag:s30] =	ssyncset.done $0x0  }
0x10e: {  	[sflag:s30] =	ssyncadd.s32 $0xFFFFFF80  }
0x10f: {  	_ =	swait.ge [sflag:s30], $0x80  }
0x110: {  	[sflag:s30] =	ssyncset.done $0x0  }
0x111: {  	[sflag:s30] =	ssyncadd.s32 $0xFFFFFF80  }
0x112: {  	_ =	swait.ge [sflag:s30], $0x80  }
0x113: {  	[sflag:s30] =	ssyncset.done $0x0  }
0x114: {  	[sflag:s30] =	ssyncadd.s32 $0xFFFFFF80  }
0x115: {  	_ =	swait.ge [sflag:s30], $0x80  }
0x116: {  	[sflag:s30] =	ssyncset.done $0x0  }
0x117: {  	[sflag:s30] =	ssyncadd.s32 $0xFFFFFF80  }
0x118: {  	_ =	swait.ge [sflag:s30], $0x80  }
0x119: {  	[sflag:s30] =	ssyncset.done $0x0  }
0x11a: {  	[sflag:s30] =	ssyncadd.s32 $0xFFFFFF80  }
0x11b: {  	_ =	swait.ge [sflag:s30], $0x80  }
0x11c: {  	[sflag:s30] =	ssyncset.done $0x0  }
0x11d: {  	[sflag:s30] =	ssyncadd.s32 $0xFFFFFF80  }
0x11e: {  	_ =	swait.ge [sflag:s30], $0x80  }
0x11f: {  	[sflag:s30] =	ssyncset.done $0x0  }
0x120: {  	[sflag:s30] =	ssyncadd.s32 $0xFFFFFF80  }
0x121: {  	[tilespmem:s0], [sflag:$0x2] =	stream.indirect.gather [hbm4b:s6+s31], $0x4, s21, s31, $0xb8;
	[tilespmem:$0x1A000] =	vst v63  }
0x122: {  	_ = 	snop  }
0x123: {  	[tilespmem:s2], [sflag:$0x2] =	stream.indirect.gather [hbm4b:s6+s31], $0x4, s23, s31, $0xb8;
	[tilespmem:$0x1A000] =	vst v63  }
0x124: {  	_ = 	snop  }
0x125: {  	[tilespmem:s1], [sflag:$0x2] =	stream.indirect.gather [hbm4b:s6+s31], $0x4, s25, s31, $0xb8;
	[tilespmem:$0x1A000] =	vst v63  }
0x126: {  	_ = 	snop  }
0x127: {  	[tilespmem:s7], [sflag:$0x2] =	stream.indirect.gather [hbm4b:s6+s31], $0x4, s28, s31, $0xb8;
	[tilespmem:$0x1A000] =	vst v63  }
0x128: {  	_ =	swait.ge [sflag:s10], $0x200  }
0x129: {  	[sflag:s10] =	ssyncset.done $0x0  }
0x12a: {  	[sflag:s10] =	ssyncadd.s32 $0xFFFFFE00  }
0x12b: {  	_ =	swait.ge [sflag:s10], $0x200  }
0x12c: {  	[sflag:s10] =	ssyncset.done $0x0  }
0x12d: {  	[sflag:s10] =	ssyncadd.s32 $0xFFFFFE00  }
0x12e: {  	_ =	swait.ge [sflag:s10], $0x200  }
0x12f: {  	[sflag:s10] =	ssyncset.done $0x0  }
0x130: {  	[sflag:s10] =	ssyncadd.s32 $0xFFFFFE00  }
0x131: {  	_ =	swait.ge [sflag:s10], $0x200  }
0x132: {  	[sflag:s10] =	ssyncset.done $0x0  }
0x133: {  	[sflag:s10] =	ssyncadd.s32 $0xFFFFFE00  }
0x134: {  	[spmem:s3] =	stream.indirect.scatter.add.f32 [tilespmem:s0], [sflag:$0x3], $0x4, s22, s31, $0xb8;
	[tilespmem:$0x1A000] =	vst v63  }
0x135: {  	_ = 	snop  }
0x136: {  	[spmem:s4] =	stream.indirect.scatter.add.f32 [tilespmem:s20], [sflag:$0x3], $0x4, s21, s31, $0xb8;
	[tilespmem:$0x1A000] =	vst v63  }
0x137: {  	_ = 	snop  }
0x138: {  	[spmem:s3] =	stream.indirect.scatter.add.f32 [tilespmem:s2], [sflag:$0x3], $0x4, s24, s31, $0xb8;
	[tilespmem:$0x1A000] =	vst v63  }
0x139: {  	_ = 	snop  }
0x13a: {  	[spmem:s4] =	stream.indirect.scatter.add.f32 [tilespmem:s20], [sflag:$0x3], $0x4, s23, s31, $0xb8;
	[tilespmem:$0x1A000] =	vst v63  }
0x13b: {  	_ = 	snop  }
0x13c: {  	[spmem:s3] =	stream.indirect.scatter.add.f32 [tilespmem:s1], [sflag:$0x3], $0x4, s26, s31, $0xb8;
	[tilespmem:$0x1A000] =	vst v63  }
0x13d: {  	_ = 	snop  }
0x13e: {  	[spmem:s4] =	stream.indirect.scatter.add.f32 [tilespmem:s20], [sflag:$0x3], $0x4, s25, s31, $0xb8;
	[tilespmem:$0x1A000] =	vst v63  }
0x13f: {  	_ = 	snop  }
0x140: {  	[spmem:s3] =	stream.indirect.scatter.add.f32 [tilespmem:s7], [sflag:$0x3], $0x4, s29, s31, $0xb8;
	[tilespmem:$0x1A000] =	vst v63  }
0x141: {  	_ = 	snop  }
0x142: {  	[spmem:s4] =	stream.indirect.scatter.add.f32 [tilespmem:s20], [sflag:$0x3], $0x4, s28, s31, $0xb8;
	[tilespmem:$0x1A000] =	vst v63  }
0x143: {  	_ =	swait.ge [sflag:s11], $0x200  }
0x144: {  	[sflag:s11] =	ssyncset.done $0x0  }
0x145: {  	[sflag:s11] =	ssyncadd.s32 $0xFFFFFE00  }
0x146: {  	_ =	swait.ge [sflag:s11], $0x200  }
0x147: {  	[sflag:s11] =	ssyncset.done $0x0  }
0x148: {  	[sflag:s11] =	ssyncadd.s32 $0xFFFFFE00  }
0x149: {  	_ =	swait.ge [sflag:s11], $0x200  }
0x14a: {  	[sflag:s11] =	ssyncset.done $0x0  }
0x14b: {  	[sflag:s11] =	ssyncadd.s32 $0xFFFFFE00  }
0x14c: {  	_ =	swait.ge [sflag:s11], $0x200  }
0x14d: {  	[sflag:s11] =	ssyncset.done $0x0  }
0x14e: {  	[sflag:s11] =	ssyncadd.s32 $0xFFFFFE00  }
0x14f: {  	_ =	swait.ge [sflag:s11], $0x200  }
0x150: {  	[sflag:s11] =	ssyncset.done $0x0  }
0x151: {  	[sflag:s11] =	ssyncadd.s32 $0xFFFFFE00  }
0x152: {  	_ =	swait.ge [sflag:s11], $0x200  }
0x153: {  	[sflag:s11] =	ssyncset.done $0x0  }
0x154: {  	[sflag:s11] =	ssyncadd.s32 $0xFFFFFE00  }
0x155: {  	_ =	swait.ge [sflag:s11], $0x200  }
0x156: {  	[sflag:s11] =	ssyncset.done $0x0  }
0x157: {  	[sflag:s11] =	ssyncadd.s32 $0xFFFFFE00  }
0x158: {  	_ =	swait.ge [sflag:s11], $0x200  }
0x159: {  	[sflag:s11] =	ssyncset.done $0x0  }
0x15a: {  	s16 =	rddreg [dreg:$0xe];
	[sflag:s11] =	ssyncadd.s32 $0xFFFFFE00  }
0x15b: {  	[tilespmem:s21], [sflag:$0x4] =	stream.linear.gather [hbm4b:s16+s5], $0x80, $0x38;
	[tilespmem:$0x1A000] =	vst v63  }
0x15c: {  	_ =	swait.ge [sflag:s19], $0x80  }
0x15d: {  	[sflag:s19] =	ssyncset.done $0x0  }
0x15e: {  	s9 =	rddreg [dreg:$0xf];
	[sflag:s19] =	ssyncadd.s32 $0xFFFFFF80  }
0x15f: {  	[tilespmem:s22], [sflag:$0x4] =	stream.linear.gather [hbm4b:s9+s5], $0x80, $0x38;
	[tilespmem:$0x1A000] =	vst v63  }
0x160: {  	_ =	swait.ge [sflag:s19], $0x80  }
0x161: {  	[sflag:s19] =	ssyncset.done $0x0  }
0x162: {  	[sflag:s19] =	ssyncadd.s32 $0xFFFFFF80  }
0x163: {  	[tilespmem:s0], [sflag:$0x4] =	stream.indirect.gather [hbm4b:s6+s31], $0x4, s21, s31, $0xb8;
	[tilespmem:$0x1A000] =	vst v63  }
0x164: {  	_ =	swait.ge [sflag:s19], $0x200  }
0x165: {  	[sflag:s19] =	ssyncset.done $0x0  }
0x166: {  	[sflag:s19] =	ssyncadd.s32 $0xFFFFFE00  }
0x167: {  	[spmem:s4] =	stream.indirect.scatter.add.f32 [tilespmem:s20], [sflag:$0x4], $0x4, s21, s31, $0xb8;
	[tilespmem:$0x1A000] =	vst v63  }
0x168: {  	_ =	swait.ge [sflag:s19], $0x200  }
0x169: {  	[sflag:s19] =	ssyncset.done $0x0  }
0x16a: {  	[sflag:s19] =	ssyncadd.s32 $0xFFFFFE00  }
0x16b: {  	[spmem:s3] =	stream.indirect.scatter.add.f32 [tilespmem:s0], [sflag:$0x4], $0x4, s22, s31, $0xb8;
	[tilespmem:$0x1A000] =	vst v63  }
0x16c: {  	_ =	swait.ge [sflag:s19], $0x200  }
0x16d: {  	s8 =	simm.s32 @!p0 $0x0;
	[sflag:s19] =	ssyncset.done $0x0  }
0x16e: {  	s9 =	simm.s32 @!p0 $0x13600;
	s13 =	rddreg [dreg:$0x10];
	[sflag:s19] =	ssyncadd.s32 $0xFFFFFE00  }
0x16f: {  	[tilespmem:s9], [sflag:$0x4] =	stream.linear.gather @!p0 [hbm4b:s13+s8], $0x80, $0x38;
	[tilespmem:$0x1A000] =	vst v63  }
0x170: {  	s13 =	simm.s32 @!p0 $0x4  }
0x171: {  	_ =	swait.ge @!p0 [sflag:s13], $0x80  }
0x172: {  	[sflag:s13] =	ssyncset.done @!p0 $0x0  }
0x173: {  	s14 =	simm.s32 @!p0 $0x13800;
	s15 =	rddreg [dreg:$0x11];
	[sflag:s13] =	ssyncadd.s32 @!p0 $0xFFFFFF80  }
0x174: {  	[tilespmem:s14], [sflag:$0x4] =	stream.linear.gather @!p0 [hbm4b:s15+s8], $0x80, $0x38;
	[tilespmem:$0x1A000] =	vst v63  }
0x175: {  	_ =	swait.ge @!p0 [sflag:s13], $0x80  }
0x176: {  	[sflag:s13] =	ssyncset.done @!p0 $0x0  }
0x177: {  	s8 =	simm.s32 @!p0 $0x80;
	s15 =	simm.s32 @!p0 $0x12600;
	[sflag:s13] =	ssyncadd.s32 @!p0 $0xFFFFFF80  }
0x178: {  	[tilespmem:s15], [sflag:$0x4] =	stream.indirect.gather @!p0 [hbm4b:s6+s8], $0x4, s9, s8, $0xb8;
	[tilespmem:$0x1A000] =	vst v63  }
0x179: {  	_ =	swait.ge @!p0 [sflag:s13], $0x200  }
0x17a: {  	[sflag:s13] =	ssyncset.done @!p0 $0x0  }
0x17b: {  	s16 =	simm.s32 @!p0 $0x19C00;
	[sflag:s13] =	ssyncadd.s32 @!p0 $0xFFFFFE00  }
0x17c: {  	[spmem:s4] =	stream.indirect.scatter.add.f32 @!p0 [tilespmem:s16], [sflag:$0x4], $0x4, s9, s8, $0xb8;
	[tilespmem:$0x1A000] =	vst v63  }
0x17d: {  	_ =	swait.ge @!p0 [sflag:s13], $0x200  }
0x17e: {  	[sflag:s13] =	ssyncset.done @!p0 $0x0  }
0x17f: {  	[sflag:s13] =	ssyncadd.s32 @!p0 $0xFFFFFE00  }
0x180: {  	[spmem:s3] =	stream.indirect.scatter.add.f32 @!p0 [tilespmem:s15], [sflag:$0x4], $0x4, s14, s8, $0xb8;
	[tilespmem:$0x1A000] =	vst v63  }
0x181: {  	_ =	swait.ge @!p0 [sflag:s13], $0x200  }
0x182: {  	[sflag:s13] =	ssyncset.done @!p0 $0x0  }
0x183: {  	[sflag:s13] =	ssyncadd.s32 @!p0 $0xFFFFFE00  }
0x184: {  	[bflag:$0x0] =	sbarrier.arrive $0xFFFF  }
0x185: {  	s15 =	rddreg [dreg:$0xc]  }
0x186: {  	[tilespmem:s18], [sflag:$0x4] =	stream.linear.gather [spmem:s15], $0xC400, $0x38;
	[tilespmem:$0x1A000] =	vst v63  }
0x187: {  	_ =	swait.ge [sflag:s19], $0xC400  }
0x188: {  	[sflag:s19] =	ssyncset.done $0x0  }
0x189: {  	s13 =	rddreg [dreg:$0x12];
	[sflag:s19] =	ssyncadd.s32 $0xFFFF3C00  }
0x18a: {  	[hbm4b:s13+s5] =	stream.linear.scatter [tilespmem:s18], [sflag:$0x4], $0xC400, $0x38;
	[tilespmem:$0x1A000] =	vst v63  }
0x18b: {  	_ =	swait.ge [sflag:s19], $0xC400  }
0x18c: {  	[sflag:s19] =	ssyncset.done $0x0  }
0x18d: {  	s9 =	rddreg [dreg:$0xd];
	[sflag:s19] =	ssyncadd.s32 $0xFFFF3C00  }
0x18e: {  	[tilespmem:s18], [sflag:$0x4] =	stream.linear.gather [spmem:s9], $0xC400, $0x38;
	[tilespmem:$0x1A000] =	vst v63  }
0x18f: {  	_ =	swait.ge [sflag:s19], $0xC400  }
0x190: {  	[sflag:s19] =	ssyncset.done $0x0  }
0x191: {  	s14 =	rddreg [dreg:$0x13];
	[sflag:s19] =	ssyncadd.s32 $0xFFFF3C00  }
0x192: {  	[hbm4b:s14+s5] =	stream.linear.scatter [tilespmem:s18], [sflag:$0x4], $0xC400, $0x38;
	[tilespmem:$0x1A000] =	vst v63  }
0x193: {  	_ =	swait.ge [sflag:s19], $0xC400  }
0x194: {  	s12 =	sadd.s32 $0x1, s12;
	s16 =	rddreg [dreg:$0x14]  }
0x195: {  	p1 =	sne.s32 s12, s16  }
.Ltmp1:
0x196: {  	_ = 	snop;
	(pc) =	sbr.rel @p1 .LBB2_1-.Ltmp1, $3  }
0x197: {  	_ =	sdelay $0x1  }
0x198: {  	[sflag:s19] =	ssyncset.done $0x0  }
0x199: {  	[sflag:s19] =	ssyncadd.s32 $0xFFFF3C00  }
0x19a: {  	_ =	sfence.sel $0x180000  }
0x19b: {  	[bflag:$0x0] =	sbarrier.arrive $0xFFFF  }
0x19c: {  	_ =	strace $0x90000047  }
0x19d: {  	s0 =	stileid.u32;
	[bflag:$0x2] =	sbarrier.arrive $0xFFFF  }
0x19e: {  	p0 =	sne.s32 s0, $0x0;
	s0 =	rddreg [dreg:$0x4]  }
0x19f: {  	s0 =	sadd.s32 @!p0 $0x100000, s0  }
0x1a0: {  	[sflag:s0] =	ssyncadd.tile.s32 @!p0 $0x1;
	_ =	shalt  }
.Lfunc_end2:
_tile_overlayer_lowered:
.L_overlay_start_2:
0x1a1: {  	(tag) =	ssettag $0x2  }
0x1a2: {  	s0 =	rddreg [dreg:$0x0];
	s2 =	stileid.u32  }
0x1a3: {  	s1 =	rddreg [dreg:$0x1];
	p0 =	sne.s32 s2, $0x0  }
0x1a4: {  	s3 =	rddreg [dreg:$0x2];
	[bflag:$0x3] =	sbarrier.arrive $0xFFFF;
	s2 =	simm.s32 @!p0 $0x1C04  }
0x1a5: {  	[timem:s3], [sflag:s2] =	dma.local @!p0 [hbm:s0], s1  }
0x1a6: {  	s0 =	simm.s32 @!p0 $0x4  }
0x1a7: {  	_ =	swait.ge @!p0 [sflag:s0], s1  }
0x1a8: {  	s1 =	ssub.s32 @!p0 $0x0, s1;
	[sflag:s0] =	ssyncset.done @!p0 $0x0  }
0x1a9: {  	[sflag:s0] =	ssyncadd.s32 @!p0 s1  }
0x1aa: {  	[bflag:$0x3] =	sbarrier.arrive $0xFFFF  }
0x1ab: {  	_ =	shalt  }

// kernel: kernel.9.cloned.1.call-start
scs
__scs_entry_jumppad:
0x0: {  	(pc) =	sbr.rel $0x88, $3  }
0x1: {  	(tag) =	ssettag $0x0;
	lr =	simm.s32 $0x1  }
0x2: {  	[smem:$0x3F9C] =	sst lr;
	_ =	strace $0xD0000000  }
0x3: {  	_ = 	snop  }
0x4: {  	_ = 	snop  }
0x5: {  	_ = 	snop  }
0x6: {  	_ = 	snop  }
0x7: {  	_ = 	snop  }
__scs_overlays_trampoline_lowered:
0x8: {  	[smem:$0x3FAB] =	sst s0  }
0x9: {  	[smem:$0x3FAC] =	sst s1  }
0xa: {  	[smem:$0x3FAD] =	sst s2  }
0xb: {  	[smem:$0x3FAE] =	sst s3  }
0xc: {  	[smem:$0x3FAF] =	sst s4  }
0xd: {  	[smem:$0x3FB0] =	sst s5  }
0xe: {  	[smem:$0x3FB1] =	sst s6  }
0xf: {  	[smem:$0x3FB2] =	sst s7  }
0x10: {  	[smem:$0x3FB3] =	sst s8  }
0x11: {  	[smem:$0x3FB4] =	sst s9;
	s0 =	simm.s32 @!p0 $0x0  }
0x12: {  	s1 =	sld [smem:$0x3F9A];
	s0 =	simm.s32 @p0 $0x1  }
0x13: {  	[smem:$0x3FB5] =	sst s0;
	s0 =	simm.s32 @!p1 $0x0  }
0x14: {  	s2 =	sld [smem:$0x3F99];
	s0 =	simm.s32 @p1 $0x1  }
0x15: {  	[smem:$0x3FB6] =	sst s0;
	s0 =	simm.s32 @!p2 $0x0  }
0x16: {  	s3 =	sld [smem:$0x3FDB];
	s0 =	simm.s32 @p2 $0x1  }
0x17: {  	s4 =	simm.s32 $0x1BF5;
	[smem:$0x3FB8] =	sst s0  }
0x18: {  	s0 =	sld [smem:$0x3F9B];
	_ =	swait.ge [sflag:s4], $0x0  }
0x19: {  	s7 =	sld [smem:$0x3F9C]  }
0x1a: {  	s8 =	sadd.s32 $0xFFFFE003, lr  }
0x1b: {  	s9 =	sadd.s32 $0xFFFFFEF7, lr;
	s5 =	simm.s32 $0xFFFFFFFF;
	p2 =	slt.u32 s8, $0xFFFFF086  }
0x1c: {  	p1 =	slt.u32 s9, $0xF7A;
	s5 =	simm.s32 @!p2 $0x0  }
0x1d: {  	s5 =	simm.s32 @p1 $0x1;
	p0 =	seq.s32 s7, s2  }
0x1e: {  	s7 =	smul.u32 @!p0 $0xF7A, s2;
	p2 =	seq.s32 @!p0 s5, $0x0  }
0x1f: {  	s9 =	smul.u32 $0xF7A, s1;
	s8 =	simm.s32 @!p0 $0x1BF5;
	p2 =	por !p2, p0  }
0x20: {  	[sflag:s8] =	ssyncset.s32 @!p0 $0xFFFFF086;
	s6 =	sadd.s32 @!p0 s3, s7;
	s7 =	simm.s32 @!p0 $0x108  }
0x21: {  	s3 =	sadd.s32 s3, s9;
	s6 =	sadd.s32 @!p0 $0x88, s6;
	s7 =	simm.s32 @p2 $0x1082  }
0x22: {  	[simem:s7], [sflag:s8] =	dma.local @!p0 [hbm:s6], $0xF7A  }
0x23: {  	s9 =	sor.u32 $0xD0000000, s2;
	s6 =	simm.s32 $0x108;
	_ =	swait.ge @!p0 [sflag:s8], $0x0  }
0x24: {  	s3 =	sadd.s32 $0x88, s3;
	s6 =	simm.s32 @!p1 $0x1082;
	[sflag:s4] =	ssyncset.s32 $0xFFFFF086  }
0x25: {  	[simem:s6], [sflag:s4] =	dma.local [hbm:s3], $0xF7A  }
0x26: {  	[smem:$0x3F9C] =	sst s1;
	(tag) =	ssettag s2;
	_ =	strace s9  }
0x27: {  	s1 =	sld [smem:$0x3FAC]  }
0x28: {  	s2 =	sld [smem:$0x3FAD]  }
0x29: {  	s4 =	sld [smem:$0x3FAF]  }
0x2a: {  	p0 =	seq.s32 s5, $0x0;
	s5 =	sld [smem:$0x3FB0]  }
0x2b: {  	s6 =	sld [smem:$0x3FB1]  }
0x2c: {  	s7 =	sld [smem:$0x3FB2]  }
0x2d: {  	s3 =	simm.s32 $0x108;
	s8 =	sld [smem:$0x3FB3]  }
0x2e: {  	s3 =	simm.s32 @!p0 $0x1082;
	s9 =	sld [smem:$0x3FB4]  }
0x2f: {  	lr =	sadd.s32 s0, s3;
	s0 =	sld [smem:$0x3FAB]  }
0x30: {  	s3 =	sld [smem:$0x3FAE]  }
0x31: {  	[smem:$0x3FB7] =	sst s10  }
0x32: {  	s10 =	sld [smem:$0x3FB5];
	_ =	sdelay $0x3  }
0x33: {  	p0 =	seq.s32 s10, $0x1;
	s10 =	sld [smem:$0x3FB7];
	_ =	sdelay $0x3  }
0x34: {  	[smem:$0x3FB7] =	sst s10  }
0x35: {  	s10 =	sld [smem:$0x3FB6];
	_ =	sdelay $0x3  }
0x36: {  	p1 =	seq.s32 s10, $0x1;
	s10 =	sld [smem:$0x3FB7];
	_ =	sdelay $0x3  }
0x37: {  	[smem:$0x3FB7] =	sst s10  }
0x38: {  	s10 =	sld [smem:$0x3FB8]  }
0x39: {  	_ = 	snop;
	(pc) =	sbr.ind lr, $3  }
0x3a: {  	_ = 	snop  }
0x3b: {  	_ = 	snop  }
0x3c: {  	p2 =	seq.s32 s10, $0x1;
	s10 =	sld [smem:$0x3FB7]  }
0x3d: {  	_ =	shalt  }
0x3e: {  	_ =	shalt  }
0x3f: {  	_ =	shalt  }
0x40: {  	_ =	shalt  }
0x41: {  	_ =	shalt  }
0x42: {  	_ =	shalt  }
0x43: {  	_ =	shalt  }
0x44: {  	_ =	shalt  }
0x45: {  	_ =	shalt  }
0x46: {  	_ =	shalt  }
0x47: {  	_ =	shalt  }
0x48: {  	_ =	shalt  }
0x49: {  	_ =	shalt  }
0x4a: {  	_ =	shalt  }
0x4b: {  	_ =	shalt  }
0x4c: {  	_ =	shalt  }
0x4d: {  	_ =	shalt  }
0x4e: {  	_ =	shalt  }
0x4f: {  	_ =	shalt  }
0x50: {  	_ =	shalt  }
0x51: {  	_ =	shalt  }
0x52: {  	_ =	shalt  }
0x53: {  	_ =	shalt  }
0x54: {  	_ =	shalt  }
0x55: {  	_ =	shalt  }
0x56: {  	_ =	shalt  }
0x57: {  	_ =	shalt  }
0x58: {  	_ =	shalt  }
0x59: {  	_ =	shalt  }
0x5a: {  	_ =	shalt  }
0x5b: {  	_ =	shalt  }
0x5c: {  	_ =	shalt  }
0x5d: {  	_ =	shalt  }
0x5e: {  	_ =	shalt  }
0x5f: {  	_ =	shalt  }
0x60: {  	_ =	shalt  }
0x61: {  	_ =	shalt  }
0x62: {  	_ =	shalt  }
0x63: {  	_ =	shalt  }
0x64: {  	_ =	shalt  }
0x65: {  	_ =	shalt  }
0x66: {  	_ =	shalt  }
0x67: {  	_ =	shalt  }
0x68: {  	_ =	shalt  }
0x69: {  	_ =	shalt  }
0x6a: {  	_ =	shalt  }
0x6b: {  	_ =	shalt  }
0x6c: {  	_ =	shalt  }
0x6d: {  	_ =	shalt  }
0x6e: {  	_ =	shalt  }
0x6f: {  	_ =	shalt  }
0x70: {  	_ =	shalt  }
0x71: {  	_ =	shalt  }
0x72: {  	_ =	shalt  }
0x73: {  	_ =	shalt  }
0x74: {  	_ =	shalt  }
0x75: {  	_ =	shalt  }
0x76: {  	_ =	shalt  }
0x77: {  	_ =	shalt  }
0x78: {  	_ =	shalt  }
0x79: {  	_ =	shalt  }
0x7a: {  	_ =	shalt  }
0x7b: {  	_ =	shalt  }
0x7c: {  	_ =	shalt  }
0x7d: {  	_ =	shalt  }
0x7e: {  	_ =	shalt  }
0x7f: {  	_ =	shalt  }
0x80: {  	_ =	shalt  }
0x81: {  	_ =	shalt  }
0x82: {  	_ =	shalt  }
0x83: {  	_ =	shalt  }
0x84: {  	_ =	shalt  }
0x85: {  	_ =	shalt  }
0x86: {  	_ =	shalt  }
0x87: {  	_ =	shalt  }
.Lfunc_end0:
.L_simem_size_0:
called_computation.1_lowered:
.L_overlay_start_0:
0x88: {  	s2 =	sld [smem:$0x3FD9]  }
0x89: {  	s3 =	sld [smem:$0x3FFE];
	_ =	sdelay $0x1  }
0x8a: {  	s1 =	srdreg.scid  }
0x8b: {  	s0 =	sand.u32 $0x1, s1  }
0x8c: {  	s17 =	sshll.u32 s0, $0xA;
	s2 =	sadd.s32 s3, s2  }
0x8d: {  	s2 =	sadd.s32 s2, s17  }
0x8e: {  	[smem:$0x3FC3] =	sst s2  }
0x8f: {  	_ = 	snop  }
0x90: {  	s2 =	sld [smem:$0x3FD0];
	(tm) =	ssettm $0x1  }
0x91: {  	s18 =	sld [smem:$0x3FFB];
	_ =	sdelay $0x3  }
0x92: {  	_ =	strace s18  }
0x93: {  	s3 =	sld [smem:$0x3FFC];
	_ =	sdelay $0x3  }
0x94: {  	_ =	strace s3  }
0x95: {  	s3 =	sld [smem:$0x3FFD];
	_ =	sdelay $0x3  }
0x96: {  	_ =	strace s3  }
0x97: {  	_ =	strace $0x8FFFFFFF  }
0x98: {  	s19 =	sld [smem:$0x3FDB];
	_ =	sdelay $0x1  }
0x99: {  	s4 =	simm.s32 $_scs_section_size  }
0x9a: {  	s5 =	simm.s32 $_size__tile_overlayer_lowered;
	s6 =	simm.s32 $_tile_overlayer_lowered  }
0x9b: {  	s22 =	simm.s32 $0x1BFF;
	s21 =	sshll.u32 s6, $0x1;
	s3 =	sadd.s32 s4, s19  }
0x9c: {  	s7 =	simm.s32 $0x0;
	s20 =	sshll.u32 s5, $0x1;
	s5 =	sadd.s32 s21, s3  }
0x9d: {  	[timem:s7], [sflag:s22] =	dma.local [hbm:s5], s20  }
0x9e: {  	_ =	swait.ge [sflag:s22], s20  }
0x9f: {  	s4 =	ssub.s32 $0x0, s20;
	[sflag:s22] =	ssyncset.done $0x0  }
0xa0: {  	[sflag:s22] =	ssyncadd.s32 s4;
	_ =	sdelay $0x1  }
0xa1: {  	s23 =	simm.s32 $0x1B8B  }
0xa2: {  	_ =	swait.ge [sflag:s23], $0x1  }
0xa3: {  	[sflag:s23] =	ssyncset.done $0x0  }
0xa4: {  	s25 =	simm.s32 $0x1B8E;
	s24 =	sld [smem:$0x3FFE];
	[sflag:s23] =	ssyncadd.s32 $0xFFFFFFFF  }
0xa5: {  	s26 =	simm.s32 $execute0_lowered;
	[smem:$0x3FD2] =	sst s25  }
0xa6: {  	s5 =	sshll.u32 s26, $0x1;
	_ =	strace $0x80000049;
	[dreg:$0x1] =	wrdreg $0xFFFFFFFF  }
0xa7: {  	s28 =	simm.s32 $_size_execute0_lowered;
	s3 =	sadd.s32 s3, s5;
	[dreg:$0x0] =	wrdreg $0x0  }
0xa8: {  	s5 =	sshll.u32 s28, $0x1;
	[dreg:$0x2] =	wrdreg s3  }
0xa9: {  	[dreg:$0x3] =	wrdreg s5  }
0xaa: {  	[dreg:$0x4] =	wrdreg $0xC0  }
0xab: {  	_ =	task [dreg:s7], $0x5FFFF  }
0xac: {  	[dreg:$0x1] =	wrdreg $0xFFFFFFFF  }
0xad: {  	[dreg:$0x0] =	wrdreg $0x60  }
0xae: {  	[dreg:$0x2] =	wrdreg s24  }
0xaf: {  	[dreg:$0x3] =	wrdreg s2  }
0xb0: {  	[dreg:$0x4] =	wrdreg $0x0  }
0xb1: {  	[dreg:$0x5] =	wrdreg $0x9  }
0xb2: {  	_ =	task.clear_ibuf [dreg:s7], $0x6FFFF;
	_ =	strace $0x90000049  }
0xb3: {  	s29 =	simm.s32 $0x9;
	_ =	strace $0x8000004B  }
0xb4: {  	_ =	swait.ge [sflag:s29], $0x1  }
0xb5: {  	[sflag:s29] =	ssyncadd.s32 $0xFFFFFFFF  }
0xb6: {  	_ =	strace $0x9000004B  }
0xb7: {  	_ =	sfence  }
0xb8: {  	s30 =	sld [smem:$0x0];
	_ =	sdelay $0x2  }
0xb9: {  	s31 =	sshll.u32 s1, $0xD;
	s1 =	sshrl.u32 s1, $0x2  }
0xba: {  	s3 =	sand.u32 $0x4000, s31;
	s1 =	sadd.s32 s1, s30  }
0xbb: {  	s0 =	sor.u32 s3, s0;
	s1 =	sshll.u32 s1, $0x11  }
0xbc: {  	s0 =	sor.u32 s1, s0  }
0xbd: {  	s0 =	sadd.s32 $0x8F2B, s0  }
0xbe: {  	[sflag:s0] =	ssyncadd.remote.s32 $0x1  }
0xbf: {  	_ =	sfence.sel $0xFFFF  }
0xc0: {  	[dreg:$0x0] =	wrdreg $0xFFFFFFFF;
	(pc) =	sbr.abs _section_cstart, $3  }
0xc1: {  	[dreg:$0x1] =	wrdreg $0xFFFFFFFF  }
0xc2: {  	_ =	task.clear_ibuf [dreg:s7], $0x2FFFF;
	_ =	strace $0x9FFFFFFF  }
0xc3: {  	(tm) =	ssettm $0x7FFFFFFF  }
tec
execute0_lowered:
.L_overlay_start_1:
0x0: {  	(tag) =	ssettag $0x1  }
0x1: {  	s0 =	rddreg [dreg:$0x0]  }
0x2: {  	s3 =	rddreg [dreg:$0x2]  }
0x3: {  	s1 =	srdreg.scid;
	s12 =	stileid.u32  }
0x4: {  	s4 =	simm.s32 $0x0;
	s28 =	simm.s32 $0x80;
	s29 =	simm.s32 $0x12600  }
0x5: {  	s30 =	simm.s32 $0x12A00;
	s31 =	simm.s32 $0x12E00;
	s2 =	smul.u32 $0xC400, s12  }
0x6: {  	s1 =	sand.u32 $0x1, s1;
	[smem:$0x7FF] =	sst s4;
	s23 =	smul.u32 $0x61A0, s12  }
0x7: {  	s5 =	sadd.s32 $0xDFA00, s0;
	s7 =	sshll.u32 s12, $0x1;
	s24 =	smul.u32 $0x30D00, s12  }
0x8: {  	s15 =	sadd.s32 $0x1C400, s0;
	p0 =	sgt.u32 s12, $0x3;
	s6 =	smul.u32 $0xC4000, s1  }
0x9: {  	_ =	strace $0x8000004A;
	s8 =	ssub.s32 $0x2, s1;
	s25 =	smul.u32 $0x18680, s1  }
0xa: {  	s7 =	sor.u32 s1, s7;
	s1 =	smul.u32 $0x30D0, s1;
	s9 =	sshrl.u32 s8, $0x1  }
0xb: {  	s10 =	smul.u32 $0x18680, s7;
	s7 =	sshll.u32 s7, $0x4;
	s6 =	sadd.s32 s2, s6  }
0xc: {  	s8 =	ssub.s32 s8, s9;
	s7 =	sadd.s32 s7, s15;
	s9 =	sadd.s32 s23, s15  }
0xd: {  	s6 =	sshrl.u32 s6, $0x3;
	s22 =	sshrl.u32 s10, $0x3;
	s26 =	sadd.s32 $0x61A00, s7  }
0xe: {  	s7 =	sadd.s32 $0xC3480, s7;
	s13 =	sadd.s32 s1, s9;
	[dreg:$0xa] =	wrdreg s26  }
0xf: {  	s21 =	smax.u32 s8, $0x1;
	s0 =	sadd.s32 s6, s0;
	[dreg:$0xb] =	wrdreg s7  }
0x10: {  	s6 =	sadd.s32 s2, s3;
	s2 =	sadd.s32 s15, s22;
	[dreg:$0x4] =	wrdreg s13  }
0x11: {  	s9 =	simm.s32 $0x6200;
	[dreg:$0xd] =	wrdreg s21;
	s11 =	sadd.s32 $0x30C0, s2  }
0x12: {  	s21 =	simm.s32 $0x13880;
	s2 =	sadd.s32 $0x64B40, s2;
	[dreg:$0x8] =	wrdreg s11  }
0x13: {  	s7 =	simm.s32 $0x0;
	s0 =	sadd.s32 $0xF8200, s0;
	[dreg:$0x9] =	wrdreg s2  }
0x14: {  	s8 =	smov.u32 s6;
	s11 =	sadd.s32 s25, s24;
	[dreg:$0xc] =	wrdreg s0  }
0x15: {  	s2 =	simm.s32 $0x3;
	s14 =	sadd.s32 $0x180, s11;
	s17 =	sadd.s32 $0x30D580, s11  }
0x16: {  	s18 =	sadd.s32 $0x100, s11;
	s23 =	sadd.s32 $0x30D500, s11;
	s24 =	sadd.s32 $0x30D480, s11  }
0x17: {  	s25 =	sadd.s32 $0x80, s11;
	s16 =	sshrl.u32 s14, $0x3;
	s1 =	sshrl.u32 s17, $0x3  }
0x18: {  	s20 =	sshrl.u32 s18, $0x3;
	s26 =	sshrl.u32 s25, $0x3;
	s17 =	simm.s32 $0x4  }
0x19: {  	s18 =	simm.s32 $0x13600;
	s25 =	simm.s32 $0x13980;
	s0 =	sadd.s32 s16, s15  }
0x1a: {  	s19 =	sadd.s32 s1, s15;
	s22 =	sadd.s32 s20, s15;
	[dreg:$0x5] =	wrdreg s0  }
0x1b: {  	s1 =	sshrl.u32 s24, $0x3;
	s20 =	simm.s32 $0x13680;
	[dreg:$0x6] =	wrdreg s19  }
0x1c: {  	s24 =	simm.s32 $0x13780;
	[dreg:$0x7] =	wrdreg s22;
	s0 =	sshrl.u32 s23, $0x3  }
0x1d: {  	s14 =	sadd.s32 s1, s15;
	s19 =	simm.s32 $0x13800;
	s22 =	simm.s32 $0x13700  }
0x1e: {  	s23 =	simm.s32 $0x13900;
	s1 =	simm.s32 $0x2;
	s13 =	sadd.s32 s0, s15  }
0x1f: {  	s15 =	sadd.s32 s26, s15;
	s26 =	simm.s32 $0x1;
	s0 =	simm.s32 $0x13200  }
.LBB2_1:
0x20: {  	s6 =	rddreg [dreg:$0x1]  }
0x21: {  	[tilespmem:s9], [sflag:$0x4] =	stream.linear.gather [hbm4b:s6+s4], $0xC400, $0x38;
	[tilespmem:$0x13A00] =	vst v63  }
0x22: {  	_ =	swait.ge [sflag:s17], $0xC400  }
0x23: {  	[sflag:s17] =	ssyncset.done $0x0  }
0x24: {  	[sflag:s17] =	ssyncadd.s32 $0xFFFF3C00  }
0x25: {  	[spmem:s8] =	stream.linear.scatter [tilespmem:s9], [sflag:$0x4], $0xC400, $0x38;
	[tilespmem:$0x13A00] =	vst v63  }
0x26: {  	_ =	swait.ge [sflag:s17], $0xC400  }
0x27: {  	[sflag:s17] =	ssyncset.done $0x0  }
0x28: {  	[sflag:s17] =	ssyncadd.s32 $0xFFFF3C00  }
0x29: {  	[bflag:$0x0] =	sbarrier.arrive $0xFFFF  }
0x2a: {  	s11 =	rddreg [dreg:$0x4]  }
0x2b: {  	s16 =	smov.u32 s8;
	s8 =	sadd.s32 $0x0, s11  }
0x2c: {  	[tilespmem:s18], [sflag:$0x1] =	stream.linear.gather [hbm4b:s8+s4], $0x80, $0x38;
	[tilespmem:$0x13A00] =	vst v63  }
0x2d: {  	s8 =	sadd.s32 $0x61A80, s8  }
0x2e: {  	[tilespmem:s19], [sflag:$0x1] =	stream.linear.gather [hbm4b:s8+s4], $0x80, $0x38;
	[tilespmem:$0x13A00] =	vst v63  }
0x2f: {  	s12 =	sadd.s32 $0x0, s15  }
0x30: {  	[tilespmem:s20], [sflag:$0x1] =	stream.linear.gather [hbm4b:s12+s4], $0x80, $0x38;
	[tilespmem:$0x13A00] =	vst v63  }
0x31: {  	s10 =	sadd.s32 $0x0, s14;
	s6 =	rddreg [dreg:$0x7]  }
0x32: {  	[tilespmem:s21], [sflag:$0x1] =	stream.linear.gather [hbm4b:s10+s4], $0x80, $0x38;
	[tilespmem:$0x13A00] =	vst v63  }
0x33: {  	s11 =	sadd.s32 $0x0, s6  }
0x34: {  	[tilespmem:s22], [sflag:$0x1] =	stream.linear.gather [hbm4b:s11+s4], $0x80, $0x38;
	[tilespmem:$0x13A00] =	vst v63  }
0x35: {  	s6 =	sadd.s32 $0x0, s13;
	s12 =	rddreg [dreg:$0x5]  }
0x36: {  	[tilespmem:s23], [sflag:$0x1] =	stream.linear.gather [hbm4b:s6+s4], $0x80, $0x38;
	[tilespmem:$0x13A00] =	vst v63  }
0x37: {  	s10 =	rddreg [dreg:$0x6];
	s11 =	sadd.s32 $0x0, s12  }
0x38: {  	[tilespmem:s24], [sflag:$0x1] =	stream.linear.gather [hbm4b:s11+s4], $0x80, $0x38;
	[tilespmem:$0x13A00] =	vst v63  }
0x39: {  	s12 =	sadd.s32 $0x0, s10  }
0x3a: {  	[tilespmem:s25], [sflag:$0x1] =	stream.linear.gather [hbm4b:s12+s4], $0x80, $0x38;
	[tilespmem:$0x13A00] =	vst v63  }
0x3b: {  	_ =	swait.ge [sflag:s26], $0x80  }
0x3c: {  	[sflag:s26] =	ssyncset.done $0x0  }
0x3d: {  	[sflag:s26] =	ssyncadd.s32 $0xFFFFFF80  }
0x3e: {  	_ =	swait.ge [sflag:s26], $0x80  }
0x3f: {  	[sflag:s26] =	ssyncset.done $0x0  }
0x40: {  	[sflag:s26] =	ssyncadd.s32 $0xFFFFFF80  }
0x41: {  	_ =	swait.ge [sflag:s26], $0x80  }
0x42: {  	[sflag:s26] =	ssyncset.done $0x0  }
0x43: {  	[sflag:s26] =	ssyncadd.s32 $0xFFFFFF80  }
0x44: {  	_ =	swait.ge [sflag:s26], $0x80  }
0x45: {  	[sflag:s26] =	ssyncset.done $0x0  }
0x46: {  	[sflag:s26] =	ssyncadd.s32 $0xFFFFFF80  }
0x47: {  	_ =	swait.ge [sflag:s26], $0x80  }
0x48: {  	[sflag:s26] =	ssyncset.done $0x0  }
0x49: {  	[sflag:s26] =	ssyncadd.s32 $0xFFFFFF80  }
0x4a: {  	_ =	swait.ge [sflag:s26], $0x80  }
0x4b: {  	[sflag:s26] =	ssyncset.done $0x0  }
0x4c: {  	[sflag:s26] =	ssyncadd.s32 $0xFFFFFF80  }
0x4d: {  	_ =	swait.ge [sflag:s26], $0x80  }
0x4e: {  	[sflag:s26] =	ssyncset.done $0x0  }
0x4f: {  	[sflag:s26] =	ssyncadd.s32 $0xFFFFFF80  }
0x50: {  	_ =	swait.ge [sflag:s26], $0x80  }
0x51: {  	[sflag:s26] =	ssyncset.done $0x0  }
0x52: {  	[sflag:s26] =	ssyncadd.s32 $0xFFFFFF80  }
0x53: {  	[tilespmem:s29], [sflag:$0x2] =	stream.indirect.gather [hbm4b:s5+s28], $0x4, s18, s28, $0xb8;
	[tilespmem:$0x13A00] =	vst v63  }
0x54: {  	_ = 	snop  }
0x55: {  	[tilespmem:s30], [sflag:$0x2] =	stream.indirect.gather [hbm4b:s5+s28], $0x4, s20, s28, $0xb8;
	[tilespmem:$0x13A00] =	vst v63  }
0x56: {  	_ = 	snop  }
0x57: {  	[tilespmem:s31], [sflag:$0x2] =	stream.indirect.gather [hbm4b:s5+s28], $0x4, s22, s28, $0xb8;
	[tilespmem:$0x13A00] =	vst v63  }
0x58: {  	_ = 	snop  }
0x59: {  	[tilespmem:s0], [sflag:$0x2] =	stream.indirect.gather [hbm4b:s5+s28], $0x4, s24, s28, $0xb8;
	[tilespmem:$0x13A00] =	vst v63  }
0x5a: {  	_ =	swait.ge [sflag:s1], $0x200  }
0x5b: {  	[sflag:s1] =	ssyncset.done $0x0  }
0x5c: {  	[sflag:s1] =	ssyncadd.s32 $0xFFFFFE00  }
0x5d: {  	_ =	swait.ge [sflag:s1], $0x200  }
0x5e: {  	[sflag:s1] =	ssyncset.done $0x0  }
0x5f: {  	[sflag:s1] =	ssyncadd.s32 $0xFFFFFE00  }
0x60: {  	_ =	swait.ge [sflag:s1], $0x200  }
0x61: {  	[sflag:s1] =	ssyncset.done $0x0  }
0x62: {  	[sflag:s1] =	ssyncadd.s32 $0xFFFFFE00  }
0x63: {  	_ =	swait.ge [sflag:s1], $0x200  }
0x64: {  	[sflag:s1] =	ssyncset.done $0x0  }
0x65: {  	[sflag:s1] =	ssyncadd.s32 $0xFFFFFE00  }
0x66: {  	[spmem:s3] =	stream.indirect.scatter.add.f32 [tilespmem:s29], [sflag:$0x3], $0x4, s19, s28, $0xb8;
	[tilespmem:$0x13A00] =	vst v63  }
0x67: {  	_ = 	snop  }
0x68: {  	[spmem:s3] =	stream.indirect.scatter.add.f32 [tilespmem:s30], [sflag:$0x3], $0x4, s21, s28, $0xb8;
	[tilespmem:$0x13A00] =	vst v63  }
0x69: {  	_ = 	snop  }
0x6a: {  	[spmem:s3] =	stream.indirect.scatter.add.f32 [tilespmem:s31], [sflag:$0x3], $0x4, s23, s28, $0xb8;
	[tilespmem:$0x13A00] =	vst v63  }
0x6b: {  	_ = 	snop  }
0x6c: {  	[spmem:s3] =	stream.indirect.scatter.add.f32 [tilespmem:s0], [sflag:$0x3], $0x4, s25, s28, $0xb8;
	[tilespmem:$0x13A00] =	vst v63  }
0x6d: {  	_ =	swait.ge [sflag:s2], $0x200  }
0x6e: {  	[sflag:s2] =	ssyncset.done $0x0  }
0x6f: {  	[sflag:s2] =	ssyncadd.s32 $0xFFFFFE00  }
0x70: {  	_ =	swait.ge [sflag:s2], $0x200  }
0x71: {  	[sflag:s2] =	ssyncset.done $0x0  }
0x72: {  	[sflag:s2] =	ssyncadd.s32 $0xFFFFFE00  }
0x73: {  	_ =	swait.ge [sflag:s2], $0x200  }
0x74: {  	[sflag:s2] =	ssyncset.done $0x0  }
0x75: {  	[sflag:s2] =	ssyncadd.s32 $0xFFFFFE00  }
0x76: {  	s9 =	simm.s32 $0x80;
	_ =	swait.ge [sflag:s2], $0x200  }
0x77: {  	s8 =	simm.s32 $0x40;
	s10 =	rddreg [dreg:$0x4];
	[sflag:s2] =	ssyncset.done $0x0  }
.LBB2_2:
0x78: {  	[sflag:s2] =	ssyncadd.s32 $0xFFFFFE00;
	s10 =	sadd.s32 s8, s10  }
0x79: {  	[tilespmem:s18], [sflag:$0x1] =	stream.linear.gather [hbm4b:s10+s4], $0x80, $0x38;
	[tilespmem:$0x13A00] =	vst v63  }
0x7a: {  	s10 =	sadd.s32 $0x61A80, s10  }
0x7b: {  	[tilespmem:s19], [sflag:$0x1] =	stream.linear.gather [hbm4b:s10+s4], $0x80, $0x38;
	[tilespmem:$0x13A00] =	vst v63  }
0x7c: {  	s6 =	sadd.s32 s8, s15  }
0x7d: {  	[tilespmem:s20], [sflag:$0x1] =	stream.linear.gather [hbm4b:s6+s4], $0x80, $0x38;
	[tilespmem:$0x13A00] =	vst v63  }
0x7e: {  	s12 =	rddreg [dreg:$0x7];
	s6 =	sadd.s32 s8, s14  }
0x7f: {  	[tilespmem:s21], [sflag:$0x1] =	stream.linear.gather [hbm4b:s6+s4], $0x80, $0x38;
	[tilespmem:$0x13A00] =	vst v63  }
0x80: {  	s6 =	sadd.s32 s8, s12  }
0x81: {  	[tilespmem:s22], [sflag:$0x1] =	stream.linear.gather [hbm4b:s6+s4], $0x80, $0x38;
	[tilespmem:$0x13A00] =	vst v63  }
0x82: {  	s10 =	sadd.s32 s8, s13;
	s12 =	rddreg [dreg:$0x5]  }
0x83: {  	[tilespmem:s23], [sflag:$0x1] =	stream.linear.gather [hbm4b:s10+s4], $0x80, $0x38;
	[tilespmem:$0x13A00] =	vst v63  }
0x84: {  	s12 =	sadd.s32 s8, s12;
	s6 =	rddreg [dreg:$0x6]  }
0x85: {  	[tilespmem:s24], [sflag:$0x1] =	stream.linear.gather [hbm4b:s12+s4], $0x80, $0x38;
	[tilespmem:$0x13A00] =	vst v63  }
0x86: {  	s6 =	sadd.s32 s8, s6  }
0x87: {  	[tilespmem:s25], [sflag:$0x1] =	stream.linear.gather [hbm4b:s6+s4], $0x80, $0x38;
	[tilespmem:$0x13A00] =	vst v63  }
0x88: {  	_ =	swait.ge [sflag:s26], $0x80  }
0x89: {  	[sflag:s26] =	ssyncset.done $0x0  }
0x8a: {  	[sflag:s26] =	ssyncadd.s32 $0xFFFFFF80  }
0x8b: {  	_ =	swait.ge [sflag:s26], $0x80  }
0x8c: {  	[sflag:s26] =	ssyncset.done $0x0  }
0x8d: {  	[sflag:s26] =	ssyncadd.s32 $0xFFFFFF80  }
0x8e: {  	_ =	swait.ge [sflag:s26], $0x80  }
0x8f: {  	[sflag:s26] =	ssyncset.done $0x0  }
0x90: {  	[sflag:s26] =	ssyncadd.s32 $0xFFFFFF80  }
0x91: {  	_ =	swait.ge [sflag:s26], $0x80  }
0x92: {  	[sflag:s26] =	ssyncset.done $0x0  }
0x93: {  	[sflag:s26] =	ssyncadd.s32 $0xFFFFFF80  }
0x94: {  	_ =	swait.ge [sflag:s26], $0x80  }
0x95: {  	[sflag:s26] =	ssyncset.done $0x0  }
0x96: {  	[sflag:s26] =	ssyncadd.s32 $0xFFFFFF80  }
0x97: {  	_ =	swait.ge [sflag:s26], $0x80  }
0x98: {  	[sflag:s26] =	ssyncset.done $0x0  }
0x99: {  	[sflag:s26] =	ssyncadd.s32 $0xFFFFFF80  }
0x9a: {  	_ =	swait.ge [sflag:s26], $0x80  }
0x9b: {  	[sflag:s26] =	ssyncset.done $0x0  }
0x9c: {  	[sflag:s26] =	ssyncadd.s32 $0xFFFFFF80  }
0x9d: {  	_ =	swait.ge [sflag:s26], $0x80  }
0x9e: {  	[sflag:s26] =	ssyncset.done $0x0  }
0x9f: {  	[sflag:s26] =	ssyncadd.s32 $0xFFFFFF80  }
0xa0: {  	[tilespmem:s29], [sflag:$0x2] =	stream.indirect.gather [hbm4b:s5+s28], $0x4, s18, s28, $0xb8;
	[tilespmem:$0x13A00] =	vst v63  }
0xa1: {  	_ = 	snop  }
0xa2: {  	[tilespmem:s30], [sflag:$0x2] =	stream.indirect.gather [hbm4b:s5+s28], $0x4, s20, s28, $0xb8;
	[tilespmem:$0x13A00] =	vst v63  }
0xa3: {  	_ = 	snop  }
0xa4: {  	[tilespmem:s31], [sflag:$0x2] =	stream.indirect.gather [hbm4b:s5+s28], $0x4, s22, s28, $0xb8;
	[tilespmem:$0x13A00] =	vst v63  }
0xa5: {  	_ = 	snop  }
0xa6: {  	[tilespmem:s0], [sflag:$0x2] =	stream.indirect.gather [hbm4b:s5+s28], $0x4, s24, s28, $0xb8;
	[tilespmem:$0x13A00] =	vst v63  }
0xa7: {  	_ =	swait.ge [sflag:s1], $0x200  }
0xa8: {  	[sflag:s1] =	ssyncset.done $0x0  }
0xa9: {  	[sflag:s1] =	ssyncadd.s32 $0xFFFFFE00  }
0xaa: {  	_ =	swait.ge [sflag:s1], $0x200  }
0xab: {  	[sflag:s1] =	ssyncset.done $0x0  }
0xac: {  	[sflag:s1] =	ssyncadd.s32 $0xFFFFFE00  }
0xad: {  	_ =	swait.ge [sflag:s1], $0x200  }
0xae: {  	[sflag:s1] =	ssyncset.done $0x0  }
0xaf: {  	[sflag:s1] =	ssyncadd.s32 $0xFFFFFE00  }
0xb0: {  	_ =	swait.ge [sflag:s1], $0x200  }
0xb1: {  	[sflag:s1] =	ssyncset.done $0x0  }
0xb2: {  	[sflag:s1] =	ssyncadd.s32 $0xFFFFFE00  }
0xb3: {  	[spmem:s3] =	stream.indirect.scatter.add.f32 [tilespmem:s29], [sflag:$0x3], $0x4, s19, s28, $0xb8;
	[tilespmem:$0x13A00] =	vst v63  }
0xb4: {  	_ = 	snop  }
0xb5: {  	[spmem:s3] =	stream.indirect.scatter.add.f32 [tilespmem:s30], [sflag:$0x3], $0x4, s21, s28, $0xb8;
	[tilespmem:$0x13A00] =	vst v63  }
0xb6: {  	_ = 	snop  }
0xb7: {  	[spmem:s3] =	stream.indirect.scatter.add.f32 [tilespmem:s31], [sflag:$0x3], $0x4, s23, s28, $0xb8;
	[tilespmem:$0x13A00] =	vst v63  }
0xb8: {  	_ = 	snop  }
0xb9: {  	[spmem:s3] =	stream.indirect.scatter.add.f32 [tilespmem:s0], [sflag:$0x3], $0x4, s25, s28, $0xb8;
	[tilespmem:$0x13A00] =	vst v63  }
0xba: {  	_ =	swait.ge [sflag:s2], $0x200  }
0xbb: {  	[sflag:s2] =	ssyncset.done $0x0  }
0xbc: {  	[sflag:s2] =	ssyncadd.s32 $0xFFFFFE00  }
0xbd: {  	_ =	swait.ge [sflag:s2], $0x200  }
0xbe: {  	[sflag:s2] =	ssyncset.done $0x0  }
0xbf: {  	p1 =	sne.s32 s9, $0x3080;
	[sflag:s2] =	ssyncadd.s32 $0xFFFFFE00  }
.Ltmp0:
0xc0: {  	_ =	swait.ge [sflag:s2], $0x200;
	(pc) =	sbr.rel @p1 .LBB2_2-.Ltmp0, $4  }
0xc1: {  	[sflag:s2] =	ssyncset.done $0x0  }
0xc2: {  	[sflag:s2] =	ssyncadd.s32 $0xFFFFFE00  }
0xc3: {  	s11 =	smov.u32 s9;
	s9 =	sadd.s32 $0x40, s9;
	_ =	swait.ge [sflag:s2], $0x200  }
0xc4: {  	s8 =	smov.u32 s11;
	s10 =	rddreg [dreg:$0x4];
	[sflag:s2] =	ssyncset.done $0x0  }
0xc5: {  	[sflag:s2] =	ssyncadd.s32 $0xFFFFFE00;
	s6 =	sadd.s32 s8, s10  }
0xc6: {  	[tilespmem:s18], [sflag:$0x1] =	stream.linear.gather [hbm4b:s6+s4], $0x80, $0x38;
	[tilespmem:$0x13A00] =	vst v63  }
0xc7: {  	s6 =	sadd.s32 $0x61A80, s6  }
0xc8: {  	[tilespmem:s19], [sflag:$0x1] =	stream.linear.gather [hbm4b:s6+s4], $0x80, $0x38;
	[tilespmem:$0x13A00] =	vst v63  }
0xc9: {  	s12 =	sadd.s32 s8, s15  }
0xca: {  	[tilespmem:s20], [sflag:$0x1] =	stream.linear.gather [hbm4b:s12+s4], $0x80, $0x38;
	[tilespmem:$0x13A00] =	vst v63  }
0xcb: {  	s9 =	rddreg [dreg:$0x7];
	s10 =	sadd.s32 s8, s14  }
0xcc: {  	[tilespmem:s21], [sflag:$0x1] =	stream.linear.gather [hbm4b:s10+s4], $0x80, $0x38;
	[tilespmem:$0x13A00] =	vst v63  }
0xcd: {  	s11 =	sadd.s32 s8, s9  }
0xce: {  	[tilespmem:s22], [sflag:$0x1] =	stream.linear.gather [hbm4b:s11+s4], $0x80, $0x38;
	[tilespmem:$0x13A00] =	vst v63  }
0xcf: {  	s12 =	rddreg [dreg:$0x5];
	s10 =	sadd.s32 s8, s13  }
0xd0: {  	[tilespmem:s23], [sflag:$0x1] =	stream.linear.gather [hbm4b:s10+s4], $0x80, $0x38;
	[tilespmem:$0x13A00] =	vst v63  }
0xd1: {  	s12 =	sadd.s32 s8, s12;
	s11 =	rddreg [dreg:$0x6]  }
0xd2: {  	[tilespmem:s24], [sflag:$0x1] =	stream.linear.gather [hbm4b:s12+s4], $0x80, $0x38;
	[tilespmem:$0x13A00] =	vst v63  }
0xd3: {  	s9 =	sadd.s32 s8, s11  }
0xd4: {  	[tilespmem:s25], [sflag:$0x1] =	stream.linear.gather [hbm4b:s9+s4], $0x80, $0x38;
	[tilespmem:$0x13A00] =	vst v63  }
0xd5: {  	_ =	swait.ge [sflag:s26], $0x80  }
0xd6: {  	[sflag:s26] =	ssyncset.done $0x0  }
0xd7: {  	[sflag:s26] =	ssyncadd.s32 $0xFFFFFF80  }
0xd8: {  	_ =	swait.ge [sflag:s26], $0x80  }
0xd9: {  	[sflag:s26] =	ssyncset.done $0x0  }
0xda: {  	[sflag:s26] =	ssyncadd.s32 $0xFFFFFF80  }
0xdb: {  	_ =	swait.ge [sflag:s26], $0x80  }
0xdc: {  	[sflag:s26] =	ssyncset.done $0x0  }
0xdd: {  	[sflag:s26] =	ssyncadd.s32 $0xFFFFFF80  }
0xde: {  	_ =	swait.ge [sflag:s26], $0x80  }
0xdf: {  	[sflag:s26] =	ssyncset.done $0x0  }
0xe0: {  	[sflag:s26] =	ssyncadd.s32 $0xFFFFFF80  }
0xe1: {  	_ =	swait.ge [sflag:s26], $0x80  }
0xe2: {  	[sflag:s26] =	ssyncset.done $0x0  }
0xe3: {  	[sflag:s26] =	ssyncadd.s32 $0xFFFFFF80  }
0xe4: {  	_ =	swait.ge [sflag:s26], $0x80  }
0xe5: {  	[sflag:s26] =	ssyncset.done $0x0  }
0xe6: {  	[sflag:s26] =	ssyncadd.s32 $0xFFFFFF80  }
0xe7: {  	_ =	swait.ge [sflag:s26], $0x80  }
0xe8: {  	[sflag:s26] =	ssyncset.done $0x0  }
0xe9: {  	[sflag:s26] =	ssyncadd.s32 $0xFFFFFF80  }
0xea: {  	_ =	swait.ge [sflag:s26], $0x80  }
0xeb: {  	[sflag:s26] =	ssyncset.done $0x0  }
0xec: {  	[sflag:s26] =	ssyncadd.s32 $0xFFFFFF80  }
0xed: {  	[tilespmem:s29], [sflag:$0x2] =	stream.indirect.gather [hbm4b:s5+s28], $0x4, s18, s28, $0xb8;
	[tilespmem:$0x13A00] =	vst v63  }
0xee: {  	_ = 	snop  }
0xef: {  	[tilespmem:s30], [sflag:$0x2] =	stream.indirect.gather [hbm4b:s5+s28], $0x4, s20, s28, $0xb8;
	[tilespmem:$0x13A00] =	vst v63  }
0xf0: {  	_ = 	snop  }
0xf1: {  	[tilespmem:s31], [sflag:$0x2] =	stream.indirect.gather [hbm4b:s5+s28], $0x4, s22, s28, $0xb8;
	[tilespmem:$0x13A00] =	vst v63  }
0xf2: {  	_ = 	snop  }
0xf3: {  	[tilespmem:s0], [sflag:$0x2] =	stream.indirect.gather [hbm4b:s5+s28], $0x4, s24, s28, $0xb8;
	[tilespmem:$0x13A00] =	vst v63  }
0xf4: {  	_ =	swait.ge [sflag:s1], $0x200  }
0xf5: {  	[sflag:s1] =	ssyncset.done $0x0  }
0xf6: {  	[sflag:s1] =	ssyncadd.s32 $0xFFFFFE00  }
0xf7: {  	_ =	swait.ge [sflag:s1], $0x200  }
0xf8: {  	[sflag:s1] =	ssyncset.done $0x0  }
0xf9: {  	[sflag:s1] =	ssyncadd.s32 $0xFFFFFE00  }
0xfa: {  	_ =	swait.ge [sflag:s1], $0x200  }
0xfb: {  	[sflag:s1] =	ssyncset.done $0x0  }
0xfc: {  	[sflag:s1] =	ssyncadd.s32 $0xFFFFFE00  }
0xfd: {  	_ =	swait.ge [sflag:s1], $0x200  }
0xfe: {  	[sflag:s1] =	ssyncset.done $0x0  }
0xff: {  	[sflag:s1] =	ssyncadd.s32 $0xFFFFFE00  }
0x100: {  	[spmem:s3] =	stream.indirect.scatter.add.f32 [tilespmem:s29], [sflag:$0x3], $0x4, s19, s28, $0xb8;
	[tilespmem:$0x13A00] =	vst v63  }
0x101: {  	_ = 	snop  }
0x102: {  	[spmem:s3] =	stream.indirect.scatter.add.f32 [tilespmem:s30], [sflag:$0x3], $0x4, s21, s28, $0xb8;
	[tilespmem:$0x13A00] =	vst v63  }
0x103: {  	_ = 	snop  }
0x104: {  	[spmem:s3] =	stream.indirect.scatter.add.f32 [tilespmem:s31], [sflag:$0x3], $0x4, s23, s28, $0xb8;
	[tilespmem:$0x13A00] =	vst v63  }
0x105: {  	_ = 	snop  }
0x106: {  	[spmem:s3] =	stream.indirect.scatter.add.f32 [tilespmem:s0], [sflag:$0x3], $0x4, s25, s28, $0xb8;
	[tilespmem:$0x13A00] =	vst v63  }
0x107: {  	_ =	swait.ge [sflag:s2], $0x200  }
0x108: {  	[sflag:s2] =	ssyncset.done $0x0  }
0x109: {  	[sflag:s2] =	ssyncadd.s32 $0xFFFFFE00  }
0x10a: {  	_ =	swait.ge [sflag:s2], $0x200  }
0x10b: {  	[sflag:s2] =	ssyncset.done $0x0  }
0x10c: {  	[sflag:s2] =	ssyncadd.s32 $0xFFFFFE00  }
0x10d: {  	_ =	swait.ge [sflag:s2], $0x200  }
0x10e: {  	[sflag:s2] =	ssyncset.done $0x0  }
0x10f: {  	[sflag:s2] =	ssyncadd.s32 $0xFFFFFE00  }
0x110: {  	_ =	swait.ge [sflag:s2], $0x200  }
0x111: {  	[sflag:s2] =	ssyncset.done $0x0  }
0x112: {  	s10 =	rddreg [dreg:$0x8];
	[sflag:s2] =	ssyncadd.s32 $0xFFFFFE00  }
0x113: {  	[tilespmem:s18], [sflag:$0x4] =	stream.linear.gather [hbm4b:s10+s4], $0x80, $0x38;
	[tilespmem:$0x13A00] =	vst v63  }
0x114: {  	_ =	swait.ge [sflag:s17], $0x80  }
0x115: {  	[sflag:s17] =	ssyncset.done $0x0  }
0x116: {  	s11 =	rddreg [dreg:$0x9];
	[sflag:s17] =	ssyncadd.s32 $0xFFFFFF80  }
0x117: {  	[tilespmem:s19], [sflag:$0x4] =	stream.linear.gather [hbm4b:s11+s4], $0x80, $0x38;
	[tilespmem:$0x13A00] =	vst v63  }
0x118: {  	_ =	swait.ge [sflag:s17], $0x80  }
0x119: {  	[sflag:s17] =	ssyncset.done $0x0  }
0x11a: {  	[sflag:s17] =	ssyncadd.s32 $0xFFFFFF80  }
0x11b: {  	[tilespmem:s29], [sflag:$0x4] =	stream.indirect.gather [hbm4b:s5+s28], $0x4, s18, s28, $0xb8;
	[tilespmem:$0x13A00] =	vst v63  }
0x11c: {  	_ =	swait.ge [sflag:s17], $0x200  }
0x11d: {  	[sflag:s17] =	ssyncset.done $0x0  }
0x11e: {  	[sflag:s17] =	ssyncadd.s32 $0xFFFFFE00  }
0x11f: {  	[spmem:s3] =	stream.indirect.scatter.add.f32 [tilespmem:s29], [sflag:$0x4], $0x4, s19, s28, $0xb8;
	[tilespmem:$0x13A00] =	vst v63  }
0x120: {  	_ =	swait.ge [sflag:s17], $0x200  }
0x121: {  	s6 =	simm.s32 @!p0 $0x0;
	[sflag:s17] =	ssyncset.done $0x0  }
0x122: {  	s8 =	simm.s32 @!p0 $0x13600;
	s9 =	rddreg [dreg:$0xa];
	[sflag:s17] =	ssyncadd.s32 $0xFFFFFE00  }
0x123: {  	[tilespmem:s8], [sflag:$0x4] =	stream.linear.gather @!p0 [hbm4b:s9+s6], $0x80, $0x38;
	[tilespmem:$0x13A00] =	vst v63  }
0x124: {  	s9 =	simm.s32 @!p0 $0x4  }
0x125: {  	_ =	swait.ge @!p0 [sflag:s9], $0x80  }
0x126: {  	[sflag:s9] =	ssyncset.done @!p0 $0x0  }
0x127: {  	s10 =	simm.s32 @!p0 $0x13800;
	s11 =	rddreg [dreg:$0xb];
	[sflag:s9] =	ssyncadd.s32 @!p0 $0xFFFFFF80  }
0x128: {  	[tilespmem:s10], [sflag:$0x4] =	stream.linear.gather @!p0 [hbm4b:s11+s6], $0x80, $0x38;
	[tilespmem:$0x13A00] =	vst v63  }
0x129: {  	_ =	swait.ge @!p0 [sflag:s9], $0x80  }
0x12a: {  	[sflag:s9] =	ssyncset.done @!p0 $0x0  }
0x12b: {  	s6 =	simm.s32 @!p0 $0x80;
	s11 =	simm.s32 @!p0 $0x12600;
	[sflag:s9] =	ssyncadd.s32 @!p0 $0xFFFFFF80  }
0x12c: {  	[tilespmem:s11], [sflag:$0x4] =	stream.indirect.gather @!p0 [hbm4b:s5+s6], $0x4, s8, s6, $0xb8;
	[tilespmem:$0x13A00] =	vst v63  }
0x12d: {  	_ =	swait.ge @!p0 [sflag:s9], $0x200  }
0x12e: {  	[sflag:s9] =	ssyncset.done @!p0 $0x0  }
0x12f: {  	[sflag:s9] =	ssyncadd.s32 @!p0 $0xFFFFFE00  }
0x130: {  	[spmem:s3] =	stream.indirect.scatter.add.f32 @!p0 [tilespmem:s11], [sflag:$0x4], $0x4, s10, s6, $0xb8;
	[tilespmem:$0x13A00] =	vst v63  }
0x131: {  	_ =	swait.ge @!p0 [sflag:s9], $0x200  }
0x132: {  	[sflag:s9] =	ssyncset.done @!p0 $0x0  }
0x133: {  	[sflag:s9] =	ssyncadd.s32 @!p0 $0xFFFFFE00  }
0x134: {  	s9 =	simm.s32 $0x6200;
	[bflag:$0x0] =	sbarrier.arrive $0xFFFF  }
0x135: {  	[tilespmem:s9], [sflag:$0x4] =	stream.linear.gather [spmem:s16], $0xC400, $0x38;
	[tilespmem:$0x13A00] =	vst v63  }
0x136: {  	_ =	swait.ge [sflag:s17], $0xC400  }
0x137: {  	[sflag:s17] =	ssyncset.done $0x0  }
0x138: {  	s12 =	rddreg [dreg:$0xc];
	[sflag:s17] =	ssyncadd.s32 $0xFFFF3C00  }
0x139: {  	[hbm4b:s12+s4] =	stream.linear.scatter [tilespmem:s9], [sflag:$0x4], $0xC400, $0x38;
	[tilespmem:$0x13A00] =	vst v63  }
0x13a: {  	_ =	swait.ge [sflag:s17], $0xC400  }
0x13b: {  	s7 =	sadd.s32 $0x1, s7;
	s8 =	smov.u32 s16;
	s16 =	rddreg [dreg:$0xd]  }
0x13c: {  	p1 =	sne.s32 s7, s16  }
.Ltmp1:
0x13d: {  	_ = 	snop;
	(pc) =	sbr.rel @p1 .LBB2_1-.Ltmp1, $3  }
0x13e: {  	_ =	sdelay $0x1  }
0x13f: {  	[sflag:s17] =	ssyncset.done $0x0  }
0x140: {  	[sflag:s17] =	ssyncadd.s32 $0xFFFF3C00  }
0x141: {  	_ =	sfence.sel $0x180000  }
0x142: {  	[bflag:$0x0] =	sbarrier.arrive $0xFFFF  }
0x143: {  	_ =	strace $0x9000004A  }
0x144: {  	s0 =	stileid.u32;
	[bflag:$0x2] =	sbarrier.arrive $0xFFFF  }
0x145: {  	p0 =	sne.s32 s0, $0x0;
	s0 =	rddreg [dreg:$0x3]  }
0x146: {  	s0 =	sadd.s32 @!p0 $0x100000, s0  }
0x147: {  	[sflag:s0] =	ssyncadd.tile.s32 @!p0 $0x1;
	_ =	shalt  }
.Lfunc_end2:
_tile_overlayer_lowered:
.L_overlay_start_2:
0x148: {  	(tag) =	ssettag $0x2  }
0x149: {  	s0 =	rddreg [dreg:$0x0];
	s2 =	stileid.u32  }
0x14a: {  	s1 =	rddreg [dreg:$0x1];
	p0 =	sne.s32 s2, $0x0  }
0x14b: {  	s3 =	rddreg [dreg:$0x2];
	[bflag:$0x3] =	sbarrier.arrive $0xFFFF;
	s2 =	simm.s32 @!p0 $0x1C04  }
0x14c: {  	[timem:s3], [sflag:s2] =	dma.local @!p0 [hbm:s0], s1  }
0x14d: {  	s0 =	simm.s32 @!p0 $0x4  }
0x14e: {  	_ =	swait.ge @!p0 [sflag:s0], s1  }
0x14f: {  	s1 =	ssub.s32 @!p0 $0x0, s1;
	[sflag:s0] =	ssyncset.done @!p0 $0x0  }
0x150: {  	[sflag:s0] =	ssyncadd.s32 @!p0 s1  }
0x151: {  	[bflag:$0x3] =	sbarrier.arrive $0xFFFF  }
0x152: {  	_ =	shalt  }

</sc_bundles>
